<compile_context>
chip_gen: v7x
topology: tpu7x:2x2x1
jax: 0.10.2.dev20260603
libtpu: 0.0.44.dev20260713+nightly
codegen_flags: <defaults>
</compile_context>

<pallas_src>
import functools

import jax
import jax.numpy as jnp
from jax import lax
from jax.experimental import pallas as pl
from jax.experimental.pallas import tpu as pltpu
from jax.experimental.pallas import tpu_sc as plsc

_L, _D, _B = 160, 512, 1024
_NC, _NS = 2, 16
_NW = _NC * _NS
_RPW = _L // _NW
_BT = 64
_NWR = _B // _BT


def _sc_broadcast(table_hbm, out_hbm, idx_v, tile0, tile1, sem_g, sem_w):
    wid = lax.axis_index("s") * _NC + lax.axis_index("c")
    r0 = wid * _RPW
    tiles = (tile0, tile1)
    pending = []
    for i in range(_RPW):
        r = r0 + i
        tile = tiles[i % 2]
        if i >= 2:
            for cp in pending[(i - 2) * _NWR:(i - 1) * _NWR]:
                cp.wait()
        for j in range(_BT // 16):
            idx_v[pl.ds(j * 16, 16)] = jnp.full((16,), r, jnp.int32)
        pltpu.async_copy(table_hbm.at[idx_v], tile, sem_g).wait()
        for jb in range(_NWR):
            cp = pltpu.make_async_copy(
                tile, out_hbm.at[r, pl.ds(jb * _BT, _BT), :], sem_w)
            cp.start()
            pending.append(cp)
    for cp in pending[(_RPW - 2) * _NWR:]:
        cp.wait()


@functools.partial(jax.jit, static_argnums=())
def _run_sc(embed_weight):
    k = functools.partial(
        pl.kernel,
        mesh=plsc.VectorSubcoreMesh(core_axis_name="c", subcore_axis_name="s"),
        out_type=jax.ShapeDtypeStruct((_L, _B, _D), jnp.float32),
        scratch_types=[
            pltpu.VMEM((_BT,), jnp.int32),
            pltpu.VMEM((_BT, _D), jnp.float32),
            pltpu.VMEM((_BT, _D), jnp.float32),
            pltpu.SemaphoreType.DMA,
            pltpu.SemaphoreType.DMA,
        ],
    )(_sc_broadcast)
    return k(embed_weight)


def kernel(mask, embed_weight):
    del mask
    return _run_sc(embed_weight)

# --- scband reference (transcript-rebuilt; emitter-appended) ---
"""Pipeline reference for scband-position-embedding-learned-1-d-30331059044495 (READ-ONLY COPY).

The authoritative reference and input builder live on the scoring server;
editing this copy changes nothing except your own understanding.
"""

import jax, jax.numpy as jnp
import numpy as np


def setup_inputs(seed: int = 0) -> dict:
    key = jax.random.key(seed)
    k1, k2 = jax.random.split(key)
    mask = jnp.zeros((1024, 160), dtype=jnp.bool_)
    # nn.Embedding(160, num_pos_feats*2) with uniform_ init -> U[0,1)
    embed_weight = jax.random.uniform(k1, (160, 512), dtype=jnp.float32)
    return {"mask": mask, "embed_weight": embed_weight}


def reference(mask, embed_weight):
    # l = mask.shape[-1]; position = arange(l)
    l = mask.shape[-1]
    position = jnp.arange(l)
    # emb = self.embed(position)  -> gather rows from table
    emb = jnp.take(embed_weight, position, axis=0)  # [l, 2*num_pos_feats]
    # pe = emb.unsqueeze(0).repeat(B, 1, 1).permute(1, 0, 2) -> [l, B, 2*num_pos_feats]
    b = mask.shape[0]
    pe = jnp.transpose(jnp.tile(emb[None, :, :], (b, 1, 1)), (1, 0, 2))
    return pe

if __name__ == "__main__":
    import jax
    _d = setup_inputs()
    print(jax.jit(kernel)(*tuple(_d.values())))

</pallas_src>

<mosaic_0001>
#map = affine_map<(d0, d1) -> (0, 0)>
#map1 = affine_map<(d0, d1) -> (0, 0, 0)>
module attributes {stable_mosaic.version = 14 : i64} {
  func.func @_sc_broadcast(%arg0: i32, %arg1: i32, %arg2: memref<160x512xf32, #tpu.memory_space<hbm>>, %arg3: memref<160x1024x512xf32, #tpu.memory_space<hbm>>, %arg4: memref<64xi32, #tpu.memory_space<vmem>>, %arg5: memref<64x512xf32, #tpu.memory_space<vmem>>, %arg6: memref<64x512xf32, #tpu.memory_space<vmem>>, %arg7: memref<!tpu.dma_semaphore, #tpu.memory_space<semaphore_mem>>, %arg8: memref<!tpu.dma_semaphore, #tpu.memory_space<semaphore_mem>>) attributes {dimension_semantics = [#tpu.dimension_semantics<core_parallel>, #tpu.dimension_semantics<subcore_parallel>], iteration_bounds = array<i64: 2, 16>, scalar_prefetch = 0 : i64, scratch_operands = 5 : i64, tpu.core_type = #tpu.core_type<sc_vector_subcore>, window_params = [{transform_indices = #map}, {transform_indices = #map1}]} {
    %mul3A = arith.constant 2 : i32
    %mul3A_0 = arith.muli %arg1, %mul3A : i32
    %add3A = arith.addi %mul3A_0, %arg0 : i32
    %mul3A_1 = arith.constant 5 : i32
    %mul3A_2 = arith.muli %add3A, %mul3A_1 : i32
    %add3A_3 = arith.constant 0 : i32
    %add3A_4 = arith.addi %mul3A_2, %add3A_3 : i32
    %broadcast_in_dim3A = vector.broadcast %add3A_4 : i32 to vector<16xi32>
    %swap3A = arith.constant 0 : index
    %swap3A_5 = tpu.vector_load %arg4[%swap3A] {strides = array<i32>} : memref<64xi32, #tpu.memory_space<vmem>>, vector<16xi32>,
    %swap3A_6 = vector.shape_cast %swap3A_5 : vector<16xi32> to vector<16xi32>
    %swap3A_7 = vector.shape_cast %broadcast_in_dim3A : vector<16xi32> to vector<16xi32>
    tpu.vector_store %arg4[%swap3A], %swap3A_7 {strides = array<i32>} : memref<64xi32, #tpu.memory_space<vmem>>, vector<16xi32>,
    %broadcast_in_dim3A_8 = vector.broadcast %add3A_4 : i32 to vector<16xi32>
    %swap3A_9 = arith.constant 16 : index
    %swap3A_10 = tpu.vector_load %arg4[%swap3A_9] {strides = array<i32>} : memref<64xi32, #tpu.memory_space<vmem>>, vector<16xi32>,
    %swap3A_11 = vector.shape_cast %swap3A_10 : vector<16xi32> to vector<16xi32>
    %swap3A_12 = vector.shape_cast %broadcast_in_dim3A_8 : vector<16xi32> to vector<16xi32>
    tpu.vector_store %arg4[%swap3A_9], %swap3A_12 {strides = array<i32>} : memref<64xi32, #tpu.memory_space<vmem>>, vector<16xi32>,
    %broadcast_in_dim3A_13 = vector.broadcast %add3A_4 : i32 to vector<16xi32>
    %swap3A_14 = arith.constant 32 : index
    %swap3A_15 = tpu.vector_load %arg4[%swap3A_14] {strides = array<i32>} : memref<64xi32, #tpu.memory_space<vmem>>, vector<16xi32>,
    %swap3A_16 = vector.shape_cast %swap3A_15 : vector<16xi32> to vector<16xi32>
    %swap3A_17 = vector.shape_cast %broadcast_in_dim3A_13 : vector<16xi32> to vector<16xi32>
    tpu.vector_store %arg4[%swap3A_14], %swap3A_17 {strides = array<i32>} : memref<64xi32, #tpu.memory_space<vmem>>, vector<16xi32>,
    %broadcast_in_dim3A_18 = vector.broadcast %add3A_4 : i32 to vector<16xi32>
    %swap3A_19 = arith.constant 48 : index
    %swap3A_20 = tpu.vector_load %arg4[%swap3A_19] {strides = array<i32>} : memref<64xi32, #tpu.memory_space<vmem>>, vector<16xi32>,
    %swap3A_21 = vector.shape_cast %swap3A_20 : vector<16xi32> to vector<16xi32>
    %swap3A_22 = vector.shape_cast %broadcast_in_dim3A_18 : vector<16xi32> to vector<16xi32>
    tpu.vector_store %arg4[%swap3A_19], %swap3A_22 {strides = array<i32>} : memref<64xi32, #tpu.memory_space<vmem>>, vector<16xi32>,
    %dma_start3A = arith.constant 0 : i32
    %dma_start3A_23 = arith.constant 0 : i32
    %dma_start3A_24 = tpu.memref_slice %arg2[%dma_start3A, %dma_start3A_23] : memref<160x512xf32, #tpu.memory_space<hbm>> -> memref<160x512xf32, #tpu.memory_space<hbm>>
    tpu.enqueue_indirect_dma source(%dma_start3A_24 : memref<160x512xf32, #tpu.memory_space<hbm>>) target(%arg5 : memref<64x512xf32, #tpu.memory_space<vmem>>) offsets(%arg4 : memref<64xi32, #tpu.memory_space<vmem>>) semaphore(%arg7 : memref<!tpu.dma_semaphore, #tpu.memory_space<semaphore_mem>>)
    %dma_wait3A = arith.constant 0 : i32
    %dma_wait3A_25 = arith.constant 0 : i32
    %dma_wait3A_26 = tpu.memref_slice %arg2[%dma_wait3A, %dma_wait3A_25] : memref<160x512xf32, #tpu.memory_space<hbm>> -> memref<160x512xf32, #tpu.memory_space<hbm>>
    tpu.wait_indirect_dma semaphore(%arg7 : memref<!tpu.dma_semaphore, #tpu.memory_space<semaphore_mem>>) src(%dma_wait3A_26 : memref<160x512xf32, #tpu.memory_space<hbm>>) dst(%arg5 : memref<64x512xf32, #tpu.memory_space<vmem>>)
    %dma_start3A_27 = arith.constant 0 : i32
    %dma_start3A_28 = arith.constant 0 : i32
    %dma_start3A_29 = tpu.memref_slice %arg3[%add3A_4, %dma_start3A_27, %dma_start3A_28] : memref<160x1024x512xf32, #tpu.memory_space<hbm>> -> memref<1x64x512xf32, #tpu.memory_space<hbm>>
    %dma_start3A_30 = tpu.memref_squeeze %dma_start3A_29 : memref<1x64x512xf32, #tpu.memory_space<hbm>> -> memref<64x512xf32, #tpu.memory_space<hbm>>
    %dma_start3A_31 = arith.constant 0 : i32
    %dma_start3A_32 = arith.constant 0 : i32
    %dma_start3A_33 = tpu.memref_slice %arg3[%add3A_4, %dma_start3A_31, %dma_start3A_32] : memref<160x1024x512xf32, #tpu.memory_space<hbm>> -> memref<1x64x512xf32, #tpu.memory_space<hbm>>
    %dma_start3A_34 = tpu.memref_squeeze %dma_start3A_33 : memref<1x64x512xf32, #tpu.memory_space<hbm>> -> memref<64x512xf32, #tpu.memory_space<hbm>>
    tpu.enqueue_dma source(%arg5 : memref<64x512xf32, #tpu.memory_space<vmem>>) target(%dma_start3A_34 : memref<64x512xf32, #tpu.memory_space<hbm>>) target_semaphore(%arg8 : memref<!tpu.dma_semaphore, #tpu.memory_space<semaphore_mem>>)
    %dma_start3A_35 = arith.constant 64 : i32
    %dma_start3A_36 = arith.constant 0 : i32
    %dma_start3A_37 = tpu.memref_slice %arg3[%add3A_4, %dma_start3A_35, %dma_start3A_36] : memref<160x1024x512xf32, #tpu.memory_space<hbm>> -> memref<1x64x512xf32, #tpu.memory_space<hbm>>
    %dma_start3A_38 = tpu.memref_squeeze %dma_start3A_37 : memref<1x64x512xf32, #tpu.memory_space<hbm>> -> memref<64x512xf32, #tpu.memory_space<hbm>>
    %dma_start3A_39 = arith.constant 64 : i32
    %dma_start3A_40 = arith.constant 0 : i32
    %dma_start3A_41 = tpu.memref_slice %arg3[%add3A_4, %dma_start3A_39, %dma_start3A_40] : memref<160x1024x512xf32, #tpu.memory_space<hbm>> -> memref<1x64x512xf32, #tpu.memory_space<hbm>>
    %dma_start3A_42 = tpu.memref_squeeze %dma_start3A_41 : memref<1x64x512xf32, #tpu.memory_space<hbm>> -> memref<64x512xf32, #tpu.memory_space<hbm>>
    tpu.enqueue_dma source(%arg5 : memref<64x512xf32, #tpu.memory_space<vmem>>) target(%dma_start3A_42 : memref<64x512xf32, #tpu.memory_space<hbm>>) target_semaphore(%arg8 : memref<!tpu.dma_semaphore, #tpu.memory_space<semaphore_mem>>)
    %dma_start3A_43 = arith.constant 128 : i32
    %dma_start3A_44 = arith.constant 0 : i32
    %dma_start3A_45 = tpu.memref_slice %arg3[%add3A_4, %dma_start3A_43, %dma_start3A_44] : memref<160x1024x512xf32, #tpu.memory_space<hbm>> -> memref<1x64x512xf32, #tpu.memory_space<hbm>>
    %dma_start3A_46 = tpu.memref_squeeze %dma_start3A_45 : memref<1x64x512xf32, #tpu.memory_space<hbm>> -> memref<64x512xf32, #tpu.memory_space<hbm>>
    %dma_start3A_47 = arith.constant 128 : i32
    %dma_start3A_48 = arith.constant 0 : i32
    %dma_start3A_49 = tpu.memref_slice %arg3[%add3A_4, %dma_start3A_47, %dma_start3A_48] : memref<160x1024x512xf32, #tpu.memory_space<hbm>> -> memref<1x64x512xf32, #tpu.memory_space<hbm>>
    %dma_start3A_50 = tpu.memref_squeeze %dma_start3A_49 : memref<1x64x512xf32, #tpu.memory_space<hbm>> -> memref<64x512xf32, #tpu.memory_space<hbm>>
    tpu.enqueue_dma source(%arg5 : memref<64x512xf32, #tpu.memory_space<vmem>>) target(%dma_start3A_50 : memref<64x512xf32, #tpu.memory_space<hbm>>) target_semaphore(%arg8 : memref<!tpu.dma_semaphore, #tpu.memory_space<semaphore_mem>>)
    %dma_start3A_51 = arith.constant 192 : i32
    %dma_start3A_52 = arith.constant 0 : i32
    %dma_start3A_53 = tpu.memref_slice %arg3[%add3A_4, %dma_start3A_51, %dma_start3A_52] : memref<160x1024x512xf32, #tpu.memory_space<hbm>> -> memref<1x64x512xf32, #tpu.memory_space<hbm>>
    %dma_start3A_54 = tpu.memref_squeeze %dma_start3A_53 : memref<1x64x512xf32, #tpu.memory_space<hbm>> -> memref<64x512xf32, #tpu.memory_space<hbm>>
    %dma_start3A_55 = arith.constant 192 : i32
    %dma_start3A_56 = arith.constant 0 : i32
    %dma_start3A_57 = tpu.memref_slice %arg3[%add3A_4, %dma_start3A_55, %dma_start3A_56] : memref<160x1024x512xf32, #tpu.memory_space<hbm>> -> memref<1x64x512xf32, #tpu.memory_space<hbm>>
    %dma_start3A_58 = tpu.memref_squeeze %dma_start3A_57 : memref<1x64x512xf32, #tpu.memory_space<hbm>> -> memref<64x512xf32, #tpu.memory_space<hbm>>
    tpu.enqueue_dma source(%arg5 : memref<64x512xf32, #tpu.memory_space<vmem>>) target(%dma_start3A_58 : memref<64x512xf32, #tpu.memory_space<hbm>>) target_semaphore(%arg8 : memref<!tpu.dma_semaphore, #tpu.memory_space<semaphore_mem>>)
    %dma_start3A_59 = arith.constant 256 : i32
    %dma_start3A_60 = arith.constant 0 : i32
    %dma_start3A_61 = tpu.memref_slice %arg3[%add3A_4, %dma_start3A_59, %dma_start3A_60] : memref<160x1024x512xf32, #tpu.memory_space<hbm>> -> memref<1x64x512xf32, #tpu.memory_space<hbm>>
    %dma_start3A_62 = tpu.memref_squeeze %dma_start3A_61 : memref<1x64x512xf32, #tpu.memory_space<hbm>> -> memref<64x512xf32, #tpu.memory_space<hbm>>
    %dma_start3A_63 = arith.constant 256 : i32
    %dma_start3A_64 = arith.constant 0 : i32
    %dma_start3A_65 = tpu.memref_slice %arg3[%add3A_4, %dma_start3A_63, %dma_start3A_64] : memref<160x1024x512xf32, #tpu.memory_space<hbm>> -> memref<1x64x512xf32, #tpu.memory_space<hbm>>
    %dma_start3A_66 = tpu.memref_squeeze %dma_start3A_65 : memref<1x64x512xf32, #tpu.memory_space<hbm>> -> memref<64x512xf32, #tpu.memory_space<hbm>>
    tpu.enqueue_dma source(%arg5 : memref<64x512xf32, #tpu.memory_space<vmem>>) target(%dma_start3A_66 : memref<64x512xf32, #tpu.memory_space<hbm>>) target_semaphore(%arg8 : memref<!tpu.dma_semaphore, #tpu.memory_space<semaphore_mem>>)
    %dma_start3A_67 = arith.constant 320 : i32
    %dma_start3A_68 = arith.constant 0 : i32
    %dma_start3A_69 = tpu.memref_slice %arg3[%add3A_4, %dma_start3A_67, %dma_start3A_68] : memref<160x1024x512xf32, #tpu.memory_space<hbm>> -> memref<1x64x512xf32, #tpu.memory_space<hbm>>
    %dma_start3A_70 = tpu.memref_squeeze %dma_start3A_69 : memref<1x64x512xf32, #tpu.memory_space<hbm>> -> memref<64x512xf32, #tpu.memory_space<hbm>>
    %dma_start3A_71 = arith.constant 320 : i32
    %dma_start3A_72 = arith.constant 0 : i32
    %dma_start3A_73 = tpu.memref_slice %arg3[%add3A_4, %dma_start3A_71, %dma_start3A_72] : memref<160x1024x512xf32, #tpu.memory_space<hbm>> -> memref<1x64x512xf32, #tpu.memory_space<hbm>>
    %dma_start3A_74 = tpu.memref_squeeze %dma_start3A_73 : memref<1x64x512xf32, #tpu.memory_space<hbm>> -> memref<64x512xf32, #tpu.memory_space<hbm>>
    tpu.enqueue_dma source(%arg5 : memref<64x512xf32, #tpu.memory_space<vmem>>) target(%dma_start3A_74 : memref<64x512xf32, #tpu.memory_space<hbm>>) target_semaphore(%arg8 : memref<!tpu.dma_semaphore, #tpu.memory_space<semaphore_mem>>)
    %dma_start3A_75 = arith.constant 384 : i32
    %dma_start3A_76 = arith.constant 0 : i32
    %dma_start3A_77 = tpu.memref_slice %arg3[%add3A_4, %dma_start3A_75, %dma_start3A_76] : memref<160x1024x512xf32, #tpu.memory_space<hbm>> -> memref<1x64x512xf32, #tpu.memory_space<hbm>>
    %dma_start3A_78 = tpu.memref_squeeze %dma_start3A_77 : memref<1x64x512xf32, #tpu.memory_space<hbm>> -> memref<64x512xf32, #tpu.memory_space<hbm>>
    %dma_start3A_79 = arith.constant 384 : i32
    %dma_start3A_80 = arith.constant 0 : i32
    %dma_start3A_81 = tpu.memref_slice %arg3[%add3A_4, %dma_start3A_79, %dma_start3A_80] : memref<160x1024x512xf32, #tpu.memory_space<hbm>> -> memref<1x64x512xf32, #tpu.memory_space<hbm>>
    %dma_start3A_82 = tpu.memref_squeeze %dma_start3A_81 : memref<1x64x512xf32, #tpu.memory_space<hbm>> -> memref<64x512xf32, #tpu.memory_space<hbm>>
    tpu.enqueue_dma source(%arg5 : memref<64x512xf32, #tpu.memory_space<vmem>>) target(%dma_start3A_82 : memref<64x512xf32, #tpu.memory_space<hbm>>) target_semaphore(%arg8 : memref<!tpu.dma_semaphore, #tpu.memory_space<semaphore_mem>>)
    %dma_start3A_83 = arith.constant 448 : i32
    %dma_start3A_84 = arith.constant 0 : i32
    %dma_start3A_85 = tpu.memref_slice %arg3[%add3A_4, %dma_start3A_83, %dma_start3A_84] : memref<160x1024x512xf32, #tpu.memory_space<hbm>> -> memref<1x64x512xf32, #tpu.memory_space<hbm>>
    %dma_start3A_86 = tpu.memref_squeeze %dma_start3A_85 : memref<1x64x512xf32, #tpu.memory_space<hbm>> -> memref<64x512xf32, #tpu.memory_space<hbm>>
    %dma_start3A_87 = arith.constant 448 : i32
    %dma_start3A_88 = arith.constant 0 : i32
    %dma_start3A_89 = tpu.memref_slice %arg3[%add3A_4, %dma_start3A_87, %dma_start3A_88] : memref<160x1024x512xf32, #tpu.memory_space<hbm>> -> memref<1x64x512xf32, #tpu.memory_space<hbm>>
    %dma_start3A_90 = tpu.memref_squeeze %dma_start3A_89 : memref<1x64x512xf32, #tpu.memory_space<hbm>> -> memref<64x512xf32, #tpu.memory_space<hbm>>
    tpu.enqueue_dma source(%arg5 : memref<64x512xf32, #tpu.memory_space<vmem>>) target(%dma_start3A_90 : memref<64x512xf32, #tpu.memory_space<hbm>>) target_semaphore(%arg8 : memref<!tpu.dma_semaphore, #tpu.memory_space<semaphore_mem>>)
    %dma_start3A_91 = arith.constant 512 : i32
    %dma_start3A_92 = arith.constant 0 : i32
    %dma_start3A_93 = tpu.memref_slice %arg3[%add3A_4, %dma_start3A_91, %dma_start3A_92] : memref<160x1024x512xf32, #tpu.memory_space<hbm>> -> memref<1x64x512xf32, #tpu.memory_space<hbm>>
    %dma_start3A_94 = tpu.memref_squeeze %dma_start3A_93 : memref<1x64x512xf32, #tpu.memory_space<hbm>> -> memref<64x512xf32, #tpu.memory_space<hbm>>
    %dma_start3A_95 = arith.constant 512 : i32
    %dma_start3A_96 = arith.constant 0 : i32
    %dma_start3A_97 = tpu.memref_slice %arg3[%add3A_4, %dma_start3A_95, %dma_start3A_96] : memref<160x1024x512xf32, #tpu.memory_space<hbm>> -> memref<1x64x512xf32, #tpu.memory_space<hbm>>
    %dma_start3A_98 = tpu.memref_squeeze %dma_start3A_97 : memref<1x64x512xf32, #tpu.memory_space<hbm>> -> memref<64x512xf32, #tpu.memory_space<hbm>>
    tpu.enqueue_dma source(%arg5 : memref<64x512xf32, #tpu.memory_space<vmem>>) target(%dma_start3A_98 : memref<64x512xf32, #tpu.memory_space<hbm>>) target_semaphore(%arg8 : memref<!tpu.dma_semaphore, #tpu.memory_space<semaphore_mem>>)
    %dma_start3A_99 = arith.constant 576 : i32
    %dma_start3A_100 = arith.constant 0 : i32
    %dma_start3A_101 = tpu.memref_slice %arg3[%add3A_4, %dma_start3A_99, %dma_start3A_100] : memref<160x1024x512xf32, #tpu.memory_space<hbm>> -> memref<1x64x512xf32, #tpu.memory_space<hbm>>
    %dma_start3A_102 = tpu.memref_squeeze %dma_start3A_101 : memref<1x64x512xf32, #tpu.memory_space<hbm>> -> memref<64x512xf32, #tpu.memory_space<hbm>>
    %dma_start3A_103 = arith.constant 576 : i32
    %dma_start3A_104 = arith.constant 0 : i32
    %dma_start3A_105 = tpu.memref_slice %arg3[%add3A_4, %dma_start3A_103, %dma_start3A_104] : memref<160x1024x512xf32, #tpu.memory_space<hbm>> -> memref<1x64x512xf32, #tpu.memory_space<hbm>>
    %dma_start3A_106 = tpu.memref_squeeze %dma_start3A_105 : memref<1x64x512xf32, #tpu.memory_space<hbm>> -> memref<64x512xf32, #tpu.memory_space<hbm>>
    tpu.enqueue_dma source(%arg5 : memref<64x512xf32, #tpu.memory_space<vmem>>) target(%dma_start3A_106 : memref<64x512xf32, #tpu.memory_space<hbm>>) target_semaphore(%arg8 : memref<!tpu.dma_semaphore, #tpu.memory_space<semaphore_mem>>)
    %dma_start3A_107 = arith.constant 640 : i32
    %dma_start3A_108 = arith.constant 0 : i32
    %dma_start3A_109 = tpu.memref_slice %arg3[%add3A_4, %dma_start3A_107, %dma_start3A_108] : memref<160x1024x512xf32, #tpu.memory_space<hbm>> -> memref<1x64x512xf32, #tpu.memory_space<hbm>>
    %dma_start3A_110 = tpu.memref_squeeze %dma_start3A_109 : memref<1x64x512xf32, #tpu.memory_space<hbm>> -> memref<64x512xf32, #tpu.memory_space<hbm>>
    %dma_start3A_111 = arith.constant 640 : i32
    %dma_start3A_112 = arith.constant 0 : i32
    %dma_start3A_113 = tpu.memref_slice %arg3[%add3A_4, %dma_start3A_111, %dma_start3A_112] : memref<160x1024x512xf32, #tpu.memory_space<hbm>> -> memref<1x64x512xf32, #tpu.memory_space<hbm>>
    %dma_start3A_114 = tpu.memref_squeeze %dma_start3A_113 : memref<1x64x512xf32, #tpu.memory_space<hbm>> -> memref<64x512xf32, #tpu.memory_space<hbm>>
    tpu.enqueue_dma source(%arg5 : memref<64x512xf32, #tpu.memory_space<vmem>>) target(%dma_start3A_114 : memref<64x512xf32, #tpu.memory_space<hbm>>) target_semaphore(%arg8 : memref<!tpu.dma_semaphore, #tpu.memory_space<semaphore_mem>>)
    %dma_start3A_115 = arith.constant 704 : i32
    %dma_start3A_116 = arith.constant 0 : i32
    %dma_start3A_117 = tpu.memref_slice %arg3[%add3A_4, %dma_start3A_115, %dma_start3A_116] : memref<160x1024x512xf32, #tpu.memory_space<hbm>> -> memref<1x64x512xf32, #tpu.memory_space<hbm>>
    %dma_start3A_118 = tpu.memref_squeeze %dma_start3A_117 : memref<1x64x512xf32, #tpu.memory_space<hbm>> -> memref<64x512xf32, #tpu.memory_space<hbm>>
    %dma_start3A_119 = arith.constant 704 : i32
    %dma_start3A_120 = arith.constant 0 : i32
    %dma_start3A_121 = tpu.memref_slice %arg3[%add3A_4, %dma_start3A_119, %dma_start3A_120] : memref<160x1024x512xf32, #tpu.memory_space<hbm>> -> memref<1x64x512xf32, #tpu.memory_space<hbm>>
    %dma_start3A_122 = tpu.memref_squeeze %dma_start3A_121 : memref<1x64x512xf32, #tpu.memory_space<hbm>> -> memref<64x512xf32, #tpu.memory_space<hbm>>
    tpu.enqueue_dma source(%arg5 : memref<64x512xf32, #tpu.memory_space<vmem>>) target(%dma_start3A_122 : memref<64x512xf32, #tpu.memory_space<hbm>>) target_semaphore(%arg8 : memref<!tpu.dma_semaphore, #tpu.memory_space<semaphore_mem>>)
    %dma_start3A_123 = arith.constant 768 : i32
    %dma_start3A_124 = arith.constant 0 : i32
    %dma_start3A_125 = tpu.memref_slice %arg3[%add3A_4, %dma_start3A_123, %dma_start3A_124] : memref<160x1024x512xf32, #tpu.memory_space<hbm>> -> memref<1x64x512xf32, #tpu.memory_space<hbm>>
    %dma_start3A_126 = tpu.memref_squeeze %dma_start3A_125 : memref<1x64x512xf32, #tpu.memory_space<hbm>> -> memref<64x512xf32, #tpu.memory_space<hbm>>
    %dma_start3A_127 = arith.constant 768 : i32
    %dma_start3A_128 = arith.constant 0 : i32
    %dma_start3A_129 = tpu.memref_slice %arg3[%add3A_4, %dma_start3A_127, %dma_start3A_128] : memref<160x1024x512xf32, #tpu.memory_space<hbm>> -> memref<1x64x512xf32, #tpu.memory_space<hbm>>
    %dma_start3A_130 = tpu.memref_squeeze %dma_start3A_129 : memref<1x64x512xf32, #tpu.memory_space<hbm>> -> memref<64x512xf32, #tpu.memory_space<hbm>>
    tpu.enqueue_dma source(%arg5 : memref<64x512xf32, #tpu.memory_space<vmem>>) target(%dma_start3A_130 : memref<64x512xf32, #tpu.memory_space<hbm>>) target_semaphore(%arg8 : memref<!tpu.dma_semaphore, #tpu.memory_space<semaphore_mem>>)
    %dma_start3A_131 = arith.constant 832 : i32
    %dma_start3A_132 = arith.constant 0 : i32
    %dma_start3A_133 = tpu.memref_slice %arg3[%add3A_4, %dma_start3A_131, %dma_start3A_132] : memref<160x1024x512xf32, #tpu.memory_space<hbm>> -> memref<1x64x512xf32, #tpu.memory_space<hbm>>
    %dma_start3A_134 = tpu.memref_squeeze %dma_start3A_133 : memref<1x64x512xf32, #tpu.memory_space<hbm>> -> memref<64x512xf32, #tpu.memory_space<hbm>>
    %dma_start3A_135 = arith.constant 832 : i32
    %dma_start3A_136 = arith.constant 0 : i32
    %dma_start3A_137 = tpu.memref_slice %arg3[%add3A_4, %dma_start3A_135, %dma_start3A_136] : memref<160x1024x512xf32, #tpu.memory_space<hbm>> -> memref<1x64x512xf32, #tpu.memory_space<hbm>>
    %dma_start3A_138 = tpu.memref_squeeze %dma_start3A_137 : memref<1x64x512xf32, #tpu.memory_space<hbm>> -> memref<64x512xf32, #tpu.memory_space<hbm>>
    tpu.enqueue_dma source(%arg5 : memref<64x512xf32, #tpu.memory_space<vmem>>) target(%dma_start3A_138 : memref<64x512xf32, #tpu.memory_space<hbm>>) target_semaphore(%arg8 : memref<!tpu.dma_semaphore, #tpu.memory_space<semaphore_mem>>)
    %dma_start3A_139 = arith.constant 896 : i32
    %dma_start3A_140 = arith.constant 0 : i32
    %dma_start3A_141 = tpu.memref_slice %arg3[%add3A_4, %dma_start3A_139, %dma_start3A_140] : memref<160x1024x512xf32, #tpu.memory_space<hbm>> -> memref<1x64x512xf32, #tpu.memory_space<hbm>>
    %dma_start3A_142 = tpu.memref_squeeze %dma_start3A_141 : memref<1x64x512xf32, #tpu.memory_space<hbm>> -> memref<64x512xf32, #tpu.memory_space<hbm>>
    %dma_start3A_143 = arith.constant 896 : i32
    %dma_start3A_144 = arith.constant 0 : i32
    %dma_start3A_145 = tpu.memref_slice %arg3[%add3A_4, %dma_start3A_143, %dma_start3A_144] : memref<160x1024x512xf32, #tpu.memory_space<hbm>> -> memref<1x64x512xf32, #tpu.memory_space<hbm>>
    %dma_start3A_146 = tpu.memref_squeeze %dma_start3A_145 : memref<1x64x512xf32, #tpu.memory_space<hbm>> -> memref<64x512xf32, #tpu.memory_space<hbm>>
    tpu.enqueue_dma source(%arg5 : memref<64x512xf32, #tpu.memory_space<vmem>>) target(%dma_start3A_146 : memref<64x512xf32, #tpu.memory_space<hbm>>) target_semaphore(%arg8 : memref<!tpu.dma_semaphore, #tpu.memory_space<semaphore_mem>>)
    %dma_start3A_147 = arith.constant 960 : i32
    %dma_start3A_148 = arith.constant 0 : i32
    %dma_start3A_149 = tpu.memref_slice %arg3[%add3A_4, %dma_start3A_147, %dma_start3A_148] : memref<160x1024x512xf32, #tpu.memory_space<hbm>> -> memref<1x64x512xf32, #tpu.memory_space<hbm>>
    %dma_start3A_150 = tpu.memref_squeeze %dma_start3A_149 : memref<1x64x512xf32, #tpu.memory_space<hbm>> -> memref<64x512xf32, #tpu.memory_space<hbm>>
    %dma_start3A_151 = arith.constant 960 : i32
    %dma_start3A_152 = arith.constant 0 : i32
    %dma_start3A_153 = tpu.memref_slice %arg3[%add3A_4, %dma_start3A_151, %dma_start3A_152] : memref<160x1024x512xf32, #tpu.memory_space<hbm>> -> memref<1x64x512xf32, #tpu.memory_space<hbm>>
    %dma_start3A_154 = tpu.memref_squeeze %dma_start3A_153 : memref<1x64x512xf32, #tpu.memory_space<hbm>> -> memref<64x512xf32, #tpu.memory_space<hbm>>
    tpu.enqueue_dma source(%arg5 : memref<64x512xf32, #tpu.memory_space<vmem>>) target(%dma_start3A_154 : memref<64x512xf32, #tpu.memory_space<hbm>>) target_semaphore(%arg8 : memref<!tpu.dma_semaphore, #tpu.memory_space<semaphore_mem>>)
    %add3A_155 = arith.constant 1 : i32
    %add3A_156 = arith.addi %mul3A_2, %add3A_155 : i32
    %broadcast_in_dim3A_157 = vector.broadcast %add3A_156 : i32 to vector<16xi32>
    %swap3A_158 = arith.constant 0 : index
    %swap3A_159 = tpu.vector_load %arg4[%swap3A_158] {strides = array<i32>} : memref<64xi32, #tpu.memory_space<vmem>>, vector<16xi32>,
    %swap3A_160 = vector.shape_cast %swap3A_159 : vector<16xi32> to vector<16xi32>
    %swap3A_161 = vector.shape_cast %broadcast_in_dim3A_157 : vector<16xi32> to vector<16xi32>
    tpu.vector_store %arg4[%swap3A_158], %swap3A_161 {strides = array<i32>} : memref<64xi32, #tpu.memory_space<vmem>>, vector<16xi32>,
    %broadcast_in_dim3A_162 = vector.broadcast %add3A_156 : i32 to vector<16xi32>
    %swap3A_163 = arith.constant 16 : index
    %swap3A_164 = tpu.vector_load %arg4[%swap3A_163] {strides = array<i32>} : memref<64xi32, #tpu.memory_space<vmem>>, vector<16xi32>,
    %swap3A_165 = vector.shape_cast %swap3A_164 : vector<16xi32> to vector<16xi32>
    %swap3A_166 = vector.shape_cast %broadcast_in_dim3A_162 : vector<16xi32> to vector<16xi32>
    tpu.vector_store %arg4[%swap3A_163], %swap3A_166 {strides = array<i32>} : memref<64xi32, #tpu.memory_space<vmem>>, vector<16xi32>,
    %broadcast_in_dim3A_167 = vector.broadcast %add3A_156 : i32 to vector<16xi32>
    %swap3A_168 = arith.constant 32 : index
    %swap3A_169 = tpu.vector_load %arg4[%swap3A_168] {strides = array<i32>} : memref<64xi32, #tpu.memory_space<vmem>>, vector<16xi32>,
    %swap3A_170 = vector.shape_cast %swap3A_169 : vector<16xi32> to vector<16xi32>
    %swap3A_171 = vector.shape_cast %broadcast_in_dim3A_167 : vector<16xi32> to vector<16xi32>
    tpu.vector_store %arg4[%swap3A_168], %swap3A_171 {strides = array<i32>} : memref<64xi32, #tpu.memory_space<vmem>>, vector<16xi32>,
    %broadcast_in_dim3A_172 = vector.broadcast %add3A_156 : i32 to vector<16xi32>
    %swap3A_173 = arith.constant 48 : index
    %swap3A_174 = tpu.vector_load %arg4[%swap3A_173] {strides = array<i32>} : memref<64xi32, #tpu.memory_space<vmem>>, vector<16xi32>,
    %swap3A_175 = vector.shape_cast %swap3A_174 : vector<16xi32> to vector<16xi32>
    %swap3A_176 = vector.shape_cast %broadcast_in_dim3A_172 : vector<16xi32> to vector<16xi32>
    tpu.vector_store %arg4[%swap3A_173], %swap3A_176 {strides = array<i32>} : memref<64xi32, #tpu.memory_space<vmem>>, vector<16xi32>,
    %dma_start3A_177 = arith.constant 0 : i32
    %dma_start3A_178 = arith.constant 0 : i32
    %dma_start3A_179 = tpu.memref_slice %arg2[%dma_start3A_177, %dma_start3A_178] : memref<160x512xf32, #tpu.memory_space<hbm>> -> memref<160x512xf32, #tpu.memory_space<hbm>>
    tpu.enqueue_indirect_dma source(%dma_start3A_179 : memref<160x512xf32, #tpu.memory_space<hbm>>) target(%arg6 : memref<64x512xf32, #tpu.memory_space<vmem>>) offsets(%arg4 : memref<64xi32, #tpu.memory_space<vmem>>) semaphore(%arg7 : memref<!tpu.dma_semaphore, #tpu.memory_space<semaphore_mem>>)
    %dma_wait3A_180 = arith.constant 0 : i32
    %dma_wait3A_181 = arith.constant 0 : i32
    %dma_wait3A_182 = tpu.memref_slice %arg2[%dma_wait3A_180, %dma_wait3A_181] : memref<160x512xf32, #tpu.memory_space<hbm>> -> memref<160x512xf32, #tpu.memory_space<hbm>>
    tpu.wait_indirect_dma semaphore(%arg7 : memref<!tpu.dma_semaphore, #tpu.memory_space<semaphore_mem>>) src(%dma_wait3A_182 : memref<160x512xf32, #tpu.memory_space<hbm>>) dst(%arg6 : memref<64x512xf32, #tpu.memory_space<vmem>>)
    %dma_start3A_183 = arith.constant 0 : i32
    %dma_start3A_184 = arith.constant 0 : i32
    %dma_start3A_185 = tpu.memref_slice %arg3[%add3A_156, %dma_start3A_183, %dma_start3A_184] : memref<160x1024x512xf32, #tpu.memory_space<hbm>> -> memref<1x64x512xf32, #tpu.memory_space<hbm>>
    %dma_start3A_186 = tpu.memref_squeeze %dma_start3A_185 : memref<1x64x512xf32, #tpu.memory_space<hbm>> -> memref<64x512xf32, #tpu.memory_space<hbm>>
    %dma_start3A_187 = arith.constant 0 : i32
    %dma_start3A_188 = arith.constant 0 : i32
    %dma_start3A_189 = tpu.memref_slice %arg3[%add3A_156, %dma_start3A_187, %dma_start3A_188] : memref<160x1024x512xf32, #tpu.memory_space<hbm>> -> memref<1x64x512xf32, #tpu.memory_space<hbm>>
    %dma_start3A_190 = tpu.memref_squeeze %dma_start3A_189 : memref<1x64x512xf32, #tpu.memory_space<hbm>> -> memref<64x512xf32, #tpu.memory_space<hbm>>
    tpu.enqueue_dma source(%arg6 : memref<64x512xf32, #tpu.memory_space<vmem>>) target(%dma_start3A_190 : memref<64x512xf32, #tpu.memory_space<hbm>>) target_semaphore(%arg8 : memref<!tpu.dma_semaphore, #tpu.memory_space<semaphore_mem>>)
    %dma_start3A_191 = arith.constant 64 : i32
    %dma_start3A_192 = arith.constant 0 : i32
    %dma_start3A_193 = tpu.memref_slice %arg3[%add3A_156, %dma_start3A_191, %dma_start3A_192] : memref<160x1024x512xf32, #tpu.memory_space<hbm>> -> memref<1x64x512xf32, #tpu.memory_space<hbm>>
    %dma_start3A_194 = tpu.memref_squeeze %dma_start3A_193 : memref<1x64x512xf32, #tpu.memory_space<hbm>> -> memref<64x512xf32, #tpu.memory_space<hbm>>
    %dma_start3A_195 = arith.constant 64 : i32
    %dma_start3A_196 = arith.constant 0 : i32
    %dma_start3A_197 = tpu.memref_slice %arg3[%add3A_156, %dma_start3A_195, %dma_start3A_196] : memref<160x1024x512xf32, #tpu.memory_space<hbm>> -> memref<1x64x512xf32, #tpu.memory_space<hbm>>
    %dma_start3A_198 = tpu.memref_squeeze %dma_start3A_197 : memref<1x64x512xf32, #tpu.memory_space<hbm>> -> memref<64x512xf32, #tpu.memory_space<hbm>>
    tpu.enqueue_dma source(%arg6 : memref<64x512xf32, #tpu.memory_space<vmem>>) target(%dma_start3A_198 : memref<64x512xf32, #tpu.memory_space<hbm>>) target_semaphore(%arg8 : memref<!tpu.dma_semaphore, #tpu.memory_space<semaphore_mem>>)
    %dma_start3A_199 = arith.constant 128 : i32
    %dma_start3A_200 = arith.constant 0 : i32
    %dma_start3A_201 = tpu.memref_slice %arg3[%add3A_156, %dma_start3A_199, %dma_start3A_200] : memref<160x1024x512xf32, #tpu.memory_space<hbm>> -> memref<1x64x512xf32, #tpu.memory_space<hbm>>
    %dma_start3A_202 = tpu.memref_squeeze %dma_start3A_201 : memref<1x64x512xf32, #tpu.memory_space<hbm>> -> memref<64x512xf32, #tpu.memory_space<hbm>>
    %dma_start3A_203 = arith.constant 128 : i32
    %dma_start3A_204 = arith.constant 0 : i32
    %dma_start3A_205 = tpu.memref_slice %arg3[%add3A_156, %dma_start3A_203, %dma_start3A_204] : memref<160x1024x512xf32, #tpu.memory_space<hbm>> -> memref<1x64x512xf32, #tpu.memory_space<hbm>>
    %dma_start3A_206 = tpu.memref_squeeze %dma_start3A_205 : memref<1x64x512xf32, #tpu.memory_space<hbm>> -> memref<64x512xf32, #tpu.memory_space<hbm>>
    tpu.enqueue_dma source(%arg6 : memref<64x512xf32, #tpu.memory_space<vmem>>) target(%dma_start3A_206 : memref<64x512xf32, #tpu.memory_space<hbm>>) target_semaphore(%arg8 : memref<!tpu.dma_semaphore, #tpu.memory_space<semaphore_mem>>)
    %dma_start3A_207 = arith.constant 192 : i32
    %dma_start3A_208 = arith.constant 0 : i32
    %dma_start3A_209 = tpu.memref_slice %arg3[%add3A_156, %dma_start3A_207, %dma_start3A_208] : memref<160x1024x512xf32, #tpu.memory_space<hbm>> -> memref<1x64x512xf32, #tpu.memory_space<hbm>>
    %dma_start3A_210 = tpu.memref_squeeze %dma_start3A_209 : memref<1x64x512xf32, #tpu.memory_space<hbm>> -> memref<64x512xf32, #tpu.memory_space<hbm>>
    %dma_start3A_211 = arith.constant 192 : i32
    %dma_start3A_212 = arith.constant 0 : i32
    %dma_start3A_213 = tpu.memref_slice %arg3[%add3A_156, %dma_start3A_211, %dma_start3A_212] : memref<160x1024x512xf32, #tpu.memory_space<hbm>> -> memref<1x64x512xf32, #tpu.memory_space<hbm>>
    %dma_start3A_214 = tpu.memref_squeeze %dma_start3A_213 : memref<1x64x512xf32, #tpu.memory_space<hbm>> -> memref<64x512xf32, #tpu.memory_space<hbm>>
    tpu.enqueue_dma source(%arg6 : memref<64x512xf32, #tpu.memory_space<vmem>>) target(%dma_start3A_214 : memref<64x512xf32, #tpu.memory_space<hbm>>) target_semaphore(%arg8 : memref<!tpu.dma_semaphore, #tpu.memory_space<semaphore_mem>>)
    %dma_start3A_215 = arith.constant 256 : i32
    %dma_start3A_216 = arith.constant 0 : i32
    %dma_start3A_217 = tpu.memref_slice %arg3[%add3A_156, %dma_start3A_215, %dma_start3A_216] : memref<160x1024x512xf32, #tpu.memory_space<hbm>> -> memref<1x64x512xf32, #tpu.memory_space<hbm>>
    %dma_start3A_218 = tpu.memref_squeeze %dma_start3A_217 : memref<1x64x512xf32, #tpu.memory_space<hbm>> -> memref<64x512xf32, #tpu.memory_space<hbm>>
    %dma_start3A_219 = arith.constant 256 : i32
    %dma_start3A_220 = arith.constant 0 : i32
    %dma_start3A_221 = tpu.memref_slice %arg3[%add3A_156, %dma_start3A_219, %dma_start3A_220] : memref<160x1024x512xf32, #tpu.memory_space<hbm>> -> memref<1x64x512xf32, #tpu.memory_space<hbm>>
    %dma_start3A_222 = tpu.memref_squeeze %dma_start3A_221 : memref<1x64x512xf32, #tpu.memory_space<hbm>> -> memref<64x512xf32, #tpu.memory_space<hbm>>
    tpu.enqueue_dma source(%arg6 : memref<64x512xf32, #tpu.memory_space<vmem>>) target(%dma_start3A_222 : memref<64x512xf32, #tpu.memory_space<hbm>>) target_semaphore(%arg8 : memref<!tpu.dma_semaphore, #tpu.memory_space<semaphore_mem>>)
    %dma_start3A_223 = arith.constant 320 : i32
    %dma_start3A_224 = arith.constant 0 : i32
    %dma_start3A_225 = tpu.memref_slice %arg3[%add3A_156, %dma_start3A_223, %dma_start3A_224] : memref<160x1024x512xf32, #tpu.memory_space<hbm>> -> memref<1x64x512xf32, #tpu.memory_space<hbm>>
    %dma_start3A_226 = tpu.memref_squeeze %dma_start3A_225 : memref<1x64x512xf32, #tpu.memory_space<hbm>> -> memref<64x512xf32, #tpu.memory_space<hbm>>
    %dma_start3A_227 = arith.constant 320 : i32
    %dma_start3A_228 = arith.constant 0 : i32
    %dma_start3A_229 = tpu.memref_slice %arg3[%add3A_156, %dma_start3A_227, %dma_start3A_228] : memref<160x1024x512xf32, #tpu.memory_space<hbm>> -> memref<1x64x512xf32, #tpu.memory_space<hbm>>
    %dma_start3A_230 = tpu.memref_squeeze %dma_start3A_229 : memref<1x64x512xf32, #tpu.memory_space<hbm>> -> memref<64x512xf32, #tpu.memory_space<hbm>>
    tpu.enqueue_dma source(%arg6 : memref<64x512xf32, #tpu.memory_space<vmem>>) target(%dma_start3A_230 : memref<64x512xf32, #tpu.memory_space<hbm>>) target_semaphore(%arg8 : memref<!tpu.dma_semaphore, #tpu.memory_space<semaphore_mem>>)
    %dma_start3A_231 = arith.constant 384 : i32
    %dma_start3A_232 = arith.constant 0 : i32
    %dma_start3A_233 = tpu.memref_slice %arg3[%add3A_156, %dma_start3A_231, %dma_start3A_232] : memref<160x1024x512xf32, #tpu.memory_space<hbm>> -> memref<1x64x512xf32, #tpu.memory_space<hbm>>
    %dma_start3A_234 = tpu.memref_squeeze %dma_start3A_233 : memref<1x64x512xf32, #tpu.memory_space<hbm>> -> memref<64x512xf32, #tpu.memory_space<hbm>>
    %dma_start3A_235 = arith.constant 384 : i32
    %dma_start3A_236 = arith.constant 0 : i32
    %dma_start3A_237 = tpu.memref_slice %arg3[%add3A_156, %dma_start3A_235, %dma_start3A_236] : memref<160x1024x512xf32, #tpu.memory_space<hbm>> -> memref<1x64x512xf32, #tpu.memory_space<hbm>>
    %dma_start3A_238 = tpu.memref_squeeze %dma_start3A_237 : memref<1x64x512xf32, #tpu.memory_space<hbm>> -> memref<64x512xf32, #tpu.memory_space<hbm>>
    tpu.enqueue_dma source(%arg6 : memref<64x512xf32, #tpu.memory_space<vmem>>) target(%dma_start3A_238 : memref<64x512xf32, #tpu.memory_space<hbm>>) target_semaphore(%arg8 : memref<!tpu.dma_semaphore, #tpu.memory_space<semaphore_mem>>)
    %dma_start3A_239 = arith.constant 448 : i32
    %dma_start3A_240 = arith.constant 0 : i32
    %dma_start3A_241 = tpu.memref_slice %arg3[%add3A_156, %dma_start3A_239, %dma_start3A_240] : memref<160x1024x512xf32, #tpu.memory_space<hbm>> -> memref<1x64x512xf32, #tpu.memory_space<hbm>>
    %dma_start3A_242 = tpu.memref_squeeze %dma_start3A_241 : memref<1x64x512xf32, #tpu.memory_space<hbm>> -> memref<64x512xf32, #tpu.memory_space<hbm>>
    %dma_start3A_243 = arith.constant 448 : i32
    %dma_start3A_244 = arith.constant 0 : i32
    %dma_start3A_245 = tpu.memref_slice %arg3[%add3A_156, %dma_start3A_243, %dma_start3A_244] : memref<160x1024x512xf32, #tpu.memory_space<hbm>> -> memref<1x64x512xf32, #tpu.memory_space<hbm>>
    %dma_start3A_246 = tpu.memref_squeeze %dma_start3A_245 : memref<1x64x512xf32, #tpu.memory_space<hbm>> -> memref<64x512xf32, #tpu.memory_space<hbm>>
    tpu.enqueue_dma source(%arg6 : memref<64x512xf32, #tpu.memory_space<vmem>>) target(%dma_start3A_246 : memref<64x512xf32, #tpu.memory_space<hbm>>) target_semaphore(%arg8 : memref<!tpu.dma_semaphore, #tpu.memory_space<semaphore_mem>>)
    %dma_start3A_247 = arith.constant 512 : i32
    %dma_start3A_248 = arith.constant 0 : i32
    %dma_start3A_249 = tpu.memref_slice %arg3[%add3A_156, %dma_start3A_247, %dma_start3A_248] : memref<160x1024x512xf32, #tpu.memory_space<hbm>> -> memref<1x64x512xf32, #tpu.memory_space<hbm>>
    %dma_start3A_250 = tpu.memref_squeeze %dma_start3A_249 : memref<1x64x512xf32, #tpu.memory_space<hbm>> -> memref<64x512xf32, #tpu.memory_space<hbm>>
    %dma_start3A_251 = arith.constant 512 : i32
    %dma_start3A_252 = arith.constant 0 : i32
    %dma_start3A_253 = tpu.memref_slice %arg3[%add3A_156, %dma_start3A_251, %dma_start3A_252] : memref<160x1024x512xf32, #tpu.memory_space<hbm>> -> memref<1x64x512xf32, #tpu.memory_space<hbm>>
    %dma_start3A_254 = tpu.memref_squeeze %dma_start3A_253 : memref<1x64x512xf32, #tpu.memory_space<hbm>> -> memref<64x512xf32, #tpu.memory_space<hbm>>
    tpu.enqueue_dma source(%arg6 : memref<64x512xf32, #tpu.memory_space<vmem>>) target(%dma_start3A_254 : memref<64x512xf32, #tpu.memory_space<hbm>>) target_semaphore(%arg8 : memref<!tpu.dma_semaphore, #tpu.memory_space<semaphore_mem>>)
    %dma_start3A_255 = arith.constant 576 : i32
    %dma_start3A_256 = arith.constant 0 : i32
    %dma_start3A_257 = tpu.memref_slice %arg3[%add3A_156, %dma_start3A_255, %dma_start3A_256] : memref<160x1024x512xf32, #tpu.memory_space<hbm>> -> memref<1x64x512xf32, #tpu.memory_space<hbm>>
    %dma_start3A_258 = tpu.memref_squeeze %dma_start3A_257 : memref<1x64x512xf32, #tpu.memory_space<hbm>> -> memref<64x512xf32, #tpu.memory_space<hbm>>
    %dma_start3A_259 = arith.constant 576 : i32
    %dma_start3A_260 = arith.constant 0 : i32
    %dma_start3A_261 = tpu.memref_slice %arg3[%add3A_156, %dma_start3A_259, %dma_start3A_260] : memref<160x1024x512xf32, #tpu.memory_space<hbm>> -> memref<1x64x512xf32, #tpu.memory_space<hbm>>
    %dma_start3A_262 = tpu.memref_squeeze %dma_start3A_261 : memref<1x64x512xf32, #tpu.memory_space<hbm>> -> memref<64x512xf32, #tpu.memory_space<hbm>>
    tpu.enqueue_dma source(%arg6 : memref<64x512xf32, #tpu.memory_space<vmem>>) target(%dma_start3A_262 : memref<64x512xf32, #tpu.memory_space<hbm>>) target_semaphore(%arg8 : memref<!tpu.dma_semaphore, #tpu.memory_space<semaphore_mem>>)
    %dma_start3A_263 = arith.constant 640 : i32
    %dma_start3A_264 = arith.constant 0 : i32
    %dma_start3A_265 = tpu.memref_slice %arg3[%add3A_156, %dma_start3A_263, %dma_start3A_264] : memref<160x1024x512xf32, #tpu.memory_space<hbm>> -> memref<1x64x512xf32, #tpu.memory_space<hbm>>
    %dma_start3A_266 = tpu.memref_squeeze %dma_start3A_265 : memref<1x64x512xf32, #tpu.memory_space<hbm>> -> memref<64x512xf32, #tpu.memory_space<hbm>>
    %dma_start3A_267 = arith.constant 640 : i32
    %dma_start3A_268 = arith.constant 0 : i32
    %dma_start3A_269 = tpu.memref_slice %arg3[%add3A_156, %dma_start3A_267, %dma_start3A_268] : memref<160x1024x512xf32, #tpu.memory_space<hbm>> -> memref<1x64x512xf32, #tpu.memory_space<hbm>>
    %dma_start3A_270 = tpu.memref_squeeze %dma_start3A_269 : memref<1x64x512xf32, #tpu.memory_space<hbm>> -> memref<64x512xf32, #tpu.memory_space<hbm>>
    tpu.enqueue_dma source(%arg6 : memref<64x512xf32, #tpu.memory_space<vmem>>) target(%dma_start3A_270 : memref<64x512xf32, #tpu.memory_space<hbm>>) target_semaphore(%arg8 : memref<!tpu.dma_semaphore, #tpu.memory_space<semaphore_mem>>)
    %dma_start3A_271 = arith.constant 704 : i32
    %dma_start3A_272 = arith.constant 0 : i32
    %dma_start3A_273 = tpu.memref_slice %arg3[%add3A_156, %dma_start3A_271, %dma_start3A_272] : memref<160x1024x512xf32, #tpu.memory_space<hbm>> -> memref<1x64x512xf32, #tpu.memory_space<hbm>>
    %dma_start3A_274 = tpu.memref_squeeze %dma_start3A_273 : memref<1x64x512xf32, #tpu.memory_space<hbm>> -> memref<64x512xf32, #tpu.memory_space<hbm>>
    %dma_start3A_275 = arith.constant 704 : i32
    %dma_start3A_276 = arith.constant 0 : i32
    %dma_start3A_277 = tpu.memref_slice %arg3[%add3A_156, %dma_start3A_275, %dma_start3A_276] : memref<160x1024x512xf32, #tpu.memory_space<hbm>> -> memref<1x64x512xf32, #tpu.memory_space<hbm>>
    %dma_start3A_278 = tpu.memref_squeeze %dma_start3A_277 : memref<1x64x512xf32, #tpu.memory_space<hbm>> -> memref<64x512xf32, #tpu.memory_space<hbm>>
    tpu.enqueue_dma source(%arg6 : memref<64x512xf32, #tpu.memory_space<vmem>>) target(%dma_start3A_278 : memref<64x512xf32, #tpu.memory_space<hbm>>) target_semaphore(%arg8 : memref<!tpu.dma_semaphore, #tpu.memory_space<semaphore_mem>>)
    %dma_start3A_279 = arith.constant 768 : i32
    %dma_start3A_280 = arith.constant 0 : i32
    %dma_start3A_281 = tpu.memref_slice %arg3[%add3A_156, %dma_start3A_279, %dma_start3A_280] : memref<160x1024x512xf32, #tpu.memory_space<hbm>> -> memref<1x64x512xf32, #tpu.memory_space<hbm>>
    %dma_start3A_282 = tpu.memref_squeeze %dma_start3A_281 : memref<1x64x512xf32, #tpu.memory_space<hbm>> -> memref<64x512xf32, #tpu.memory_space<hbm>>
    %dma_start3A_283 = arith.constant 768 : i32
    %dma_start3A_284 = arith.constant 0 : i32
    %dma_start3A_285 = tpu.memref_slice %arg3[%add3A_156, %dma_start3A_283, %dma_start3A_284] : memref<160x1024x512xf32, #tpu.memory_space<hbm>> -> memref<1x64x512xf32, #tpu.memory_space<hbm>>
    %dma_start3A_286 = tpu.memref_squeeze %dma_start3A_285 : memref<1x64x512xf32, #tpu.memory_space<hbm>> -> memref<64x512xf32, #tpu.memory_space<hbm>>
    tpu.enqueue_dma source(%arg6 : memref<64x512xf32, #tpu.memory_space<vmem>>) target(%dma_start3A_286 : memref<64x512xf32, #tpu.memory_space<hbm>>) target_semaphore(%arg8 : memref<!tpu.dma_semaphore, #tpu.memory_space<semaphore_mem>>)
    %dma_start3A_287 = arith.constant 832 : i32
    %dma_start3A_288 = arith.constant 0 : i32
    %dma_start3A_289 = tpu.memref_slice %arg3[%add3A_156, %dma_start3A_287, %dma_start3A_288] : memref<160x1024x512xf32, #tpu.memory_space<hbm>> -> memref<1x64x512xf32, #tpu.memory_space<hbm>>
    %dma_start3A_290 = tpu.memref_squeeze %dma_start3A_289 : memref<1x64x512xf32, #tpu.memory_space<hbm>> -> memref<64x512xf32, #tpu.memory_space<hbm>>
    %dma_start3A_291 = arith.constant 832 : i32
    %dma_start3A_292 = arith.constant 0 : i32
    %dma_start3A_293 = tpu.memref_slice %arg3[%add3A_156, %dma_start3A_291, %dma_start3A_292] : memref<160x1024x512xf32, #tpu.memory_space<hbm>> -> memref<1x64x512xf32, #tpu.memory_space<hbm>>
    %dma_start3A_294 = tpu.memref_squeeze %dma_start3A_293 : memref<1x64x512xf32, #tpu.memory_space<hbm>> -> memref<64x512xf32, #tpu.memory_space<hbm>>
    tpu.enqueue_dma source(%arg6 : memref<64x512xf32, #tpu.memory_space<vmem>>) target(%dma_start3A_294 : memref<64x512xf32, #tpu.memory_space<hbm>>) target_semaphore(%arg8 : memref<!tpu.dma_semaphore, #tpu.memory_space<semaphore_mem>>)
    %dma_start3A_295 = arith.constant 896 : i32
    %dma_start3A_296 = arith.constant 0 : i32
    %dma_start3A_297 = tpu.memref_slice %arg3[%add3A_156, %dma_start3A_295, %dma_start3A_296] : memref<160x1024x512xf32, #tpu.memory_space<hbm>> -> memref<1x64x512xf32, #tpu.memory_space<hbm>>
    %dma_start3A_298 = tpu.memref_squeeze %dma_start3A_297 : memref<1x64x512xf32, #tpu.memory_space<hbm>> -> memref<64x512xf32, #tpu.memory_space<hbm>>
    %dma_start3A_299 = arith.constant 896 : i32
    %dma_start3A_300 = arith.constant 0 : i32
    %dma_start3A_301 = tpu.memref_slice %arg3[%add3A_156, %dma_start3A_299, %dma_start3A_300] : memref<160x1024x512xf32, #tpu.memory_space<hbm>> -> memref<1x64x512xf32, #tpu.memory_space<hbm>>
    %dma_start3A_302 = tpu.memref_squeeze %dma_start3A_301 : memref<1x64x512xf32, #tpu.memory_space<hbm>> -> memref<64x512xf32, #tpu.memory_space<hbm>>
    tpu.enqueue_dma source(%arg6 : memref<64x512xf32, #tpu.memory_space<vmem>>) target(%dma_start3A_302 : memref<64x512xf32, #tpu.memory_space<hbm>>) target_semaphore(%arg8 : memref<!tpu.dma_semaphore, #tpu.memory_space<semaphore_mem>>)
    %dma_start3A_303 = arith.constant 960 : i32
    %dma_start3A_304 = arith.constant 0 : i32
    %dma_start3A_305 = tpu.memref_slice %arg3[%add3A_156, %dma_start3A_303, %dma_start3A_304] : memref<160x1024x512xf32, #tpu.memory_space<hbm>> -> memref<1x64x512xf32, #tpu.memory_space<hbm>>
    %dma_start3A_306 = tpu.memref_squeeze %dma_start3A_305 : memref<1x64x512xf32, #tpu.memory_space<hbm>> -> memref<64x512xf32, #tpu.memory_space<hbm>>
    %dma_start3A_307 = arith.constant 960 : i32
    %dma_start3A_308 = arith.constant 0 : i32
    %dma_start3A_309 = tpu.memref_slice %arg3[%add3A_156, %dma_start3A_307, %dma_start3A_308] : memref<160x1024x512xf32, #tpu.memory_space<hbm>> -> memref<1x64x512xf32, #tpu.memory_space<hbm>>
    %dma_start3A_310 = tpu.memref_squeeze %dma_start3A_309 : memref<1x64x512xf32, #tpu.memory_space<hbm>> -> memref<64x512xf32, #tpu.memory_space<hbm>>
    tpu.enqueue_dma source(%arg6 : memref<64x512xf32, #tpu.memory_space<vmem>>) target(%dma_start3A_310 : memref<64x512xf32, #tpu.memory_space<hbm>>) target_semaphore(%arg8 : memref<!tpu.dma_semaphore, #tpu.memory_space<semaphore_mem>>)
    %add3A_311 = arith.constant 2 : i32
    %add3A_312 = arith.addi %mul3A_2, %add3A_311 : i32
    %dma_wait3A_313 = arith.constant 0 : i32
    %dma_wait3A_314 = arith.constant 0 : i32
    %dma_wait3A_315 = tpu.memref_slice %arg3[%add3A_4, %dma_wait3A_313, %dma_wait3A_314] : memref<160x1024x512xf32, #tpu.memory_space<hbm>> -> memref<1x64x512xf32, #tpu.memory_space<hbm>>
    %dma_wait3A_316 = tpu.memref_squeeze %dma_wait3A_315 : memref<1x64x512xf32, #tpu.memory_space<hbm>> -> memref<64x512xf32, #tpu.memory_space<hbm>>
    %dma_wait3A_317 = arith.constant 0 : i32
    %dma_wait3A_318 = arith.constant 0 : i32
    %dma_wait3A_319 = tpu.memref_slice %arg3[%add3A_4, %dma_wait3A_317, %dma_wait3A_318] : memref<160x1024x512xf32, #tpu.memory_space<hbm>> -> memref<1x64x512xf32, #tpu.memory_space<hbm>>
    %dma_wait3A_320 = tpu.memref_squeeze %dma_wait3A_319 : memref<1x64x512xf32, #tpu.memory_space<hbm>> -> memref<64x512xf32, #tpu.memory_space<hbm>>
    tpu.wait_dma2 semaphore(%arg8 : memref<!tpu.dma_semaphore, #tpu.memory_space<semaphore_mem>>) src(%arg5 : memref<64x512xf32, #tpu.memory_space<vmem>>) dst(%dma_wait3A_320 : memref<64x512xf32, #tpu.memory_space<hbm>>)
    %dma_wait3A_321 = arith.constant 64 : i32
    %dma_wait3A_322 = arith.constant 0 : i32
    %dma_wait3A_323 = tpu.memref_slice %arg3[%add3A_4, %dma_wait3A_321, %dma_wait3A_322] : memref<160x1024x512xf32, #tpu.memory_space<hbm>> -> memref<1x64x512xf32, #tpu.memory_space<hbm>>
    %dma_wait3A_324 = tpu.memref_squeeze %dma_wait3A_323 : memref<1x64x512xf32, #tpu.memory_space<hbm>> -> memref<64x512xf32, #tpu.memory_space<hbm>>
    %dma_wait3A_325 = arith.constant 64 : i32
    %dma_wait3A_326 = arith.constant 0 : i32
    %dma_wait3A_327 = tpu.memref_slice %arg3[%add3A_4, %dma_wait3A_325, %dma_wait3A_326] : memref<160x1024x512xf32, #tpu.memory_space<hbm>> -> memref<1x64x512xf32, #tpu.memory_space<hbm>>
    %dma_wait3A_328 = tpu.memref_squeeze %dma_wait3A_327 : memref<1x64x512xf32, #tpu.memory_space<hbm>> -> memref<64x512xf32, #tpu.memory_space<hbm>>
    tpu.wait_dma2 semaphore(%arg8 : memref<!tpu.dma_semaphore, #tpu.memory_space<semaphore_mem>>) src(%arg5 : memref<64x512xf32, #tpu.memory_space<vmem>>) dst(%dma_wait3A_328 : memref<64x512xf32, #tpu.memory_space<hbm>>)
    %dma_wait3A_329 = arith.constant 128 : i32
    %dma_wait3A_330 = arith.constant 0 : i32
    %dma_wait3A_331 = tpu.memref_slice %arg3[%add3A_4, %dma_wait3A_329, %dma_wait3A_330] : memref<160x1024x512xf32, #tpu.memory_space<hbm>> -> memref<1x64x512xf32, #tpu.memory_space<hbm>>
    %dma_wait3A_332 = tpu.memref_squeeze %dma_wait3A_331 : memref<1x64x512xf32, #tpu.memory_space<hbm>> -> memref<64x512xf32, #tpu.memory_space<hbm>>
    %dma_wait3A_333 = arith.constant 128 : i32
    %dma_wait3A_334 = arith.constant 0 : i32
    %dma_wait3A_335 = tpu.memref_slice %arg3[%add3A_4, %dma_wait3A_333, %dma_wait3A_334] : memref<160x1024x512xf32, #tpu.memory_space<hbm>> -> memref<1x64x512xf32, #tpu.memory_space<hbm>>
    %dma_wait3A_336 = tpu.memref_squeeze %dma_wait3A_335 : memref<1x64x512xf32, #tpu.memory_space<hbm>> -> memref<64x512xf32, #tpu.memory_space<hbm>>
    tpu.wait_dma2 semaphore(%arg8 : memref<!tpu.dma_semaphore, #tpu.memory_space<semaphore_mem>>) src(%arg5 : memref<64x512xf32, #tpu.memory_space<vmem>>) dst(%dma_wait3A_336 : memref<64x512xf32, #tpu.memory_space<hbm>>)
    %dma_wait3A_337 = arith.constant 192 : i32
    %dma_wait3A_338 = arith.constant 0 : i32
    %dma_wait3A_339 = tpu.memref_slice %arg3[%add3A_4, %dma_wait3A_337, %dma_wait3A_338] : memref<160x1024x512xf32, #tpu.memory_space<hbm>> -> memref<1x64x512xf32, #tpu.memory_space<hbm>>
    %dma_wait3A_340 = tpu.memref_squeeze %dma_wait3A_339 : memref<1x64x512xf32, #tpu.memory_space<hbm>> -> memref<64x512xf32, #tpu.memory_space<hbm>>
    %dma_wait3A_341 = arith.constant 192 : i32
    %dma_wait3A_342 = arith.constant 0 : i32
    %dma_wait3A_343 = tpu.memref_slice %arg3[%add3A_4, %dma_wait3A_341, %dma_wait3A_342] : memref<160x1024x512xf32, #tpu.memory_space<hbm>> -> memref<1x64x512xf32, #tpu.memory_space<hbm>>
    %dma_wait3A_344 = tpu.memref_squeeze %dma_wait3A_343 : memref<1x64x512xf32, #tpu.memory_space<hbm>> -> memref<64x512xf32, #tpu.memory_space<hbm>>
    tpu.wait_dma2 semaphore(%arg8 : memref<!tpu.dma_semaphore, #tpu.memory_space<semaphore_mem>>) src(%arg5 : memref<64x512xf32, #tpu.memory_space<vmem>>) dst(%dma_wait3A_344 : memref<64x512xf32, #tpu.memory_space<hbm>>)
    %dma_wait3A_345 = arith.constant 256 : i32
    %dma_wait3A_346 = arith.constant 0 : i32
    %dma_wait3A_347 = tpu.memref_slice %arg3[%add3A_4, %dma_wait3A_345, %dma_wait3A_346] : memref<160x1024x512xf32, #tpu.memory_space<hbm>> -> memref<1x64x512xf32, #tpu.memory_space<hbm>>
    %dma_wait3A_348 = tpu.memref_squeeze %dma_wait3A_347 : memref<1x64x512xf32, #tpu.memory_space<hbm>> -> memref<64x512xf32, #tpu.memory_space<hbm>>
    %dma_wait3A_349 = arith.constant 256 : i32
    %dma_wait3A_350 = arith.constant 0 : i32
    %dma_wait3A_351 = tpu.memref_slice %arg3[%add3A_4, %dma_wait3A_349, %dma_wait3A_350] : memref<160x1024x512xf32, #tpu.memory_space<hbm>> -> memref<1x64x512xf32, #tpu.memory_space<hbm>>
    %dma_wait3A_352 = tpu.memref_squeeze %dma_wait3A_351 : memref<1x64x512xf32, #tpu.memory_space<hbm>> -> memref<64x512xf32, #tpu.memory_space<hbm>>
    tpu.wait_dma2 semaphore(%arg8 : memref<!tpu.dma_semaphore, #tpu.memory_space<semaphore_mem>>) src(%arg5 : memref<64x512xf32, #tpu.memory_space<vmem>>) dst(%dma_wait3A_352 : memref<64x512xf32, #tpu.memory_space<hbm>>)
    %dma_wait3A_353 = arith.constant 320 : i32
    %dma_wait3A_354 = arith.constant 0 : i32
    %dma_wait3A_355 = tpu.memref_slice %arg3[%add3A_4, %dma_wait3A_353, %dma_wait3A_354] : memref<160x1024x512xf32, #tpu.memory_space<hbm>> -> memref<1x64x512xf32, #tpu.memory_space<hbm>>
    %dma_wait3A_356 = tpu.memref_squeeze %dma_wait3A_355 : memref<1x64x512xf32, #tpu.memory_space<hbm>> -> memref<64x512xf32, #tpu.memory_space<hbm>>
    %dma_wait3A_357 = arith.constant 320 : i32
    %dma_wait3A_358 = arith.constant 0 : i32
    %dma_wait3A_359 = tpu.memref_slice %arg3[%add3A_4, %dma_wait3A_357, %dma_wait3A_358] : memref<160x1024x512xf32, #tpu.memory_space<hbm>> -> memref<1x64x512xf32, #tpu.memory_space<hbm>>
    %dma_wait3A_360 = tpu.memref_squeeze %dma_wait3A_359 : memref<1x64x512xf32, #tpu.memory_space<hbm>> -> memref<64x512xf32, #tpu.memory_space<hbm>>
    tpu.wait_dma2 semaphore(%arg8 : memref<!tpu.dma_semaphore, #tpu.memory_space<semaphore_mem>>) src(%arg5 : memref<64x512xf32, #tpu.memory_space<vmem>>) dst(%dma_wait3A_360 : memref<64x512xf32, #tpu.memory_space<hbm>>)
    %dma_wait3A_361 = arith.constant 384 : i32
    %dma_wait3A_362 = arith.constant 0 : i32
    %dma_wait3A_363 = tpu.memref_slice %arg3[%add3A_4, %dma_wait3A_361, %dma_wait3A_362] : memref<160x1024x512xf32, #tpu.memory_space<hbm>> -> memref<1x64x512xf32, #tpu.memory_space<hbm>>
    %dma_wait3A_364 = tpu.memref_squeeze %dma_wait3A_363 : memref<1x64x512xf32, #tpu.memory_space<hbm>> -> memref<64x512xf32, #tpu.memory_space<hbm>>
    %dma_wait3A_365 = arith.constant 384 : i32
    %dma_wait3A_366 = arith.constant 0 : i32
    %dma_wait3A_367 = tpu.memref_slice %arg3[%add3A_4, %dma_wait3A_365, %dma_wait3A_366] : memref<160x1024x512xf32, #tpu.memory_space<hbm>> -> memref<1x64x512xf32, #tpu.memory_space<hbm>>
    %dma_wait3A_368 = tpu.memref_squeeze %dma_wait3A_367 : memref<1x64x512xf32, #tpu.memory_space<hbm>> -> memref<64x512xf32, #tpu.memory_space<hbm>>
    tpu.wait_dma2 semaphore(%arg8 : memref<!tpu.dma_semaphore, #tpu.memory_space<semaphore_mem>>) src(%arg5 : memref<64x512xf32, #tpu.memory_space<vmem>>) dst(%dma_wait3A_368 : memref<64x512xf32, #tpu.memory_space<hbm>>)
    %dma_wait3A_369 = arith.constant 448 : i32
    %dma_wait3A_370 = arith.constant 0 : i32
    %dma_wait3A_371 = tpu.memref_slice %arg3[%add3A_4, %dma_wait3A_369, %dma_wait3A_370] : memref<160x1024x512xf32, #tpu.memory_space<hbm>> -> memref<1x64x512xf32, #tpu.memory_space<hbm>>
    %dma_wait3A_372 = tpu.memref_squeeze %dma_wait3A_371 : memref<1x64x512xf32, #tpu.memory_space<hbm>> -> memref<64x512xf32, #tpu.memory_space<hbm>>
    %dma_wait3A_373 = arith.constant 448 : i32
    %dma_wait3A_374 = arith.constant 0 : i32
    %dma_wait3A_375 = tpu.memref_slice %arg3[%add3A_4, %dma_wait3A_373, %dma_wait3A_374] : memref<160x1024x512xf32, #tpu.memory_space<hbm>> -> memref<1x64x512xf32, #tpu.memory_space<hbm>>
    %dma_wait3A_376 = tpu.memref_squeeze %dma_wait3A_375 : memref<1x64x512xf32, #tpu.memory_space<hbm>> -> memref<64x512xf32, #tpu.memory_space<hbm>>
    tpu.wait_dma2 semaphore(%arg8 : memref<!tpu.dma_semaphore, #tpu.memory_space<semaphore_mem>>) src(%arg5 : memref<64x512xf32, #tpu.memory_space<vmem>>) dst(%dma_wait3A_376 : memref<64x512xf32, #tpu.memory_space<hbm>>)
    %dma_wait3A_377 = arith.constant 512 : i32
    %dma_wait3A_378 = arith.constant 0 : i32
    %dma_wait3A_379 = tpu.memref_slice %arg3[%add3A_4, %dma_wait3A_377, %dma_wait3A_378] : memref<160x1024x512xf32, #tpu.memory_space<hbm>> -> memref<1x64x512xf32, #tpu.memory_space<hbm>>
    %dma_wait3A_380 = tpu.memref_squeeze %dma_wait3A_379 : memref<1x64x512xf32, #tpu.memory_space<hbm>> -> memref<64x512xf32, #tpu.memory_space<hbm>>
    %dma_wait3A_381 = arith.constant 512 : i32
    %dma_wait3A_382 = arith.constant 0 : i32
    %dma_wait3A_383 = tpu.memref_slice %arg3[%add3A_4, %dma_wait3A_381, %dma_wait3A_382] : memref<160x1024x512xf32, #tpu.memory_space<hbm>> -> memref<1x64x512xf32, #tpu.memory_space<hbm>>
    %dma_wait3A_384 = tpu.memref_squeeze %dma_wait3A_383 : memref<1x64x512xf32, #tpu.memory_space<hbm>> -> memref<64x512xf32, #tpu.memory_space<hbm>>
    tpu.wait_dma2 semaphore(%arg8 : memref<!tpu.dma_semaphore, #tpu.memory_space<semaphore_mem>>) src(%arg5 : memref<64x512xf32, #tpu.memory_space<vmem>>) dst(%dma_wait3A_384 : memref<64x512xf32, #tpu.memory_space<hbm>>)
    %dma_wait3A_385 = arith.constant 576 : i32
    %dma_wait3A_386 = arith.constant 0 : i32
    %dma_wait3A_387 = tpu.memref_slice %arg3[%add3A_4, %dma_wait3A_385, %dma_wait3A_386] : memref<160x1024x512xf32, #tpu.memory_space<hbm>> -> memref<1x64x512xf32, #tpu.memory_space<hbm>>
    %dma_wait3A_388 = tpu.memref_squeeze %dma_wait3A_387 : memref<1x64x512xf32, #tpu.memory_space<hbm>> -> memref<64x512xf32, #tpu.memory_space<hbm>>
    %dma_wait3A_389 = arith.constant 576 : i32
    %dma_wait3A_390 = arith.constant 0 : i32
    %dma_wait3A_391 = tpu.memref_slice %arg3[%add3A_4, %dma_wait3A_389, %dma_wait3A_390] : memref<160x1024x512xf32, #tpu.memory_space<hbm>> -> memref<1x64x512xf32, #tpu.memory_space<hbm>>
    %dma_wait3A_392 = tpu.memref_squeeze %dma_wait3A_391 : memref<1x64x512xf32, #tpu.memory_space<hbm>> -> memref<64x512xf32, #tpu.memory_space<hbm>>
    tpu.wait_dma2 semaphore(%arg8 : memref<!tpu.dma_semaphore, #tpu.memory_space<semaphore_mem>>) src(%arg5 : memref<64x512xf32, #tpu.memory_space<vmem>>) dst(%dma_wait3A_392 : memref<64x512xf32, #tpu.memory_space<hbm>>)
    %dma_wait3A_393 = arith.constant 640 : i32
    %dma_wait3A_394 = arith.constant 0 : i32
    %dma_wait3A_395 = tpu.memref_slice %arg3[%add3A_4, %dma_wait3A_393, %dma_wait3A_394] : memref<160x1024x512xf32, #tpu.memory_space<hbm>> -> memref<1x64x512xf32, #tpu.memory_space<hbm>>
    %dma_wait3A_396 = tpu.memref_squeeze %dma_wait3A_395 : memref<1x64x512xf32, #tpu.memory_space<hbm>> -> memref<64x512xf32, #tpu.memory_space<hbm>>
    %dma_wait3A_397 = arith.constant 640 : i32
    %dma_wait3A_398 = arith.constant 0 : i32
    %dma_wait3A_399 = tpu.memref_slice %arg3[%add3A_4, %dma_wait3A_397, %dma_wait3A_398] : memref<160x1024x512xf32, #tpu.memory_space<hbm>> -> memref<1x64x512xf32, #tpu.memory_space<hbm>>
    %dma_wait3A_400 = tpu.memref_squeeze %dma_wait3A_399 : memref<1x64x512xf32, #tpu.memory_space<hbm>> -> memref<64x512xf32, #tpu.memory_space<hbm>>
    tpu.wait_dma2 semaphore(%arg8 : memref<!tpu.dma_semaphore, #tpu.memory_space<semaphore_mem>>) src(%arg5 : memref<64x512xf32, #tpu.memory_space<vmem>>) dst(%dma_wait3A_400 : memref<64x512xf32, #tpu.memory_space<hbm>>)
    %dma_wait3A_401 = arith.constant 704 : i32
    %dma_wait3A_402 = arith.constant 0 : i32
    %dma_wait3A_403 = tpu.memref_slice %arg3[%add3A_4, %dma_wait3A_401, %dma_wait3A_402] : memref<160x1024x512xf32, #tpu.memory_space<hbm>> -> memref<1x64x512xf32, #tpu.memory_space<hbm>>
    %dma_wait3A_404 = tpu.memref_squeeze %dma_wait3A_403 : memref<1x64x512xf32, #tpu.memory_space<hbm>> -> memref<64x512xf32, #tpu.memory_space<hbm>>
    %dma_wait3A_405 = arith.constant 704 : i32
    %dma_wait3A_406 = arith.constant 0 : i32
    %dma_wait3A_407 = tpu.memref_slice %arg3[%add3A_4, %dma_wait3A_405, %dma_wait3A_406] : memref<160x1024x512xf32, #tpu.memory_space<hbm>> -> memref<1x64x512xf32, #tpu.memory_space<hbm>>
    %dma_wait3A_408 = tpu.memref_squeeze %dma_wait3A_407 : memref<1x64x512xf32, #tpu.memory_space<hbm>> -> memref<64x512xf32, #tpu.memory_space<hbm>>
    tpu.wait_dma2 semaphore(%arg8 : memref<!tpu.dma_semaphore, #tpu.memory_space<semaphore_mem>>) src(%arg5 : memref<64x512xf32, #tpu.memory_space<vmem>>) dst(%dma_wait3A_408 : memref<64x512xf32, #tpu.memory_space<hbm>>)
    %dma_wait3A_409 = arith.constant 768 : i32
    %dma_wait3A_410 = arith.constant 0 : i32
    %dma_wait3A_411 = tpu.memref_slice %arg3[%add3A_4, %dma_wait3A_409, %dma_wait3A_410] : memref<160x1024x512xf32, #tpu.memory_space<hbm>> -> memref<1x64x512xf32, #tpu.memory_space<hbm>>
    %dma_wait3A_412 = tpu.memref_squeeze %dma_wait3A_411 : memref<1x64x512xf32, #tpu.memory_space<hbm>> -> memref<64x512xf32, #tpu.memory_space<hbm>>
    %dma_wait3A_413 = arith.constant 768 : i32
    %dma_wait3A_414 = arith.constant 0 : i32
    %dma_wait3A_415 = tpu.memref_slice %arg3[%add3A_4, %dma_wait3A_413, %dma_wait3A_414] : memref<160x1024x512xf32, #tpu.memory_space<hbm>> -> memref<1x64x512xf32, #tpu.memory_space<hbm>>
    %dma_wait3A_416 = tpu.memref_squeeze %dma_wait3A_415 : memref<1x64x512xf32, #tpu.memory_space<hbm>> -> memref<64x512xf32, #tpu.memory_space<hbm>>
    tpu.wait_dma2 semaphore(%arg8 : memref<!tpu.dma_semaphore, #tpu.memory_space<semaphore_mem>>) src(%arg5 : memref<64x512xf32, #tpu.memory_space<vmem>>) dst(%dma_wait3A_416 : memref<64x512xf32, #tpu.memory_space<hbm>>)
    %dma_wait3A_417 = arith.constant 832 : i32
    %dma_wait3A_418 = arith.constant 0 : i32
    %dma_wait3A_419 = tpu.memref_slice %arg3[%add3A_4, %dma_wait3A_417, %dma_wait3A_418] : memref<160x1024x512xf32, #tpu.memory_space<hbm>> -> memref<1x64x512xf32, #tpu.memory_space<hbm>>
    %dma_wait3A_420 = tpu.memref_squeeze %dma_wait3A_419 : memref<1x64x512xf32, #tpu.memory_space<hbm>> -> memref<64x512xf32, #tpu.memory_space<hbm>>
    %dma_wait3A_421 = arith.constant 832 : i32
    %dma_wait3A_422 = arith.constant 0 : i32
    %dma_wait3A_423 = tpu.memref_slice %arg3[%add3A_4, %dma_wait3A_421, %dma_wait3A_422] : memref<160x1024x512xf32, #tpu.memory_space<hbm>> -> memref<1x64x512xf32, #tpu.memory_space<hbm>>
    %dma_wait3A_424 = tpu.memref_squeeze %dma_wait3A_423 : memref<1x64x512xf32, #tpu.memory_space<hbm>> -> memref<64x512xf32, #tpu.memory_space<hbm>>
    tpu.wait_dma2 semaphore(%arg8 : memref<!tpu.dma_semaphore, #tpu.memory_space<semaphore_mem>>) src(%arg5 : memref<64x512xf32, #tpu.memory_space<vmem>>) dst(%dma_wait3A_424 : memref<64x512xf32, #tpu.memory_space<hbm>>)
    %dma_wait3A_425 = arith.constant 896 : i32
    %dma_wait3A_426 = arith.constant 0 : i32
    %dma_wait3A_427 = tpu.memref_slice %arg3[%add3A_4, %dma_wait3A_425, %dma_wait3A_426] : memref<160x1024x512xf32, #tpu.memory_space<hbm>> -> memref<1x64x512xf32, #tpu.memory_space<hbm>>
    %dma_wait3A_428 = tpu.memref_squeeze %dma_wait3A_427 : memref<1x64x512xf32, #tpu.memory_space<hbm>> -> memref<64x512xf32, #tpu.memory_space<hbm>>
    %dma_wait3A_429 = arith.constant 896 : i32
    %dma_wait3A_430 = arith.constant 0 : i32
    %dma_wait3A_431 = tpu.memref_slice %arg3[%add3A_4, %dma_wait3A_429, %dma_wait3A_430] : memref<160x1024x512xf32, #tpu.memory_space<hbm>> -> memref<1x64x512xf32, #tpu.memory_space<hbm>>
    %dma_wait3A_432 = tpu.memref_squeeze %dma_wait3A_431 : memref<1x64x512xf32, #tpu.memory_space<hbm>> -> memref<64x512xf32, #tpu.memory_space<hbm>>
    tpu.wait_dma2 semaphore(%arg8 : memref<!tpu.dma_semaphore, #tpu.memory_space<semaphore_mem>>) src(%arg5 : memref<64x512xf32, #tpu.memory_space<vmem>>) dst(%dma_wait3A_432 : memref<64x512xf32, #tpu.memory_space<hbm>>)
    %dma_wait3A_433 = arith.constant 960 : i32
    %dma_wait3A_434 = arith.constant 0 : i32
    %dma_wait3A_435 = tpu.memref_slice %arg3[%add3A_4, %dma_wait3A_433, %dma_wait3A_434] : memref<160x1024x512xf32, #tpu.memory_space<hbm>> -> memref<1x64x512xf32, #tpu.memory_space<hbm>>
    %dma_wait3A_436 = tpu.memref_squeeze %dma_wait3A_435 : memref<1x64x512xf32, #tpu.memory_space<hbm>> -> memref<64x512xf32, #tpu.memory_space<hbm>>
    %dma_wait3A_437 = arith.constant 960 : i32
    %dma_wait3A_438 = arith.constant 0 : i32
    %dma_wait3A_439 = tpu.memref_slice %arg3[%add3A_4, %dma_wait3A_437, %dma_wait3A_438] : memref<160x1024x512xf32, #tpu.memory_space<hbm>> -> memref<1x64x512xf32, #tpu.memory_space<hbm>>
    %dma_wait3A_440 = tpu.memref_squeeze %dma_wait3A_439 : memref<1x64x512xf32, #tpu.memory_space<hbm>> -> memref<64x512xf32, #tpu.memory_space<hbm>>
    tpu.wait_dma2 semaphore(%arg8 : memref<!tpu.dma_semaphore, #tpu.memory_space<semaphore_mem>>) src(%arg5 : memref<64x512xf32, #tpu.memory_space<vmem>>) dst(%dma_wait3A_440 : memref<64x512xf32, #tpu.memory_space<hbm>>)
    %broadcast_in_dim3A_441 = vector.broadcast %add3A_312 : i32 to vector<16xi32>
    %swap3A_442 = arith.constant 0 : index
    %swap3A_443 = tpu.vector_load %arg4[%swap3A_442] {strides = array<i32>} : memref<64xi32, #tpu.memory_space<vmem>>, vector<16xi32>,
    %swap3A_444 = vector.shape_cast %swap3A_443 : vector<16xi32> to vector<16xi32>
    %swap3A_445 = vector.shape_cast %broadcast_in_dim3A_441 : vector<16xi32> to vector<16xi32>
    tpu.vector_store %arg4[%swap3A_442], %swap3A_445 {strides = array<i32>} : memref<64xi32, #tpu.memory_space<vmem>>, vector<16xi32>,
    %broadcast_in_dim3A_446 = vector.broadcast %add3A_312 : i32 to vector<16xi32>
    %swap3A_447 = arith.constant 16 : index
    %swap3A_448 = tpu.vector_load %arg4[%swap3A_447] {strides = array<i32>} : memref<64xi32, #tpu.memory_space<vmem>>, vector<16xi32>,
    %swap3A_449 = vector.shape_cast %swap3A_448 : vector<16xi32> to vector<16xi32>
    %swap3A_450 = vector.shape_cast %broadcast_in_dim3A_446 : vector<16xi32> to vector<16xi32>
    tpu.vector_store %arg4[%swap3A_447], %swap3A_450 {strides = array<i32>} : memref<64xi32, #tpu.memory_space<vmem>>, vector<16xi32>,
    %broadcast_in_dim3A_451 = vector.broadcast %add3A_312 : i32 to vector<16xi32>
    %swap3A_452 = arith.constant 32 : index
    %swap3A_453 = tpu.vector_load %arg4[%swap3A_452] {strides = array<i32>} : memref<64xi32, #tpu.memory_space<vmem>>, vector<16xi32>,
    %swap3A_454 = vector.shape_cast %swap3A_453 : vector<16xi32> to vector<16xi32>
    %swap3A_455 = vector.shape_cast %broadcast_in_dim3A_451 : vector<16xi32> to vector<16xi32>
    tpu.vector_store %arg4[%swap3A_452], %swap3A_455 {strides = array<i32>} : memref<64xi32, #tpu.memory_space<vmem>>, vector<16xi32>,
    %broadcast_in_dim3A_456 = vector.broadcast %add3A_312 : i32 to vector<16xi32>
    %swap3A_457 = arith.constant 48 : index
    %swap3A_458 = tpu.vector_load %arg4[%swap3A_457] {strides = array<i32>} : memref<64xi32, #tpu.memory_space<vmem>>, vector<16xi32>,
    %swap3A_459 = vector.shape_cast %swap3A_458 : vector<16xi32> to vector<16xi32>
    %swap3A_460 = vector.shape_cast %broadcast_in_dim3A_456 : vector<16xi32> to vector<16xi32>
    tpu.vector_store %arg4[%swap3A_457], %swap3A_460 {strides = array<i32>} : memref<64xi32, #tpu.memory_space<vmem>>, vector<16xi32>,
    %dma_start3A_461 = arith.constant 0 : i32
    %dma_start3A_462 = arith.constant 0 : i32
    %dma_start3A_463 = tpu.memref_slice %arg2[%dma_start3A_461, %dma_start3A_462] : memref<160x512xf32, #tpu.memory_space<hbm>> -> memref<160x512xf32, #tpu.memory_space<hbm>>
    tpu.enqueue_indirect_dma source(%dma_start3A_463 : memref<160x512xf32, #tpu.memory_space<hbm>>) target(%arg5 : memref<64x512xf32, #tpu.memory_space<vmem>>) offsets(%arg4 : memref<64xi32, #tpu.memory_space<vmem>>) semaphore(%arg7 : memref<!tpu.dma_semaphore, #tpu.memory_space<semaphore_mem>>)
    %dma_wait3A_464 = arith.constant 0 : i32
    %dma_wait3A_465 = arith.constant 0 : i32
    %dma_wait3A_466 = tpu.memref_slice %arg2[%dma_wait3A_464, %dma_wait3A_465] : memref<160x512xf32, #tpu.memory_space<hbm>> -> memref<160x512xf32, #tpu.memory_space<hbm>>
    tpu.wait_indirect_dma semaphore(%arg7 : memref<!tpu.dma_semaphore, #tpu.memory_space<semaphore_mem>>) src(%dma_wait3A_466 : memref<160x512xf32, #tpu.memory_space<hbm>>) dst(%arg5 : memref<64x512xf32, #tpu.memory_space<vmem>>)
    %dma_start3A_467 = arith.constant 0 : i32
    %dma_start3A_468 = arith.constant 0 : i32
    %dma_start3A_469 = tpu.memref_slice %arg3[%add3A_312, %dma_start3A_467, %dma_start3A_468] : memref<160x1024x512xf32, #tpu.memory_space<hbm>> -> memref<1x64x512xf32, #tpu.memory_space<hbm>>
    %dma_start3A_470 = tpu.memref_squeeze %dma_start3A_469 : memref<1x64x512xf32, #tpu.memory_space<hbm>> -> memref<64x512xf32, #tpu.memory_space<hbm>>
    %dma_start3A_471 = arith.constant 0 : i32
    %dma_start3A_472 = arith.constant 0 : i32
    %dma_start3A_473 = tpu.memref_slice %arg3[%add3A_312, %dma_start3A_471, %dma_start3A_472] : memref<160x1024x512xf32, #tpu.memory_space<hbm>> -> memref<1x64x512xf32, #tpu.memory_space<hbm>>
    %dma_start3A_474 = tpu.memref_squeeze %dma_start3A_473 : memref<1x64x512xf32, #tpu.memory_space<hbm>> -> memref<64x512xf32, #tpu.memory_space<hbm>>
    tpu.enqueue_dma source(%arg5 : memref<64x512xf32, #tpu.memory_space<vmem>>) target(%dma_start3A_474 : memref<64x512xf32, #tpu.memory_space<hbm>>) target_semaphore(%arg8 : memref<!tpu.dma_semaphore, #tpu.memory_space<semaphore_mem>>)
    %dma_start3A_475 = arith.constant 64 : i32
    %dma_start3A_476 = arith.constant 0 : i32
    %dma_start3A_477 = tpu.memref_slice %arg3[%add3A_312, %dma_start3A_475, %dma_start3A_476] : memref<160x1024x512xf32, #tpu.memory_space<hbm>> -> memref<1x64x512xf32, #tpu.memory_space<hbm>>
    %dma_start3A_478 = tpu.memref_squeeze %dma_start3A_477 : memref<1x64x512xf32, #tpu.memory_space<hbm>> -> memref<64x512xf32, #tpu.memory_space<hbm>>
    %dma_start3A_479 = arith.constant 64 : i32
    %dma_start3A_480 = arith.constant 0 : i32
    %dma_start3A_481 = tpu.memref_slice %arg3[%add3A_312, %dma_start3A_479, %dma_start3A_480] : memref<160x1024x512xf32, #tpu.memory_space<hbm>> -> memref<1x64x512xf32, #tpu.memory_space<hbm>>
    %dma_start3A_482 = tpu.memref_squeeze %dma_start3A_481 : memref<1x64x512xf32, #tpu.memory_space<hbm>> -> memref<64x512xf32, #tpu.memory_space<hbm>>
    tpu.enqueue_dma source(%arg5 : memref<64x512xf32, #tpu.memory_space<vmem>>) target(%dma_start3A_482 : memref<64x512xf32, #tpu.memory_space<hbm>>) target_semaphore(%arg8 : memref<!tpu.dma_semaphore, #tpu.memory_space<semaphore_mem>>)
    %dma_start3A_483 = arith.constant 128 : i32
    %dma_start3A_484 = arith.constant 0 : i32
    %dma_start3A_485 = tpu.memref_slice %arg3[%add3A_312, %dma_start3A_483, %dma_start3A_484] : memref<160x1024x512xf32, #tpu.memory_space<hbm>> -> memref<1x64x512xf32, #tpu.memory_space<hbm>>
    %dma_start3A_486 = tpu.memref_squeeze %dma_start3A_485 : memref<1x64x512xf32, #tpu.memory_space<hbm>> -> memref<64x512xf32, #tpu.memory_space<hbm>>
    %dma_start3A_487 = arith.constant 128 : i32
    %dma_start3A_488 = arith.constant 0 : i32
    %dma_start3A_489 = tpu.memref_slice %arg3[%add3A_312, %dma_start3A_487, %dma_start3A_488] : memref<160x1024x512xf32, #tpu.memory_space<hbm>> -> memref<1x64x512xf32, #tpu.memory_space<hbm>>
    %dma_start3A_490 = tpu.memref_squeeze %dma_start3A_489 : memref<1x64x512xf32, #tpu.memory_space<hbm>> -> memref<64x512xf32, #tpu.memory_space<hbm>>
    tpu.enqueue_dma source(%arg5 : memref<64x512xf32, #tpu.memory_space<vmem>>) target(%dma_start3A_490 : memref<64x512xf32, #tpu.memory_space<hbm>>) target_semaphore(%arg8 : memref<!tpu.dma_semaphore, #tpu.memory_space<semaphore_mem>>)
    %dma_start3A_491 = arith.constant 192 : i32
    %dma_start3A_492 = arith.constant 0 : i32
    %dma_start3A_493 = tpu.memref_slice %arg3[%add3A_312, %dma_start3A_491, %dma_start3A_492] : memref<160x1024x512xf32, #tpu.memory_space<hbm>> -> memref<1x64x512xf32, #tpu.memory_space<hbm>>
    %dma_start3A_494 = tpu.memref_squeeze %dma_start3A_493 : memref<1x64x512xf32, #tpu.memory_space<hbm>> -> memref<64x512xf32, #tpu.memory_space<hbm>>
    %dma_start3A_495 = arith.constant 192 : i32
    %dma_start3A_496 = arith.constant 0 : i32
    %dma_start3A_497 = tpu.memref_slice %arg3[%add3A_312, %dma_start3A_495, %dma_start3A_496] : memref<160x1024x512xf32, #tpu.memory_space<hbm>> -> memref<1x64x512xf32, #tpu.memory_space<hbm>>
    %dma_start3A_498 = tpu.memref_squeeze %dma_start3A_497 : memref<1x64x512xf32, #tpu.memory_space<hbm>> -> memref<64x512xf32, #tpu.memory_space<hbm>>
    tpu.enqueue_dma source(%arg5 : memref<64x512xf32, #tpu.memory_space<vmem>>) target(%dma_start3A_498 : memref<64x512xf32, #tpu.memory_space<hbm>>) target_semaphore(%arg8 : memref<!tpu.dma_semaphore, #tpu.memory_space<semaphore_mem>>)
    %dma_start3A_499 = arith.constant 256 : i32
    %dma_start3A_500 = arith.constant 0 : i32
    %dma_start3A_501 = tpu.memref_slice %arg3[%add3A_312, %dma_start3A_499, %dma_start3A_500] : memref<160x1024x512xf32, #tpu.memory_space<hbm>> -> memref<1x64x512xf32, #tpu.memory_space<hbm>>
    %dma_start3A_502 = tpu.memref_squeeze %dma_start3A_501 : memref<1x64x512xf32, #tpu.memory_space<hbm>> -> memref<64x512xf32, #tpu.memory_space<hbm>>
    %dma_start3A_503 = arith.constant 256 : i32
    %dma_start3A_504 = arith.constant 0 : i32
    %dma_start3A_505 = tpu.memref_slice %arg3[%add3A_312, %dma_start3A_503, %dma_start3A_504] : memref<160x1024x512xf32, #tpu.memory_space<hbm>> -> memref<1x64x512xf32, #tpu.memory_space<hbm>>
    %dma_start3A_506 = tpu.memref_squeeze %dma_start3A_505 : memref<1x64x512xf32, #tpu.memory_space<hbm>> -> memref<64x512xf32, #tpu.memory_space<hbm>>
    tpu.enqueue_dma source(%arg5 : memref<64x512xf32, #tpu.memory_space<vmem>>) target(%dma_start3A_506 : memref<64x512xf32, #tpu.memory_space<hbm>>) target_semaphore(%arg8 : memref<!tpu.dma_semaphore, #tpu.memory_space<semaphore_mem>>)
    %dma_start3A_507 = arith.constant 320 : i32
    %dma_start3A_508 = arith.constant 0 : i32
    %dma_start3A_509 = tpu.memref_slice %arg3[%add3A_312, %dma_start3A_507, %dma_start3A_508] : memref<160x1024x512xf32, #tpu.memory_space<hbm>> -> memref<1x64x512xf32, #tpu.memory_space<hbm>>
    %dma_start3A_510 = tpu.memref_squeeze %dma_start3A_509 : memref<1x64x512xf32, #tpu.memory_space<hbm>> -> memref<64x512xf32, #tpu.memory_space<hbm>>
    %dma_start3A_511 = arith.constant 320 : i32
    %dma_start3A_512 = arith.constant 0 : i32
    %dma_start3A_513 = tpu.memref_slice %arg3[%add3A_312, %dma_start3A_511, %dma_start3A_512] : memref<160x1024x512xf32, #tpu.memory_space<hbm>> -> memref<1x64x512xf32, #tpu.memory_space<hbm>>
    %dma_start3A_514 = tpu.memref_squeeze %dma_start3A_513 : memref<1x64x512xf32, #tpu.memory_space<hbm>> -> memref<64x512xf32, #tpu.memory_space<hbm>>
    tpu.enqueue_dma source(%arg5 : memref<64x512xf32, #tpu.memory_space<vmem>>) target(%dma_start3A_514 : memref<64x512xf32, #tpu.memory_space<hbm>>) target_semaphore(%arg8 : memref<!tpu.dma_semaphore, #tpu.memory_space<semaphore_mem>>)
    %dma_start3A_515 = arith.constant 384 : i32
    %dma_start3A_516 = arith.constant 0 : i32
    %dma_start3A_517 = tpu.memref_slice %arg3[%add3A_312, %dma_start3A_515, %dma_start3A_516] : memref<160x1024x512xf32, #tpu.memory_space<hbm>> -> memref<1x64x512xf32, #tpu.memory_space<hbm>>
    %dma_start3A_518 = tpu.memref_squeeze %dma_start3A_517 : memref<1x64x512xf32, #tpu.memory_space<hbm>> -> memref<64x512xf32, #tpu.memory_space<hbm>>
    %dma_start3A_519 = arith.constant 384 : i32
    %dma_start3A_520 = arith.constant 0 : i32
    %dma_start3A_521 = tpu.memref_slice %arg3[%add3A_312, %dma_start3A_519, %dma_start3A_520] : memref<160x1024x512xf32, #tpu.memory_space<hbm>> -> memref<1x64x512xf32, #tpu.memory_space<hbm>>
    %dma_start3A_522 = tpu.memref_squeeze %dma_start3A_521 : memref<1x64x512xf32, #tpu.memory_space<hbm>> -> memref<64x512xf32, #tpu.memory_space<hbm>>
    tpu.enqueue_dma source(%arg5 : memref<64x512xf32, #tpu.memory_space<vmem>>) target(%dma_start3A_522 : memref<64x512xf32, #tpu.memory_space<hbm>>) target_semaphore(%arg8 : memref<!tpu.dma_semaphore, #tpu.memory_space<semaphore_mem>>)
    %dma_start3A_523 = arith.constant 448 : i32
    %dma_start3A_524 = arith.constant 0 : i32
    %dma_start3A_525 = tpu.memref_slice %arg3[%add3A_312, %dma_start3A_523, %dma_start3A_524] : memref<160x1024x512xf32, #tpu.memory_space<hbm>> -> memref<1x64x512xf32, #tpu.memory_space<hbm>>
    %dma_start3A_526 = tpu.memref_squeeze %dma_start3A_525 : memref<1x64x512xf32, #tpu.memory_space<hbm>> -> memref<64x512xf32, #tpu.memory_space<hbm>>
    %dma_start3A_527 = arith.constant 448 : i32
    %dma_start3A_528 = arith.constant 0 : i32
    %dma_start3A_529 = tpu.memref_slice %arg3[%add3A_312, %dma_start3A_527, %dma_start3A_528] : memref<160x1024x512xf32, #tpu.memory_space<hbm>> -> memref<1x64x512xf32, #tpu.memory_space<hbm>>
    %dma_start3A_530 = tpu.memref_squeeze %dma_start3A_529 : memref<1x64x512xf32, #tpu.memory_space<hbm>> -> memref<64x512xf32, #tpu.memory_space<hbm>>
    tpu.enqueue_dma source(%arg5 : memref<64x512xf32, #tpu.memory_space<vmem>>) target(%dma_start3A_530 : memref<64x512xf32, #tpu.memory_space<hbm>>) target_semaphore(%arg8 : memref<!tpu.dma_semaphore, #tpu.memory_space<semaphore_mem>>)
    %dma_start3A_531 = arith.constant 512 : i32
    %dma_start3A_532 = arith.constant 0 : i32
    %dma_start3A_533 = tpu.memref_slice %arg3[%add3A_312, %dma_start3A_531, %dma_start3A_532] : memref<160x1024x512xf32, #tpu.memory_space<hbm>> -> memref<1x64x512xf32, #tpu.memory_space<hbm>>
    %dma_start3A_534 = tpu.memref_squeeze %dma_start3A_533 : memref<1x64x512xf32, #tpu.memory_space<hbm>> -> memref<64x512xf32, #tpu.memory_space<hbm>>
    %dma_start3A_535 = arith.constant 512 : i32
    %dma_start3A_536 = arith.constant 0 : i32
    %dma_start3A_537 = tpu.memref_slice %arg3[%add3A_312, %dma_start3A_535, %dma_start3A_536] : memref<160x1024x512xf32, #tpu.memory_space<hbm>> -> memref<1x64x512xf32, #tpu.memory_space<hbm>>
    %dma_start3A_538 = tpu.memref_squeeze %dma_start3A_537 : memref<1x64x512xf32, #tpu.memory_space<hbm>> -> memref<64x512xf32, #tpu.memory_space<hbm>>
    tpu.enqueue_dma source(%arg5 : memref<64x512xf32, #tpu.memory_space<vmem>>) target(%dma_start3A_538 : memref<64x512xf32, #tpu.memory_space<hbm>>) target_semaphore(%arg8 : memref<!tpu.dma_semaphore, #tpu.memory_space<semaphore_mem>>)
    %dma_start3A_539 = arith.constant 576 : i32
    %dma_start3A_540 = arith.constant 0 : i32
    %dma_start3A_541 = tpu.memref_slice %arg3[%add3A_312, %dma_start3A_539, %dma_start3A_540] : memref<160x1024x512xf32, #tpu.memory_space<hbm>> -> memref<1x64x512xf32, #tpu.memory_space<hbm>>
    %dma_start3A_542 = tpu.memref_squeeze %dma_start3A_541 : memref<1x64x512xf32, #tpu.memory_space<hbm>> -> memref<64x512xf32, #tpu.memory_space<hbm>>
    %dma_start3A_543 = arith.constant 576 : i32
    %dma_start3A_544 = arith.constant 0 : i32
    %dma_start3A_545 = tpu.memref_slice %arg3[%add3A_312, %dma_start3A_543, %dma_start3A_544] : memref<160x1024x512xf32, #tpu.memory_space<hbm>> -> memref<1x64x512xf32, #tpu.memory_space<hbm>>
    %dma_start3A_546 = tpu.memref_squeeze %dma_start3A_545 : memref<1x64x512xf32, #tpu.memory_space<hbm>> -> memref<64x512xf32, #tpu.memory_space<hbm>>
    tpu.enqueue_dma source(%arg5 : memref<64x512xf32, #tpu.memory_space<vmem>>) target(%dma_start3A_546 : memref<64x512xf32, #tpu.memory_space<hbm>>) target_semaphore(%arg8 : memref<!tpu.dma_semaphore, #tpu.memory_space<semaphore_mem>>)
    %dma_start3A_547 = arith.constant 640 : i32
    %dma_start3A_548 = arith.constant 0 : i32
    %dma_start3A_549 = tpu.memref_slice %arg3[%add3A_312, %dma_start3A_547, %dma_start3A_548] : memref<160x1024x512xf32, #tpu.memory_space<hbm>> -> memref<1x64x512xf32, #tpu.memory_space<hbm>>
    %dma_start3A_550 = tpu.memref_squeeze %dma_start3A_549 : memref<1x64x512xf32, #tpu.memory_space<hbm>> -> memref<64x512xf32, #tpu.memory_space<hbm>>
    %dma_start3A_551 = arith.constant 640 : i32
    %dma_start3A_552 = arith.constant 0 : i32
    %dma_start3A_553 = tpu.memref_slice %arg3[%add3A_312, %dma_start3A_551, %dma_start3A_552] : memref<160x1024x512xf32, #tpu.memory_space<hbm>> -> memref<1x64x512xf32, #tpu.memory_space<hbm>>
    %dma_start3A_554 = tpu.memref_squeeze %dma_start3A_553 : memref<1x64x512xf32, #tpu.memory_space<hbm>> -> memref<64x512xf32, #tpu.memory_space<hbm>>
    tpu.enqueue_dma source(%arg5 : memref<64x512xf32, #tpu.memory_space<vmem>>) target(%dma_start3A_554 : memref<64x512xf32, #tpu.memory_space<hbm>>) target_semaphore(%arg8 : memref<!tpu.dma_semaphore, #tpu.memory_space<semaphore_mem>>)
    %dma_start3A_555 = arith.constant 704 : i32
    %dma_start3A_556 = arith.constant 0 : i32
    %dma_start3A_557 = tpu.memref_slice %arg3[%add3A_312, %dma_start3A_555, %dma_start3A_556] : memref<160x1024x512xf32, #tpu.memory_space<hbm>> -> memref<1x64x512xf32, #tpu.memory_space<hbm>>
    %dma_start3A_558 = tpu.memref_squeeze %dma_start3A_557 : memref<1x64x512xf32, #tpu.memory_space<hbm>> -> memref<64x512xf32, #tpu.memory_space<hbm>>
    %dma_start3A_559 = arith.constant 704 : i32
    %dma_start3A_560 = arith.constant 0 : i32
    %dma_start3A_561 = tpu.memref_slice %arg3[%add3A_312, %dma_start3A_559, %dma_start3A_560] : memref<160x1024x512xf32, #tpu.memory_space<hbm>> -> memref<1x64x512xf32, #tpu.memory_space<hbm>>
    %dma_start3A_562 = tpu.memref_squeeze %dma_start3A_561 : memref<1x64x512xf32, #tpu.memory_space<hbm>> -> memref<64x512xf32, #tpu.memory_space<hbm>>
    tpu.enqueue_dma source(%arg5 : memref<64x512xf32, #tpu.memory_space<vmem>>) target(%dma_start3A_562 : memref<64x512xf32, #tpu.memory_space<hbm>>) target_semaphore(%arg8 : memref<!tpu.dma_semaphore, #tpu.memory_space<semaphore_mem>>)
    %dma_start3A_563 = arith.constant 768 : i32
    %dma_start3A_564 = arith.constant 0 : i32
    %dma_start3A_565 = tpu.memref_slice %arg3[%add3A_312, %dma_start3A_563, %dma_start3A_564] : memref<160x1024x512xf32, #tpu.memory_space<hbm>> -> memref<1x64x512xf32, #tpu.memory_space<hbm>>
    %dma_start3A_566 = tpu.memref_squeeze %dma_start3A_565 : memref<1x64x512xf32, #tpu.memory_space<hbm>> -> memref<64x512xf32, #tpu.memory_space<hbm>>
    %dma_start3A_567 = arith.constant 768 : i32
    %dma_start3A_568 = arith.constant 0 : i32
    %dma_start3A_569 = tpu.memref_slice %arg3[%add3A_312, %dma_start3A_567, %dma_start3A_568] : memref<160x1024x512xf32, #tpu.memory_space<hbm>> -> memref<1x64x512xf32, #tpu.memory_space<hbm>>
    %dma_start3A_570 = tpu.memref_squeeze %dma_start3A_569 : memref<1x64x512xf32, #tpu.memory_space<hbm>> -> memref<64x512xf32, #tpu.memory_space<hbm>>
    tpu.enqueue_dma source(%arg5 : memref<64x512xf32, #tpu.memory_space<vmem>>) target(%dma_start3A_570 : memref<64x512xf32, #tpu.memory_space<hbm>>) target_semaphore(%arg8 : memref<!tpu.dma_semaphore, #tpu.memory_space<semaphore_mem>>)
    %dma_start3A_571 = arith.constant 832 : i32
    %dma_start3A_572 = arith.constant 0 : i32
    %dma_start3A_573 = tpu.memref_slice %arg3[%add3A_312, %dma_start3A_571, %dma_start3A_572] : memref<160x1024x512xf32, #tpu.memory_space<hbm>> -> memref<1x64x512xf32, #tpu.memory_space<hbm>>
    %dma_start3A_574 = tpu.memref_squeeze %dma_start3A_573 : memref<1x64x512xf32, #tpu.memory_space<hbm>> -> memref<64x512xf32, #tpu.memory_space<hbm>>
    %dma_start3A_575 = arith.constant 832 : i32
    %dma_start3A_576 = arith.constant 0 : i32
    %dma_start3A_577 = tpu.memref_slice %arg3[%add3A_312, %dma_start3A_575, %dma_start3A_576] : memref<160x1024x512xf32, #tpu.memory_space<hbm>> -> memref<1x64x512xf32, #tpu.memory_space<hbm>>
    %dma_start3A_578 = tpu.memref_squeeze %dma_start3A_577 : memref<1x64x512xf32, #tpu.memory_space<hbm>> -> memref<64x512xf32, #tpu.memory_space<hbm>>
    tpu.enqueue_dma source(%arg5 : memref<64x512xf32, #tpu.memory_space<vmem>>) target(%dma_start3A_578 : memref<64x512xf32, #tpu.memory_space<hbm>>) target_semaphore(%arg8 : memref<!tpu.dma_semaphore, #tpu.memory_space<semaphore_mem>>)
    %dma_start3A_579 = arith.constant 896 : i32
    %dma_start3A_580 = arith.constant 0 : i32
    %dma_start3A_581 = tpu.memref_slice %arg3[%add3A_312, %dma_start3A_579, %dma_start3A_580] : memref<160x1024x512xf32, #tpu.memory_space<hbm>> -> memref<1x64x512xf32, #tpu.memory_space<hbm>>
    %dma_start3A_582 = tpu.memref_squeeze %dma_start3A_581 : memref<1x64x512xf32, #tpu.memory_space<hbm>> -> memref<64x512xf32, #tpu.memory_space<hbm>>
    %dma_start3A_583 = arith.constant 896 : i32
    %dma_start3A_584 = arith.constant 0 : i32
    %dma_start3A_585 = tpu.memref_slice %arg3[%add3A_312, %dma_start3A_583, %dma_start3A_584] : memref<160x1024x512xf32, #tpu.memory_space<hbm>> -> memref<1x64x512xf32, #tpu.memory_space<hbm>>
    %dma_start3A_586 = tpu.memref_squeeze %dma_start3A_585 : memref<1x64x512xf32, #tpu.memory_space<hbm>> -> memref<64x512xf32, #tpu.memory_space<hbm>>
    tpu.enqueue_dma source(%arg5 : memref<64x512xf32, #tpu.memory_space<vmem>>) target(%dma_start3A_586 : memref<64x512xf32, #tpu.memory_space<hbm>>) target_semaphore(%arg8 : memref<!tpu.dma_semaphore, #tpu.memory_space<semaphore_mem>>)
    %dma_start3A_587 = arith.constant 960 : i32
    %dma_start3A_588 = arith.constant 0 : i32
    %dma_start3A_589 = tpu.memref_slice %arg3[%add3A_312, %dma_start3A_587, %dma_start3A_588] : memref<160x1024x512xf32, #tpu.memory_space<hbm>> -> memref<1x64x512xf32, #tpu.memory_space<hbm>>
    %dma_start3A_590 = tpu.memref_squeeze %dma_start3A_589 : memref<1x64x512xf32, #tpu.memory_space<hbm>> -> memref<64x512xf32, #tpu.memory_space<hbm>>
    %dma_start3A_591 = arith.constant 960 : i32
    %dma_start3A_592 = arith.constant 0 : i32
    %dma_start3A_593 = tpu.memref_slice %arg3[%add3A_312, %dma_start3A_591, %dma_start3A_592] : memref<160x1024x512xf32, #tpu.memory_space<hbm>> -> memref<1x64x512xf32, #tpu.memory_space<hbm>>
    %dma_start3A_594 = tpu.memref_squeeze %dma_start3A_593 : memref<1x64x512xf32, #tpu.memory_space<hbm>> -> memref<64x512xf32, #tpu.memory_space<hbm>>
    tpu.enqueue_dma source(%arg5 : memref<64x512xf32, #tpu.memory_space<vmem>>) target(%dma_start3A_594 : memref<64x512xf32, #tpu.memory_space<hbm>>) target_semaphore(%arg8 : memref<!tpu.dma_semaphore, #tpu.memory_space<semaphore_mem>>)
    %add3A_595 = arith.constant 3 : i32
    %add3A_596 = arith.addi %mul3A_2, %add3A_595 : i32
    %dma_wait3A_597 = arith.constant 0 : i32
    %dma_wait3A_598 = arith.constant 0 : i32
    %dma_wait3A_599 = tpu.memref_slice %arg3[%add3A_156, %dma_wait3A_597, %dma_wait3A_598] : memref<160x1024x512xf32, #tpu.memory_space<hbm>> -> memref<1x64x512xf32, #tpu.memory_space<hbm>>
    %dma_wait3A_600 = tpu.memref_squeeze %dma_wait3A_599 : memref<1x64x512xf32, #tpu.memory_space<hbm>> -> memref<64x512xf32, #tpu.memory_space<hbm>>
    %dma_wait3A_601 = arith.constant 0 : i32
    %dma_wait3A_602 = arith.constant 0 : i32
    %dma_wait3A_603 = tpu.memref_slice %arg3[%add3A_156, %dma_wait3A_601, %dma_wait3A_602] : memref<160x1024x512xf32, #tpu.memory_space<hbm>> -> memref<1x64x512xf32, #tpu.memory_space<hbm>>
    %dma_wait3A_604 = tpu.memref_squeeze %dma_wait3A_603 : memref<1x64x512xf32, #tpu.memory_space<hbm>> -> memref<64x512xf32, #tpu.memory_space<hbm>>
    tpu.wait_dma2 semaphore(%arg8 : memref<!tpu.dma_semaphore, #tpu.memory_space<semaphore_mem>>) src(%arg6 : memref<64x512xf32, #tpu.memory_space<vmem>>) dst(%dma_wait3A_604 : memref<64x512xf32, #tpu.memory_space<hbm>>)
    %dma_wait3A_605 = arith.constant 64 : i32
    %dma_wait3A_606 = arith.constant 0 : i32
    %dma_wait3A_607 = tpu.memref_slice %arg3[%add3A_156, %dma_wait3A_605, %dma_wait3A_606] : memref<160x1024x512xf32, #tpu.memory_space<hbm>> -> memref<1x64x512xf32, #tpu.memory_space<hbm>>
    %dma_wait3A_608 = tpu.memref_squeeze %dma_wait3A_607 : memref<1x64x512xf32, #tpu.memory_space<hbm>> -> memref<64x512xf32, #tpu.memory_space<hbm>>
    %dma_wait3A_609 = arith.constant 64 : i32
    %dma_wait3A_610 = arith.constant 0 : i32
    %dma_wait3A_611 = tpu.memref_slice %arg3[%add3A_156, %dma_wait3A_609, %dma_wait3A_610] : memref<160x1024x512xf32, #tpu.memory_space<hbm>> -> memref<1x64x512xf32, #tpu.memory_space<hbm>>
    %dma_wait3A_612 = tpu.memref_squeeze %dma_wait3A_611 : memref<1x64x512xf32, #tpu.memory_space<hbm>> -> memref<64x512xf32, #tpu.memory_space<hbm>>
    tpu.wait_dma2 semaphore(%arg8 : memref<!tpu.dma_semaphore, #tpu.memory_space<semaphore_mem>>) src(%arg6 : memref<64x512xf32, #tpu.memory_space<vmem>>) dst(%dma_wait3A_612 : memref<64x512xf32, #tpu.memory_space<hbm>>)
    %dma_wait3A_613 = arith.constant 128 : i32
    %dma_wait3A_614 = arith.constant 0 : i32
    %dma_wait3A_615 = tpu.memref_slice %arg3[%add3A_156, %dma_wait3A_613, %dma_wait3A_614] : memref<160x1024x512xf32, #tpu.memory_space<hbm>> -> memref<1x64x512xf32, #tpu.memory_space<hbm>>
    %dma_wait3A_616 = tpu.memref_squeeze %dma_wait3A_615 : memref<1x64x512xf32, #tpu.memory_space<hbm>> -> memref<64x512xf32, #tpu.memory_space<hbm>>
    %dma_wait3A_617 = arith.constant 128 : i32
    %dma_wait3A_618 = arith.constant 0 : i32
    %dma_wait3A_619 = tpu.memref_slice %arg3[%add3A_156, %dma_wait3A_617, %dma_wait3A_618] : memref<160x1024x512xf32, #tpu.memory_space<hbm>> -> memref<1x64x512xf32, #tpu.memory_space<hbm>>
    %dma_wait3A_620 = tpu.memref_squeeze %dma_wait3A_619 : memref<1x64x512xf32, #tpu.memory_space<hbm>> -> memref<64x512xf32, #tpu.memory_space<hbm>>
    tpu.wait_dma2 semaphore(%arg8 : memref<!tpu.dma_semaphore, #tpu.memory_space<semaphore_mem>>) src(%arg6 : memref<64x512xf32, #tpu.memory_space<vmem>>) dst(%dma_wait3A_620 : memref<64x512xf32, #tpu.memory_space<hbm>>)
    %dma_wait3A_621 = arith.constant 192 : i32
    %dma_wait3A_622 = arith.constant 0 : i32
    %dma_wait3A_623 = tpu.memref_slice %arg3[%add3A_156, %dma_wait3A_621, %dma_wait3A_622] : memref<160x1024x512xf32, #tpu.memory_space<hbm>> -> memref<1x64x512xf32, #tpu.memory_space<hbm>>
    %dma_wait3A_624 = tpu.memref_squeeze %dma_wait3A_623 : memref<1x64x512xf32, #tpu.memory_space<hbm>> -> memref<64x512xf32, #tpu.memory_space<hbm>>
    %dma_wait3A_625 = arith.constant 192 : i32
    %dma_wait3A_626 = arith.constant 0 : i32
    %dma_wait3A_627 = tpu.memref_slice %arg3[%add3A_156, %dma_wait3A_625, %dma_wait3A_626] : memref<160x1024x512xf32, #tpu.memory_space<hbm>> -> memref<1x64x512xf32, #tpu.memory_space<hbm>>
    %dma_wait3A_628 = tpu.memref_squeeze %dma_wait3A_627 : memref<1x64x512xf32, #tpu.memory_space<hbm>> -> memref<64x512xf32, #tpu.memory_space<hbm>>
    tpu.wait_dma2 semaphore(%arg8 : memref<!tpu.dma_semaphore, #tpu.memory_space<semaphore_mem>>) src(%arg6 : memref<64x512xf32, #tpu.memory_space<vmem>>) dst(%dma_wait3A_628 : memref<64x512xf32, #tpu.memory_space<hbm>>)
    %dma_wait3A_629 = arith.constant 256 : i32
    %dma_wait3A_630 = arith.constant 0 : i32
    %dma_wait3A_631 = tpu.memref_slice %arg3[%add3A_156, %dma_wait3A_629, %dma_wait3A_630] : memref<160x1024x512xf32, #tpu.memory_space<hbm>> -> memref<1x64x512xf32, #tpu.memory_space<hbm>>
    %dma_wait3A_632 = tpu.memref_squeeze %dma_wait3A_631 : memref<1x64x512xf32, #tpu.memory_space<hbm>> -> memref<64x512xf32, #tpu.memory_space<hbm>>
    %dma_wait3A_633 = arith.constant 256 : i32
    %dma_wait3A_634 = arith.constant 0 : i32
    %dma_wait3A_635 = tpu.memref_slice %arg3[%add3A_156, %dma_wait3A_633, %dma_wait3A_634] : memref<160x1024x512xf32, #tpu.memory_space<hbm>> -> memref<1x64x512xf32, #tpu.memory_space<hbm>>
    %dma_wait3A_636 = tpu.memref_squeeze %dma_wait3A_635 : memref<1x64x512xf32, #tpu.memory_space<hbm>> -> memref<64x512xf32, #tpu.memory_space<hbm>>
    tpu.wait_dma2 semaphore(%arg8 : memref<!tpu.dma_semaphore, #tpu.memory_space<semaphore_mem>>) src(%arg6 : memref<64x512xf32, #tpu.memory_space<vmem>>) dst(%dma_wait3A_636 : memref<64x512xf32, #tpu.memory_space<hbm>>)
    %dma_wait3A_637 = arith.constant 320 : i32
    %dma_wait3A_638 = arith.constant 0 : i32
    %dma_wait3A_639 = tpu.memref_slice %arg3[%add3A_156, %dma_wait3A_637, %dma_wait3A_638] : memref<160x1024x512xf32, #tpu.memory_space<hbm>> -> memref<1x64x512xf32, #tpu.memory_space<hbm>>
    %dma_wait3A_640 = tpu.memref_squeeze %dma_wait3A_639 : memref<1x64x512xf32, #tpu.memory_space<hbm>> -> memref<64x512xf32, #tpu.memory_space<hbm>>
    %dma_wait3A_641 = arith.constant 320 : i32
    %dma_wait3A_642 = arith.constant 0 : i32
    %dma_wait3A_643 = tpu.memref_slice %arg3[%add3A_156, %dma_wait3A_641, %dma_wait3A_642] : memref<160x1024x512xf32, #tpu.memory_space<hbm>> -> memref<1x64x512xf32, #tpu.memory_space<hbm>>
    %dma_wait3A_644 = tpu.memref_squeeze %dma_wait3A_643 : memref<1x64x512xf32, #tpu.memory_space<hbm>> -> memref<64x512xf32, #tpu.memory_space<hbm>>
    tpu.wait_dma2 semaphore(%arg8 : memref<!tpu.dma_semaphore, #tpu.memory_space<semaphore_mem>>) src(%arg6 : memref<64x512xf32, #tpu.memory_space<vmem>>) dst(%dma_wait3A_644 : memref<64x512xf32, #tpu.memory_space<hbm>>)
    %dma_wait3A_645 = arith.constant 384 : i32
    %dma_wait3A_646 = arith.constant 0 : i32
    %dma_wait3A_647 = tpu.memref_slice %arg3[%add3A_156, %dma_wait3A_645, %dma_wait3A_646] : memref<160x1024x512xf32, #tpu.memory_space<hbm>> -> memref<1x64x512xf32, #tpu.memory_space<hbm>>
    %dma_wait3A_648 = tpu.memref_squeeze %dma_wait3A_647 : memref<1x64x512xf32, #tpu.memory_space<hbm>> -> memref<64x512xf32, #tpu.memory_space<hbm>>
    %dma_wait3A_649 = arith.constant 384 : i32
    %dma_wait3A_650 = arith.constant 0 : i32
    %dma_wait3A_651 = tpu.memref_slice %arg3[%add3A_156, %dma_wait3A_649, %dma_wait3A_650] : memref<160x1024x512xf32, #tpu.memory_space<hbm>> -> memref<1x64x512xf32, #tpu.memory_space<hbm>>
    %dma_wait3A_652 = tpu.memref_squeeze %dma_wait3A_651 : memref<1x64x512xf32, #tpu.memory_space<hbm>> -> memref<64x512xf32, #tpu.memory_space<hbm>>
    tpu.wait_dma2 semaphore(%arg8 : memref<!tpu.dma_semaphore, #tpu.memory_space<semaphore_mem>>) src(%arg6 : memref<64x512xf32, #tpu.memory_space<vmem>>) dst(%dma_wait3A_652 : memref<64x512xf32, #tpu.memory_space<hbm>>)
    %dma_wait3A_653 = arith.constant 448 : i32
    %dma_wait3A_654 = arith.constant 0 : i32
    %dma_wait3A_655 = tpu.memref_slice %arg3[%add3A_156, %dma_wait3A_653, %dma_wait3A_654] : memref<160x1024x512xf32, #tpu.memory_space<hbm>> -> memref<1x64x512xf32, #tpu.memory_space<hbm>>
    %dma_wait3A_656 = tpu.memref_squeeze %dma_wait3A_655 : memref<1x64x512xf32, #tpu.memory_space<hbm>> -> memref<64x512xf32, #tpu.memory_space<hbm>>
    %dma_wait3A_657 = arith.constant 448 : i32
    %dma_wait3A_658 = arith.constant 0 : i32
    %dma_wait3A_659 = tpu.memref_slice %arg3[%add3A_156, %dma_wait3A_657, %dma_wait3A_658] : memref<160x1024x512xf32, #tpu.memory_space<hbm>> -> memref<1x64x512xf32, #tpu.memory_space<hbm>>
    %dma_wait3A_660 = tpu.memref_squeeze %dma_wait3A_659 : memref<1x64x512xf32, #tpu.memory_space<hbm>> -> memref<64x512xf32, #tpu.memory_space<hbm>>
    tpu.wait_dma2 semaphore(%arg8 : memref<!tpu.dma_semaphore, #tpu.memory_space<semaphore_mem>>) src(%arg6 : memref<64x512xf32, #tpu.memory_space<vmem>>) dst(%dma_wait3A_660 : memref<64x512xf32, #tpu.memory_space<hbm>>)
    %dma_wait3A_661 = arith.constant 512 : i32
    %dma_wait3A_662 = arith.constant 0 : i32
    %dma_wait3A_663 = tpu.memref_slice %arg3[%add3A_156, %dma_wait3A_661, %dma_wait3A_662] : memref<160x1024x512xf32, #tpu.memory_space<hbm>> -> memref<1x64x512xf32, #tpu.memory_space<hbm>>
    %dma_wait3A_664 = tpu.memref_squeeze %dma_wait3A_663 : memref<1x64x512xf32, #tpu.memory_space<hbm>> -> memref<64x512xf32, #tpu.memory_space<hbm>>
    %dma_wait3A_665 = arith.constant 512 : i32
    %dma_wait3A_666 = arith.constant 0 : i32
    %dma_wait3A_667 = tpu.memref_slice %arg3[%add3A_156, %dma_wait3A_665, %dma_wait3A_666] : memref<160x1024x512xf32, #tpu.memory_space<hbm>> -> memref<1x64x512xf32, #tpu.memory_space<hbm>>
    %dma_wait3A_668 = tpu.memref_squeeze %dma_wait3A_667 : memref<1x64x512xf32, #tpu.memory_space<hbm>> -> memref<64x512xf32, #tpu.memory_space<hbm>>
    tpu.wait_dma2 semaphore(%arg8 : memref<!tpu.dma_semaphore, #tpu.memory_space<semaphore_mem>>) src(%arg6 : memref<64x512xf32, #tpu.memory_space<vmem>>) dst(%dma_wait3A_668 : memref<64x512xf32, #tpu.memory_space<hbm>>)
    %dma_wait3A_669 = arith.constant 576 : i32
    %dma_wait3A_670 = arith.constant 0 : i32
    %dma_wait3A_671 = tpu.memref_slice %arg3[%add3A_156, %dma_wait3A_669, %dma_wait3A_670] : memref<160x1024x512xf32, #tpu.memory_space<hbm>> -> memref<1x64x512xf32, #tpu.memory_space<hbm>>
    %dma_wait3A_672 = tpu.memref_squeeze %dma_wait3A_671 : memref<1x64x512xf32, #tpu.memory_space<hbm>> -> memref<64x512xf32, #tpu.memory_space<hbm>>
    %dma_wait3A_673 = arith.constant 576 : i32
    %dma_wait3A_674 = arith.constant 0 : i32
    %dma_wait3A_675 = tpu.memref_slice %arg3[%add3A_156, %dma_wait3A_673, %dma_wait3A_674] : memref<160x1024x512xf32, #tpu.memory_space<hbm>> -> memref<1x64x512xf32, #tpu.memory_space<hbm>>
    %dma_wait3A_676 = tpu.memref_squeeze %dma_wait3A_675 : memref<1x64x512xf32, #tpu.memory_space<hbm>> -> memref<64x512xf32, #tpu.memory_space<hbm>>
    tpu.wait_dma2 semaphore(%arg8 : memref<!tpu.dma_semaphore, #tpu.memory_space<semaphore_mem>>) src(%arg6 : memref<64x512xf32, #tpu.memory_space<vmem>>) dst(%dma_wait3A_676 : memref<64x512xf32, #tpu.memory_space<hbm>>)
    %dma_wait3A_677 = arith.constant 640 : i32
    %dma_wait3A_678 = arith.constant 0 : i32
    %dma_wait3A_679 = tpu.memref_slice %arg3[%add3A_156, %dma_wait3A_677, %dma_wait3A_678] : memref<160x1024x512xf32, #tpu.memory_space<hbm>> -> memref<1x64x512xf32, #tpu.memory_space<hbm>>
    %dma_wait3A_680 = tpu.memref_squeeze %dma_wait3A_679 : memref<1x64x512xf32, #tpu.memory_space<hbm>> -> memref<64x512xf32, #tpu.memory_space<hbm>>
    %dma_wait3A_681 = arith.constant 640 : i32
    %dma_wait3A_682 = arith.constant 0 : i32
    %dma_wait3A_683 = tpu.memref_slice %arg3[%add3A_156, %dma_wait3A_681, %dma_wait3A_682] : memref<160x1024x512xf32, #tpu.memory_space<hbm>> -> memref<1x64x512xf32, #tpu.memory_space<hbm>>
    %dma_wait3A_684 = tpu.memref_squeeze %dma_wait3A_683 : memref<1x64x512xf32, #tpu.memory_space<hbm>> -> memref<64x512xf32, #tpu.memory_space<hbm>>
    tpu.wait_dma2 semaphore(%arg8 : memref<!tpu.dma_semaphore, #tpu.memory_space<semaphore_mem>>) src(%arg6 : memref<64x512xf32, #tpu.memory_space<vmem>>) dst(%dma_wait3A_684 : memref<64x512xf32, #tpu.memory_space<hbm>>)
    %dma_wait3A_685 = arith.constant 704 : i32
    %dma_wait3A_686 = arith.constant 0 : i32
    %dma_wait3A_687 = tpu.memref_slice %arg3[%add3A_156, %dma_wait3A_685, %dma_wait3A_686] : memref<160x1024x512xf32, #tpu.memory_space<hbm>> -> memref<1x64x512xf32, #tpu.memory_space<hbm>>
    %dma_wait3A_688 = tpu.memref_squeeze %dma_wait3A_687 : memref<1x64x512xf32, #tpu.memory_space<hbm>> -> memref<64x512xf32, #tpu.memory_space<hbm>>
    %dma_wait3A_689 = arith.constant 704 : i32
    %dma_wait3A_690 = arith.constant 0 : i32
    %dma_wait3A_691 = tpu.memref_slice %arg3[%add3A_156, %dma_wait3A_689, %dma_wait3A_690] : memref<160x1024x512xf32, #tpu.memory_space<hbm>> -> memref<1x64x512xf32, #tpu.memory_space<hbm>>
    %dma_wait3A_692 = tpu.memref_squeeze %dma_wait3A_691 : memref<1x64x512xf32, #tpu.memory_space<hbm>> -> memref<64x512xf32, #tpu.memory_space<hbm>>
    tpu.wait_dma2 semaphore(%arg8 : memref<!tpu.dma_semaphore, #tpu.memory_space<semaphore_mem>>) src(%arg6 : memref<64x512xf32, #tpu.memory_space<vmem>>) dst(%dma_wait3A_692 : memref<64x512xf32, #tpu.memory_space<hbm>>)
    %dma_wait3A_693 = arith.constant 768 : i32
    %dma_wait3A_694 = arith.constant 0 : i32
    %dma_wait3A_695 = tpu.memref_slice %arg3[%add3A_156, %dma_wait3A_693, %dma_wait3A_694] : memref<160x1024x512xf32, #tpu.memory_space<hbm>> -> memref<1x64x512xf32, #tpu.memory_space<hbm>>
    %dma_wait3A_696 = tpu.memref_squeeze %dma_wait3A_695 : memref<1x64x512xf32, #tpu.memory_space<hbm>> -> memref<64x512xf32, #tpu.memory_space<hbm>>
    %dma_wait3A_697 = arith.constant 768 : i32
    %dma_wait3A_698 = arith.constant 0 : i32
    %dma_wait3A_699 = tpu.memref_slice %arg3[%add3A_156, %dma_wait3A_697, %dma_wait3A_698] : memref<160x1024x512xf32, #tpu.memory_space<hbm>> -> memref<1x64x512xf32, #tpu.memory_space<hbm>>
    %dma_wait3A_700 = tpu.memref_squeeze %dma_wait3A_699 : memref<1x64x512xf32, #tpu.memory_space<hbm>> -> memref<64x512xf32, #tpu.memory_space<hbm>>
    tpu.wait_dma2 semaphore(%arg8 : memref<!tpu.dma_semaphore, #tpu.memory_space<semaphore_mem>>) src(%arg6 : memref<64x512xf32, #tpu.memory_space<vmem>>) dst(%dma_wait3A_700 : memref<64x512xf32, #tpu.memory_space<hbm>>)
    %dma_wait3A_701 = arith.constant 832 : i32
    %dma_wait3A_702 = arith.constant 0 : i32
    %dma_wait3A_703 = tpu.memref_slice %arg3[%add3A_156, %dma_wait3A_701, %dma_wait3A_702] : memref<160x1024x512xf32, #tpu.memory_space<hbm>> -> memref<1x64x512xf32, #tpu.memory_space<hbm>>
    %dma_wait3A_704 = tpu.memref_squeeze %dma_wait3A_703 : memref<1x64x512xf32, #tpu.memory_space<hbm>> -> memref<64x512xf32, #tpu.memory_space<hbm>>
    %dma_wait3A_705 = arith.constant 832 : i32
    %dma_wait3A_706 = arith.constant 0 : i32
    %dma_wait3A_707 = tpu.memref_slice %arg3[%add3A_156, %dma_wait3A_705, %dma_wait3A_706] : memref<160x1024x512xf32, #tpu.memory_space<hbm>> -> memref<1x64x512xf32, #tpu.memory_space<hbm>>
    %dma_wait3A_708 = tpu.memref_squeeze %dma_wait3A_707 : memref<1x64x512xf32, #tpu.memory_space<hbm>> -> memref<64x512xf32, #tpu.memory_space<hbm>>
    tpu.wait_dma2 semaphore(%arg8 : memref<!tpu.dma_semaphore, #tpu.memory_space<semaphore_mem>>) src(%arg6 : memref<64x512xf32, #tpu.memory_space<vmem>>) dst(%dma_wait3A_708 : memref<64x512xf32, #tpu.memory_space<hbm>>)
    %dma_wait3A_709 = arith.constant 896 : i32
    %dma_wait3A_710 = arith.constant 0 : i32
    %dma_wait3A_711 = tpu.memref_slice %arg3[%add3A_156, %dma_wait3A_709, %dma_wait3A_710] : memref<160x1024x512xf32, #tpu.memory_space<hbm>> -> memref<1x64x512xf32, #tpu.memory_space<hbm>>
    %dma_wait3A_712 = tpu.memref_squeeze %dma_wait3A_711 : memref<1x64x512xf32, #tpu.memory_space<hbm>> -> memref<64x512xf32, #tpu.memory_space<hbm>>
    %dma_wait3A_713 = arith.constant 896 : i32
    %dma_wait3A_714 = arith.constant 0 : i32
    %dma_wait3A_715 = tpu.memref_slice %arg3[%add3A_156, %dma_wait3A_713, %dma_wait3A_714] : memref<160x1024x512xf32, #tpu.memory_space<hbm>> -> memref<1x64x512xf32, #tpu.memory_space<hbm>>
    %dma_wait3A_716 = tpu.memref_squeeze %dma_wait3A_715 : memref<1x64x512xf32, #tpu.memory_space<hbm>> -> memref<64x512xf32, #tpu.memory_space<hbm>>
    tpu.wait_dma2 semaphore(%arg8 : memref<!tpu.dma_semaphore, #tpu.memory_space<semaphore_mem>>) src(%arg6 : memref<64x512xf32, #tpu.memory_space<vmem>>) dst(%dma_wait3A_716 : memref<64x512xf32, #tpu.memory_space<hbm>>)
    %dma_wait3A_717 = arith.constant 960 : i32
    %dma_wait3A_718 = arith.constant 0 : i32
    %dma_wait3A_719 = tpu.memref_slice %arg3[%add3A_156, %dma_wait3A_717, %dma_wait3A_718] : memref<160x1024x512xf32, #tpu.memory_space<hbm>> -> memref<1x64x512xf32, #tpu.memory_space<hbm>>
    %dma_wait3A_720 = tpu.memref_squeeze %dma_wait3A_719 : memref<1x64x512xf32, #tpu.memory_space<hbm>> -> memref<64x512xf32, #tpu.memory_space<hbm>>
    %dma_wait3A_721 = arith.constant 960 : i32
    %dma_wait3A_722 = arith.constant 0 : i32
    %dma_wait3A_723 = tpu.memref_slice %arg3[%add3A_156, %dma_wait3A_721, %dma_wait3A_722] : memref<160x1024x512xf32, #tpu.memory_space<hbm>> -> memref<1x64x512xf32, #tpu.memory_space<hbm>>
    %dma_wait3A_724 = tpu.memref_squeeze %dma_wait3A_723 : memref<1x64x512xf32, #tpu.memory_space<hbm>> -> memref<64x512xf32, #tpu.memory_space<hbm>>
    tpu.wait_dma2 semaphore(%arg8 : memref<!tpu.dma_semaphore, #tpu.memory_space<semaphore_mem>>) src(%arg6 : memref<64x512xf32, #tpu.memory_space<vmem>>) dst(%dma_wait3A_724 : memref<64x512xf32, #tpu.memory_space<hbm>>)
    %broadcast_in_dim3A_725 = vector.broadcast %add3A_596 : i32 to vector<16xi32>
    %swap3A_726 = arith.constant 0 : index
    %swap3A_727 = tpu.vector_load %arg4[%swap3A_726] {strides = array<i32>} : memref<64xi32, #tpu.memory_space<vmem>>, vector<16xi32>,
    %swap3A_728 = vector.shape_cast %swap3A_727 : vector<16xi32> to vector<16xi32>
    %swap3A_729 = vector.shape_cast %broadcast_in_dim3A_725 : vector<16xi32> to vector<16xi32>
    tpu.vector_store %arg4[%swap3A_726], %swap3A_729 {strides = array<i32>} : memref<64xi32, #tpu.memory_space<vmem>>, vector<16xi32>,
    %broadcast_in_dim3A_730 = vector.broadcast %add3A_596 : i32 to vector<16xi32>
    %swap3A_731 = arith.constant 16 : index
    %swap3A_732 = tpu.vector_load %arg4[%swap3A_731] {strides = array<i32>} : memref<64xi32, #tpu.memory_space<vmem>>, vector<16xi32>,
    %swap3A_733 = vector.shape_cast %swap3A_732 : vector<16xi32> to vector<16xi32>
    %swap3A_734 = vector.shape_cast %broadcast_in_dim3A_730 : vector<16xi32> to vector<16xi32>
    tpu.vector_store %arg4[%swap3A_731], %swap3A_734 {strides = array<i32>} : memref<64xi32, #tpu.memory_space<vmem>>, vector<16xi32>,
    %broadcast_in_dim3A_735 = vector.broadcast %add3A_596 : i32 to vector<16xi32>
    %swap3A_736 = arith.constant 32 : index
    %swap3A_737 = tpu.vector_load %arg4[%swap3A_736] {strides = array<i32>} : memref<64xi32, #tpu.memory_space<vmem>>, vector<16xi32>,
    %swap3A_738 = vector.shape_cast %swap3A_737 : vector<16xi32> to vector<16xi32>
    %swap3A_739 = vector.shape_cast %broadcast_in_dim3A_735 : vector<16xi32> to vector<16xi32>
    tpu.vector_store %arg4[%swap3A_736], %swap3A_739 {strides = array<i32>} : memref<64xi32, #tpu.memory_space<vmem>>, vector<16xi32>,
    %broadcast_in_dim3A_740 = vector.broadcast %add3A_596 : i32 to vector<16xi32>
    %swap3A_741 = arith.constant 48 : index
    %swap3A_742 = tpu.vector_load %arg4[%swap3A_741] {strides = array<i32>} : memref<64xi32, #tpu.memory_space<vmem>>, vector<16xi32>,
    %swap3A_743 = vector.shape_cast %swap3A_742 : vector<16xi32> to vector<16xi32>
    %swap3A_744 = vector.shape_cast %broadcast_in_dim3A_740 : vector<16xi32> to vector<16xi32>
    tpu.vector_store %arg4[%swap3A_741], %swap3A_744 {strides = array<i32>} : memref<64xi32, #tpu.memory_space<vmem>>, vector<16xi32>,
    %dma_start3A_745 = arith.constant 0 : i32
    %dma_start3A_746 = arith.constant 0 : i32
    %dma_start3A_747 = tpu.memref_slice %arg2[%dma_start3A_745, %dma_start3A_746] : memref<160x512xf32, #tpu.memory_space<hbm>> -> memref<160x512xf32, #tpu.memory_space<hbm>>
    tpu.enqueue_indirect_dma source(%dma_start3A_747 : memref<160x512xf32, #tpu.memory_space<hbm>>) target(%arg6 : memref<64x512xf32, #tpu.memory_space<vmem>>) offsets(%arg4 : memref<64xi32, #tpu.memory_space<vmem>>) semaphore(%arg7 : memref<!tpu.dma_semaphore, #tpu.memory_space<semaphore_mem>>)
    %dma_wait3A_748 = arith.constant 0 : i32
    %dma_wait3A_749 = arith.constant 0 : i32
    %dma_wait3A_750 = tpu.memref_slice %arg2[%dma_wait3A_748, %dma_wait3A_749] : memref<160x512xf32, #tpu.memory_space<hbm>> -> memref<160x512xf32, #tpu.memory_space<hbm>>
    tpu.wait_indirect_dma semaphore(%arg7 : memref<!tpu.dma_semaphore, #tpu.memory_space<semaphore_mem>>) src(%dma_wait3A_750 : memref<160x512xf32, #tpu.memory_space<hbm>>) dst(%arg6 : memref<64x512xf32, #tpu.memory_space<vmem>>)
    %dma_start3A_751 = arith.constant 0 : i32
    %dma_start3A_752 = arith.constant 0 : i32
    %dma_start3A_753 = tpu.memref_slice %arg3[%add3A_596, %dma_start3A_751, %dma_start3A_752] : memref<160x1024x512xf32, #tpu.memory_space<hbm>> -> memref<1x64x512xf32, #tpu.memory_space<hbm>>
    %dma_start3A_754 = tpu.memref_squeeze %dma_start3A_753 : memref<1x64x512xf32, #tpu.memory_space<hbm>> -> memref<64x512xf32, #tpu.memory_space<hbm>>
    %dma_start3A_755 = arith.constant 0 : i32
    %dma_start3A_756 = arith.constant 0 : i32
    %dma_start3A_757 = tpu.memref_slice %arg3[%add3A_596, %dma_start3A_755, %dma_start3A_756] : memref<160x1024x512xf32, #tpu.memory_space<hbm>> -> memref<1x64x512xf32, #tpu.memory_space<hbm>>
    %dma_start3A_758 = tpu.memref_squeeze %dma_start3A_757 : memref<1x64x512xf32, #tpu.memory_space<hbm>> -> memref<64x512xf32, #tpu.memory_space<hbm>>
    tpu.enqueue_dma source(%arg6 : memref<64x512xf32, #tpu.memory_space<vmem>>) target(%dma_start3A_758 : memref<64x512xf32, #tpu.memory_space<hbm>>) target_semaphore(%arg8 : memref<!tpu.dma_semaphore, #tpu.memory_space<semaphore_mem>>)
    %dma_start3A_759 = arith.constant 64 : i32
    %dma_start3A_760 = arith.constant 0 : i32
    %dma_start3A_761 = tpu.memref_slice %arg3[%add3A_596, %dma_start3A_759, %dma_start3A_760] : memref<160x1024x512xf32, #tpu.memory_space<hbm>> -> memref<1x64x512xf32, #tpu.memory_space<hbm>>
    %dma_start3A_762 = tpu.memref_squeeze %dma_start3A_761 : memref<1x64x512xf32, #tpu.memory_space<hbm>> -> memref<64x512xf32, #tpu.memory_space<hbm>>
    %dma_start3A_763 = arith.constant 64 : i32
    %dma_start3A_764 = arith.constant 0 : i32
    %dma_start3A_765 = tpu.memref_slice %arg3[%add3A_596, %dma_start3A_763, %dma_start3A_764] : memref<160x1024x512xf32, #tpu.memory_space<hbm>> -> memref<1x64x512xf32, #tpu.memory_space<hbm>>
    %dma_start3A_766 = tpu.memref_squeeze %dma_start3A_765 : memref<1x64x512xf32, #tpu.memory_space<hbm>> -> memref<64x512xf32, #tpu.memory_space<hbm>>
    tpu.enqueue_dma source(%arg6 : memref<64x512xf32, #tpu.memory_space<vmem>>) target(%dma_start3A_766 : memref<64x512xf32, #tpu.memory_space<hbm>>) target_semaphore(%arg8 : memref<!tpu.dma_semaphore, #tpu.memory_space<semaphore_mem>>)
    %dma_start3A_767 = arith.constant 128 : i32
    %dma_start3A_768 = arith.constant 0 : i32
    %dma_start3A_769 = tpu.memref_slice %arg3[%add3A_596, %dma_start3A_767, %dma_start3A_768] : memref<160x1024x512xf32, #tpu.memory_space<hbm>> -> memref<1x64x512xf32, #tpu.memory_space<hbm>>
    %dma_start3A_770 = tpu.memref_squeeze %dma_start3A_769 : memref<1x64x512xf32, #tpu.memory_space<hbm>> -> memref<64x512xf32, #tpu.memory_space<hbm>>
    %dma_start3A_771 = arith.constant 128 : i32
    %dma_start3A_772 = arith.constant 0 : i32
    %dma_start3A_773 = tpu.memref_slice %arg3[%add3A_596, %dma_start3A_771, %dma_start3A_772] : memref<160x1024x512xf32, #tpu.memory_space<hbm>> -> memref<1x64x512xf32, #tpu.memory_space<hbm>>
    %dma_start3A_774 = tpu.memref_squeeze %dma_start3A_773 : memref<1x64x512xf32, #tpu.memory_space<hbm>> -> memref<64x512xf32, #tpu.memory_space<hbm>>
    tpu.enqueue_dma source(%arg6 : memref<64x512xf32, #tpu.memory_space<vmem>>) target(%dma_start3A_774 : memref<64x512xf32, #tpu.memory_space<hbm>>) target_semaphore(%arg8 : memref<!tpu.dma_semaphore, #tpu.memory_space<semaphore_mem>>)
    %dma_start3A_775 = arith.constant 192 : i32
    %dma_start3A_776 = arith.constant 0 : i32
    %dma_start3A_777 = tpu.memref_slice %arg3[%add3A_596, %dma_start3A_775, %dma_start3A_776] : memref<160x1024x512xf32, #tpu.memory_space<hbm>> -> memref<1x64x512xf32, #tpu.memory_space<hbm>>
    %dma_start3A_778 = tpu.memref_squeeze %dma_start3A_777 : memref<1x64x512xf32, #tpu.memory_space<hbm>> -> memref<64x512xf32, #tpu.memory_space<hbm>>
    %dma_start3A_779 = arith.constant 192 : i32
    %dma_start3A_780 = arith.constant 0 : i32
    %dma_start3A_781 = tpu.memref_slice %arg3[%add3A_596, %dma_start3A_779, %dma_start3A_780] : memref<160x1024x512xf32, #tpu.memory_space<hbm>> -> memref<1x64x512xf32, #tpu.memory_space<hbm>>
    %dma_start3A_782 = tpu.memref_squeeze %dma_start3A_781 : memref<1x64x512xf32, #tpu.memory_space<hbm>> -> memref<64x512xf32, #tpu.memory_space<hbm>>
    tpu.enqueue_dma source(%arg6 : memref<64x512xf32, #tpu.memory_space<vmem>>) target(%dma_start3A_782 : memref<64x512xf32, #tpu.memory_space<hbm>>) target_semaphore(%arg8 : memref<!tpu.dma_semaphore, #tpu.memory_space<semaphore_mem>>)
    %dma_start3A_783 = arith.constant 256 : i32
    %dma_start3A_784 = arith.constant 0 : i32
    %dma_start3A_785 = tpu.memref_slice %arg3[%add3A_596, %dma_start3A_783, %dma_start3A_784] : memref<160x1024x512xf32, #tpu.memory_space<hbm>> -> memref<1x64x512xf32, #tpu.memory_space<hbm>>
    %dma_start3A_786 = tpu.memref_squeeze %dma_start3A_785 : memref<1x64x512xf32, #tpu.memory_space<hbm>> -> memref<64x512xf32, #tpu.memory_space<hbm>>
    %dma_start3A_787 = arith.constant 256 : i32
    %dma_start3A_788 = arith.constant 0 : i32
    %dma_start3A_789 = tpu.memref_slice %arg3[%add3A_596, %dma_start3A_787, %dma_start3A_788] : memref<160x1024x512xf32, #tpu.memory_space<hbm>> -> memref<1x64x512xf32, #tpu.memory_space<hbm>>
    %dma_start3A_790 = tpu.memref_squeeze %dma_start3A_789 : memref<1x64x512xf32, #tpu.memory_space<hbm>> -> memref<64x512xf32, #tpu.memory_space<hbm>>
    tpu.enqueue_dma source(%arg6 : memref<64x512xf32, #tpu.memory_space<vmem>>) target(%dma_start3A_790 : memref<64x512xf32, #tpu.memory_space<hbm>>) target_semaphore(%arg8 : memref<!tpu.dma_semaphore, #tpu.memory_space<semaphore_mem>>)
    %dma_start3A_791 = arith.constant 320 : i32
    %dma_start3A_792 = arith.constant 0 : i32
    %dma_start3A_793 = tpu.memref_slice %arg3[%add3A_596, %dma_start3A_791, %dma_start3A_792] : memref<160x1024x512xf32, #tpu.memory_space<hbm>> -> memref<1x64x512xf32, #tpu.memory_space<hbm>>
    %dma_start3A_794 = tpu.memref_squeeze %dma_start3A_793 : memref<1x64x512xf32, #tpu.memory_space<hbm>> -> memref<64x512xf32, #tpu.memory_space<hbm>>
    %dma_start3A_795 = arith.constant 320 : i32
    %dma_start3A_796 = arith.constant 0 : i32
    %dma_start3A_797 = tpu.memref_slice %arg3[%add3A_596, %dma_start3A_795, %dma_start3A_796] : memref<160x1024x512xf32, #tpu.memory_space<hbm>> -> memref<1x64x512xf32, #tpu.memory_space<hbm>>
    %dma_start3A_798 = tpu.memref_squeeze %dma_start3A_797 : memref<1x64x512xf32, #tpu.memory_space<hbm>> -> memref<64x512xf32, #tpu.memory_space<hbm>>
    tpu.enqueue_dma source(%arg6 : memref<64x512xf32, #tpu.memory_space<vmem>>) target(%dma_start3A_798 : memref<64x512xf32, #tpu.memory_space<hbm>>) target_semaphore(%arg8 : memref<!tpu.dma_semaphore, #tpu.memory_space<semaphore_mem>>)
    %dma_start3A_799 = arith.constant 384 : i32
    %dma_start3A_800 = arith.constant 0 : i32
    %dma_start3A_801 = tpu.memref_slice %arg3[%add3A_596, %dma_start3A_799, %dma_start3A_800] : memref<160x1024x512xf32, #tpu.memory_space<hbm>> -> memref<1x64x512xf32, #tpu.memory_space<hbm>>
    %dma_start3A_802 = tpu.memref_squeeze %dma_start3A_801 : memref<1x64x512xf32, #tpu.memory_space<hbm>> -> memref<64x512xf32, #tpu.memory_space<hbm>>
    %dma_start3A_803 = arith.constant 384 : i32
    %dma_start3A_804 = arith.constant 0 : i32
    %dma_start3A_805 = tpu.memref_slice %arg3[%add3A_596, %dma_start3A_803, %dma_start3A_804] : memref<160x1024x512xf32, #tpu.memory_space<hbm>> -> memref<1x64x512xf32, #tpu.memory_space<hbm>>
    %dma_start3A_806 = tpu.memref_squeeze %dma_start3A_805 : memref<1x64x512xf32, #tpu.memory_space<hbm>> -> memref<64x512xf32, #tpu.memory_space<hbm>>
    tpu.enqueue_dma source(%arg6 : memref<64x512xf32, #tpu.memory_space<vmem>>) target(%dma_start3A_806 : memref<64x512xf32, #tpu.memory_space<hbm>>) target_semaphore(%arg8 : memref<!tpu.dma_semaphore, #tpu.memory_space<semaphore_mem>>)
    %dma_start3A_807 = arith.constant 448 : i32
    %dma_start3A_808 = arith.constant 0 : i32
    %dma_start3A_809 = tpu.memref_slice %arg3[%add3A_596, %dma_start3A_807, %dma_start3A_808] : memref<160x1024x512xf32, #tpu.memory_space<hbm>> -> memref<1x64x512xf32, #tpu.memory_space<hbm>>
    %dma_start3A_810 = tpu.memref_squeeze %dma_start3A_809 : memref<1x64x512xf32, #tpu.memory_space<hbm>> -> memref<64x512xf32, #tpu.memory_space<hbm>>
    %dma_start3A_811 = arith.constant 448 : i32
    %dma_start3A_812 = arith.constant 0 : i32
    %dma_start3A_813 = tpu.memref_slice %arg3[%add3A_596, %dma_start3A_811, %dma_start3A_812] : memref<160x1024x512xf32, #tpu.memory_space<hbm>> -> memref<1x64x512xf32, #tpu.memory_space<hbm>>
    %dma_start3A_814 = tpu.memref_squeeze %dma_start3A_813 : memref<1x64x512xf32, #tpu.memory_space<hbm>> -> memref<64x512xf32, #tpu.memory_space<hbm>>
    tpu.enqueue_dma source(%arg6 : memref<64x512xf32, #tpu.memory_space<vmem>>) target(%dma_start3A_814 : memref<64x512xf32, #tpu.memory_space<hbm>>) target_semaphore(%arg8 : memref<!tpu.dma_semaphore, #tpu.memory_space<semaphore_mem>>)
    %dma_start3A_815 = arith.constant 512 : i32
    %dma_start3A_816 = arith.constant 0 : i32
    %dma_start3A_817 = tpu.memref_slice %arg3[%add3A_596, %dma_start3A_815, %dma_start3A_816] : memref<160x1024x512xf32, #tpu.memory_space<hbm>> -> memref<1x64x512xf32, #tpu.memory_space<hbm>>
    %dma_start3A_818 = tpu.memref_squeeze %dma_start3A_817 : memref<1x64x512xf32, #tpu.memory_space<hbm>> -> memref<64x512xf32, #tpu.memory_space<hbm>>
    %dma_start3A_819 = arith.constant 512 : i32
    %dma_start3A_820 = arith.constant 0 : i32
    %dma_start3A_821 = tpu.memref_slice %arg3[%add3A_596, %dma_start3A_819, %dma_start3A_820] : memref<160x1024x512xf32, #tpu.memory_space<hbm>> -> memref<1x64x512xf32, #tpu.memory_space<hbm>>
    %dma_start3A_822 = tpu.memref_squeeze %dma_start3A_821 : memref<1x64x512xf32, #tpu.memory_space<hbm>> -> memref<64x512xf32, #tpu.memory_space<hbm>>
    tpu.enqueue_dma source(%arg6 : memref<64x512xf32, #tpu.memory_space<vmem>>) target(%dma_start3A_822 : memref<64x512xf32, #tpu.memory_space<hbm>>) target_semaphore(%arg8 : memref<!tpu.dma_semaphore, #tpu.memory_space<semaphore_mem>>)
    %dma_start3A_823 = arith.constant 576 : i32
    %dma_start3A_824 = arith.constant 0 : i32
    %dma_start3A_825 = tpu.memref_slice %arg3[%add3A_596, %dma_start3A_823, %dma_start3A_824] : memref<160x1024x512xf32, #tpu.memory_space<hbm>> -> memref<1x64x512xf32, #tpu.memory_space<hbm>>
    %dma_start3A_826 = tpu.memref_squeeze %dma_start3A_825 : memref<1x64x512xf32, #tpu.memory_space<hbm>> -> memref<64x512xf32, #tpu.memory_space<hbm>>
    %dma_start3A_827 = arith.constant 576 : i32
    %dma_start3A_828 = arith.constant 0 : i32
    %dma_start3A_829 = tpu.memref_slice %arg3[%add3A_596, %dma_start3A_827, %dma_start3A_828] : memref<160x1024x512xf32, #tpu.memory_space<hbm>> -> memref<1x64x512xf32, #tpu.memory_space<hbm>>
    %dma_start3A_830 = tpu.memref_squeeze %dma_start3A_829 : memref<1x64x512xf32, #tpu.memory_space<hbm>> -> memref<64x512xf32, #tpu.memory_space<hbm>>
    tpu.enqueue_dma source(%arg6 : memref<64x512xf32, #tpu.memory_space<vmem>>) target(%dma_start3A_830 : memref<64x512xf32, #tpu.memory_space<hbm>>) target_semaphore(%arg8 : memref<!tpu.dma_semaphore, #tpu.memory_space<semaphore_mem>>)
    %dma_start3A_831 = arith.constant 640 : i32
    %dma_start3A_832 = arith.constant 0 : i32
    %dma_start3A_833 = tpu.memref_slice %arg3[%add3A_596, %dma_start3A_831, %dma_start3A_832] : memref<160x1024x512xf32, #tpu.memory_space<hbm>> -> memref<1x64x512xf32, #tpu.memory_space<hbm>>
    %dma_start3A_834 = tpu.memref_squeeze %dma_start3A_833 : memref<1x64x512xf32, #tpu.memory_space<hbm>> -> memref<64x512xf32, #tpu.memory_space<hbm>>
    %dma_start3A_835 = arith.constant 640 : i32
    %dma_start3A_836 = arith.constant 0 : i32
    %dma_start3A_837 = tpu.memref_slice %arg3[%add3A_596, %dma_start3A_835, %dma_start3A_836] : memref<160x1024x512xf32, #tpu.memory_space<hbm>> -> memref<1x64x512xf32, #tpu.memory_space<hbm>>
    %dma_start3A_838 = tpu.memref_squeeze %dma_start3A_837 : memref<1x64x512xf32, #tpu.memory_space<hbm>> -> memref<64x512xf32, #tpu.memory_space<hbm>>
    tpu.enqueue_dma source(%arg6 : memref<64x512xf32, #tpu.memory_space<vmem>>) target(%dma_start3A_838 : memref<64x512xf32, #tpu.memory_space<hbm>>) target_semaphore(%arg8 : memref<!tpu.dma_semaphore, #tpu.memory_space<semaphore_mem>>)
    %dma_start3A_839 = arith.constant 704 : i32
    %dma_start3A_840 = arith.constant 0 : i32
    %dma_start3A_841 = tpu.memref_slice %arg3[%add3A_596, %dma_start3A_839, %dma_start3A_840] : memref<160x1024x512xf32, #tpu.memory_space<hbm>> -> memref<1x64x512xf32, #tpu.memory_space<hbm>>
    %dma_start3A_842 = tpu.memref_squeeze %dma_start3A_841 : memref<1x64x512xf32, #tpu.memory_space<hbm>> -> memref<64x512xf32, #tpu.memory_space<hbm>>
    %dma_start3A_843 = arith.constant 704 : i32
    %dma_start3A_844 = arith.constant 0 : i32
    %dma_start3A_845 = tpu.memref_slice %arg3[%add3A_596, %dma_start3A_843, %dma_start3A_844] : memref<160x1024x512xf32, #tpu.memory_space<hbm>> -> memref<1x64x512xf32, #tpu.memory_space<hbm>>
    %dma_start3A_846 = tpu.memref_squeeze %dma_start3A_845 : memref<1x64x512xf32, #tpu.memory_space<hbm>> -> memref<64x512xf32, #tpu.memory_space<hbm>>
    tpu.enqueue_dma source(%arg6 : memref<64x512xf32, #tpu.memory_space<vmem>>) target(%dma_start3A_846 : memref<64x512xf32, #tpu.memory_space<hbm>>) target_semaphore(%arg8 : memref<!tpu.dma_semaphore, #tpu.memory_space<semaphore_mem>>)
    %dma_start3A_847 = arith.constant 768 : i32
    %dma_start3A_848 = arith.constant 0 : i32
    %dma_start3A_849 = tpu.memref_slice %arg3[%add3A_596, %dma_start3A_847, %dma_start3A_848] : memref<160x1024x512xf32, #tpu.memory_space<hbm>> -> memref<1x64x512xf32, #tpu.memory_space<hbm>>
    %dma_start3A_850 = tpu.memref_squeeze %dma_start3A_849 : memref<1x64x512xf32, #tpu.memory_space<hbm>> -> memref<64x512xf32, #tpu.memory_space<hbm>>
    %dma_start3A_851 = arith.constant 768 : i32
    %dma_start3A_852 = arith.constant 0 : i32
    %dma_start3A_853 = tpu.memref_slice %arg3[%add3A_596, %dma_start3A_851, %dma_start3A_852] : memref<160x1024x512xf32, #tpu.memory_space<hbm>> -> memref<1x64x512xf32, #tpu.memory_space<hbm>>
    %dma_start3A_854 = tpu.memref_squeeze %dma_start3A_853 : memref<1x64x512xf32, #tpu.memory_space<hbm>> -> memref<64x512xf32, #tpu.memory_space<hbm>>
    tpu.enqueue_dma source(%arg6 : memref<64x512xf32, #tpu.memory_space<vmem>>) target(%dma_start3A_854 : memref<64x512xf32, #tpu.memory_space<hbm>>) target_semaphore(%arg8 : memref<!tpu.dma_semaphore, #tpu.memory_space<semaphore_mem>>)
    %dma_start3A_855 = arith.constant 832 : i32
    %dma_start3A_856 = arith.constant 0 : i32
    %dma_start3A_857 = tpu.memref_slice %arg3[%add3A_596, %dma_start3A_855, %dma_start3A_856] : memref<160x1024x512xf32, #tpu.memory_space<hbm>> -> memref<1x64x512xf32, #tpu.memory_space<hbm>>
    %dma_start3A_858 = tpu.memref_squeeze %dma_start3A_857 : memref<1x64x512xf32, #tpu.memory_space<hbm>> -> memref<64x512xf32, #tpu.memory_space<hbm>>
    %dma_start3A_859 = arith.constant 832 : i32
    %dma_start3A_860 = arith.constant 0 : i32
    %dma_start3A_861 = tpu.memref_slice %arg3[%add3A_596, %dma_start3A_859, %dma_start3A_860] : memref<160x1024x512xf32, #tpu.memory_space<hbm>> -> memref<1x64x512xf32, #tpu.memory_space<hbm>>
    %dma_start3A_862 = tpu.memref_squeeze %dma_start3A_861 : memref<1x64x512xf32, #tpu.memory_space<hbm>> -> memref<64x512xf32, #tpu.memory_space<hbm>>
    tpu.enqueue_dma source(%arg6 : memref<64x512xf32, #tpu.memory_space<vmem>>) target(%dma_start3A_862 : memref<64x512xf32, #tpu.memory_space<hbm>>) target_semaphore(%arg8 : memref<!tpu.dma_semaphore, #tpu.memory_space<semaphore_mem>>)
    %dma_start3A_863 = arith.constant 896 : i32
    %dma_start3A_864 = arith.constant 0 : i32
    %dma_start3A_865 = tpu.memref_slice %arg3[%add3A_596, %dma_start3A_863, %dma_start3A_864] : memref<160x1024x512xf32, #tpu.memory_space<hbm>> -> memref<1x64x512xf32, #tpu.memory_space<hbm>>
    %dma_start3A_866 = tpu.memref_squeeze %dma_start3A_865 : memref<1x64x512xf32, #tpu.memory_space<hbm>> -> memref<64x512xf32, #tpu.memory_space<hbm>>
    %dma_start3A_867 = arith.constant 896 : i32
    %dma_start3A_868 = arith.constant 0 : i32
    %dma_start3A_869 = tpu.memref_slice %arg3[%add3A_596, %dma_start3A_867, %dma_start3A_868] : memref<160x1024x512xf32, #tpu.memory_space<hbm>> -> memref<1x64x512xf32, #tpu.memory_space<hbm>>
    %dma_start3A_870 = tpu.memref_squeeze %dma_start3A_869 : memref<1x64x512xf32, #tpu.memory_space<hbm>> -> memref<64x512xf32, #tpu.memory_space<hbm>>
    tpu.enqueue_dma source(%arg6 : memref<64x512xf32, #tpu.memory_space<vmem>>) target(%dma_start3A_870 : memref<64x512xf32, #tpu.memory_space<hbm>>) target_semaphore(%arg8 : memref<!tpu.dma_semaphore, #tpu.memory_space<semaphore_mem>>)
    %dma_start3A_871 = arith.constant 960 : i32
    %dma_start3A_872 = arith.constant 0 : i32
    %dma_start3A_873 = tpu.memref_slice %arg3[%add3A_596, %dma_start3A_871, %dma_start3A_872] : memref<160x1024x512xf32, #tpu.memory_space<hbm>> -> memref<1x64x512xf32, #tpu.memory_space<hbm>>
    %dma_start3A_874 = tpu.memref_squeeze %dma_start3A_873 : memref<1x64x512xf32, #tpu.memory_space<hbm>> -> memref<64x512xf32, #tpu.memory_space<hbm>>
    %dma_start3A_875 = arith.constant 960 : i32
    %dma_start3A_876 = arith.constant 0 : i32
    %dma_start3A_877 = tpu.memref_slice %arg3[%add3A_596, %dma_start3A_875, %dma_start3A_876] : memref<160x1024x512xf32, #tpu.memory_space<hbm>> -> memref<1x64x512xf32, #tpu.memory_space<hbm>>
    %dma_start3A_878 = tpu.memref_squeeze %dma_start3A_877 : memref<1x64x512xf32, #tpu.memory_space<hbm>> -> memref<64x512xf32, #tpu.memory_space<hbm>>
    tpu.enqueue_dma source(%arg6 : memref<64x512xf32, #tpu.memory_space<vmem>>) target(%dma_start3A_878 : memref<64x512xf32, #tpu.memory_space<hbm>>) target_semaphore(%arg8 : memref<!tpu.dma_semaphore, #tpu.memory_space<semaphore_mem>>)
    %add3A_879 = arith.constant 4 : i32
    %add3A_880 = arith.addi %mul3A_2, %add3A_879 : i32
    %dma_wait3A_881 = arith.constant 0 : i32
    %dma_wait3A_882 = arith.constant 0 : i32
    %dma_wait3A_883 = tpu.memref_slice %arg3[%add3A_312, %dma_wait3A_881, %dma_wait3A_882] : memref<160x1024x512xf32, #tpu.memory_space<hbm>> -> memref<1x64x512xf32, #tpu.memory_space<hbm>>
    %dma_wait3A_884 = tpu.memref_squeeze %dma_wait3A_883 : memref<1x64x512xf32, #tpu.memory_space<hbm>> -> memref<64x512xf32, #tpu.memory_space<hbm>>
    %dma_wait3A_885 = arith.constant 0 : i32
    %dma_wait3A_886 = arith.constant 0 : i32
    %dma_wait3A_887 = tpu.memref_slice %arg3[%add3A_312, %dma_wait3A_885, %dma_wait3A_886] : memref<160x1024x512xf32, #tpu.memory_space<hbm>> -> memref<1x64x512xf32, #tpu.memory_space<hbm>>
    %dma_wait3A_888 = tpu.memref_squeeze %dma_wait3A_887 : memref<1x64x512xf32, #tpu.memory_space<hbm>> -> memref<64x512xf32, #tpu.memory_space<hbm>>
    tpu.wait_dma2 semaphore(%arg8 : memref<!tpu.dma_semaphore, #tpu.memory_space<semaphore_mem>>) src(%arg5 : memref<64x512xf32, #tpu.memory_space<vmem>>) dst(%dma_wait3A_888 : memref<64x512xf32, #tpu.memory_space<hbm>>)
    %dma_wait3A_889 = arith.constant 64 : i32
    %dma_wait3A_890 = arith.constant 0 : i32
    %dma_wait3A_891 = tpu.memref_slice %arg3[%add3A_312, %dma_wait3A_889, %dma_wait3A_890] : memref<160x1024x512xf32, #tpu.memory_space<hbm>> -> memref<1x64x512xf32, #tpu.memory_space<hbm>>
    %dma_wait3A_892 = tpu.memref_squeeze %dma_wait3A_891 : memref<1x64x512xf32, #tpu.memory_space<hbm>> -> memref<64x512xf32, #tpu.memory_space<hbm>>
    %dma_wait3A_893 = arith.constant 64 : i32
    %dma_wait3A_894 = arith.constant 0 : i32
    %dma_wait3A_895 = tpu.memref_slice %arg3[%add3A_312, %dma_wait3A_893, %dma_wait3A_894] : memref<160x1024x512xf32, #tpu.memory_space<hbm>> -> memref<1x64x512xf32, #tpu.memory_space<hbm>>
    %dma_wait3A_896 = tpu.memref_squeeze %dma_wait3A_895 : memref<1x64x512xf32, #tpu.memory_space<hbm>> -> memref<64x512xf32, #tpu.memory_space<hbm>>
    tpu.wait_dma2 semaphore(%arg8 : memref<!tpu.dma_semaphore, #tpu.memory_space<semaphore_mem>>) src(%arg5 : memref<64x512xf32, #tpu.memory_space<vmem>>) dst(%dma_wait3A_896 : memref<64x512xf32, #tpu.memory_space<hbm>>)
    %dma_wait3A_897 = arith.constant 128 : i32
    %dma_wait3A_898 = arith.constant 0 : i32
    %dma_wait3A_899 = tpu.memref_slice %arg3[%add3A_312, %dma_wait3A_897, %dma_wait3A_898] : memref<160x1024x512xf32, #tpu.memory_space<hbm>> -> memref<1x64x512xf32, #tpu.memory_space<hbm>>
    %dma_wait3A_900 = tpu.memref_squeeze %dma_wait3A_899 : memref<1x64x512xf32, #tpu.memory_space<hbm>> -> memref<64x512xf32, #tpu.memory_space<hbm>>
    %dma_wait3A_901 = arith.constant 128 : i32
    %dma_wait3A_902 = arith.constant 0 : i32
    %dma_wait3A_903 = tpu.memref_slice %arg3[%add3A_312, %dma_wait3A_901, %dma_wait3A_902] : memref<160x1024x512xf32, #tpu.memory_space<hbm>> -> memref<1x64x512xf32, #tpu.memory_space<hbm>>
    %dma_wait3A_904 = tpu.memref_squeeze %dma_wait3A_903 : memref<1x64x512xf32, #tpu.memory_space<hbm>> -> memref<64x512xf32, #tpu.memory_space<hbm>>
    tpu.wait_dma2 semaphore(%arg8 : memref<!tpu.dma_semaphore, #tpu.memory_space<semaphore_mem>>) src(%arg5 : memref<64x512xf32, #tpu.memory_space<vmem>>) dst(%dma_wait3A_904 : memref<64x512xf32, #tpu.memory_space<hbm>>)
    %dma_wait3A_905 = arith.constant 192 : i32
    %dma_wait3A_906 = arith.constant 0 : i32
    %dma_wait3A_907 = tpu.memref_slice %arg3[%add3A_312, %dma_wait3A_905, %dma_wait3A_906] : memref<160x1024x512xf32, #tpu.memory_space<hbm>> -> memref<1x64x512xf32, #tpu.memory_space<hbm>>
    %dma_wait3A_908 = tpu.memref_squeeze %dma_wait3A_907 : memref<1x64x512xf32, #tpu.memory_space<hbm>> -> memref<64x512xf32, #tpu.memory_space<hbm>>
    %dma_wait3A_909 = arith.constant 192 : i32
    %dma_wait3A_910 = arith.constant 0 : i32
    %dma_wait3A_911 = tpu.memref_slice %arg3[%add3A_312, %dma_wait3A_909, %dma_wait3A_910] : memref<160x1024x512xf32, #tpu.memory_space<hbm>> -> memref<1x64x512xf32, #tpu.memory_space<hbm>>
    %dma_wait3A_912 = tpu.memref_squeeze %dma_wait3A_911 : memref<1x64x512xf32, #tpu.memory_space<hbm>> -> memref<64x512xf32, #tpu.memory_space<hbm>>
    tpu.wait_dma2 semaphore(%arg8 : memref<!tpu.dma_semaphore, #tpu.memory_space<semaphore_mem>>) src(%arg5 : memref<64x512xf32, #tpu.memory_space<vmem>>) dst(%dma_wait3A_912 : memref<64x512xf32, #tpu.memory_space<hbm>>)
    %dma_wait3A_913 = arith.constant 256 : i32
    %dma_wait3A_914 = arith.constant 0 : i32
    %dma_wait3A_915 = tpu.memref_slice %arg3[%add3A_312, %dma_wait3A_913, %dma_wait3A_914] : memref<160x1024x512xf32, #tpu.memory_space<hbm>> -> memref<1x64x512xf32, #tpu.memory_space<hbm>>
    %dma_wait3A_916 = tpu.memref_squeeze %dma_wait3A_915 : memref<1x64x512xf32, #tpu.memory_space<hbm>> -> memref<64x512xf32, #tpu.memory_space<hbm>>
    %dma_wait3A_917 = arith.constant 256 : i32
    %dma_wait3A_918 = arith.constant 0 : i32
    %dma_wait3A_919 = tpu.memref_slice %arg3[%add3A_312, %dma_wait3A_917, %dma_wait3A_918] : memref<160x1024x512xf32, #tpu.memory_space<hbm>> -> memref<1x64x512xf32, #tpu.memory_space<hbm>>
    %dma_wait3A_920 = tpu.memref_squeeze %dma_wait3A_919 : memref<1x64x512xf32, #tpu.memory_space<hbm>> -> memref<64x512xf32, #tpu.memory_space<hbm>>
    tpu.wait_dma2 semaphore(%arg8 : memref<!tpu.dma_semaphore, #tpu.memory_space<semaphore_mem>>) src(%arg5 : memref<64x512xf32, #tpu.memory_space<vmem>>) dst(%dma_wait3A_920 : memref<64x512xf32, #tpu.memory_space<hbm>>)
    %dma_wait3A_921 = arith.constant 320 : i32
    %dma_wait3A_922 = arith.constant 0 : i32
    %dma_wait3A_923 = tpu.memref_slice %arg3[%add3A_312, %dma_wait3A_921, %dma_wait3A_922] : memref<160x1024x512xf32, #tpu.memory_space<hbm>> -> memref<1x64x512xf32, #tpu.memory_space<hbm>>
    %dma_wait3A_924 = tpu.memref_squeeze %dma_wait3A_923 : memref<1x64x512xf32, #tpu.memory_space<hbm>> -> memref<64x512xf32, #tpu.memory_space<hbm>>
    %dma_wait3A_925 = arith.constant 320 : i32
    %dma_wait3A_926 = arith.constant 0 : i32
    %dma_wait3A_927 = tpu.memref_slice %arg3[%add3A_312, %dma_wait3A_925, %dma_wait3A_926] : memref<160x1024x512xf32, #tpu.memory_space<hbm>> -> memref<1x64x512xf32, #tpu.memory_space<hbm>>
    %dma_wait3A_928 = tpu.memref_squeeze %dma_wait3A_927 : memref<1x64x512xf32, #tpu.memory_space<hbm>> -> memref<64x512xf32, #tpu.memory_space<hbm>>
    tpu.wait_dma2 semaphore(%arg8 : memref<!tpu.dma_semaphore, #tpu.memory_space<semaphore_mem>>) src(%arg5 : memref<64x512xf32, #tpu.memory_space<vmem>>) dst(%dma_wait3A_928 : memref<64x512xf32, #tpu.memory_space<hbm>>)
    %dma_wait3A_929 = arith.constant 384 : i32
    %dma_wait3A_930 = arith.constant 0 : i32
    %dma_wait3A_931 = tpu.memref_slice %arg3[%add3A_312, %dma_wait3A_929, %dma_wait3A_930] : memref<160x1024x512xf32, #tpu.memory_space<hbm>> -> memref<1x64x512xf32, #tpu.memory_space<hbm>>
    %dma_wait3A_932 = tpu.memref_squeeze %dma_wait3A_931 : memref<1x64x512xf32, #tpu.memory_space<hbm>> -> memref<64x512xf32, #tpu.memory_space<hbm>>
    %dma_wait3A_933 = arith.constant 384 : i32
    %dma_wait3A_934 = arith.constant 0 : i32
    %dma_wait3A_935 = tpu.memref_slice %arg3[%add3A_312, %dma_wait3A_933, %dma_wait3A_934] : memref<160x1024x512xf32, #tpu.memory_space<hbm>> -> memref<1x64x512xf32, #tpu.memory_space<hbm>>
    %dma_wait3A_936 = tpu.memref_squeeze %dma_wait3A_935 : memref<1x64x512xf32, #tpu.memory_space<hbm>> -> memref<64x512xf32, #tpu.memory_space<hbm>>
    tpu.wait_dma2 semaphore(%arg8 : memref<!tpu.dma_semaphore, #tpu.memory_space<semaphore_mem>>) src(%arg5 : memref<64x512xf32, #tpu.memory_space<vmem>>) dst(%dma_wait3A_936 : memref<64x512xf32, #tpu.memory_space<hbm>>)
    %dma_wait3A_937 = arith.constant 448 : i32
    %dma_wait3A_938 = arith.constant 0 : i32
    %dma_wait3A_939 = tpu.memref_slice %arg3[%add3A_312, %dma_wait3A_937, %dma_wait3A_938] : memref<160x1024x512xf32, #tpu.memory_space<hbm>> -> memref<1x64x512xf32, #tpu.memory_space<hbm>>
    %dma_wait3A_940 = tpu.memref_squeeze %dma_wait3A_939 : memref<1x64x512xf32, #tpu.memory_space<hbm>> -> memref<64x512xf32, #tpu.memory_space<hbm>>
    %dma_wait3A_941 = arith.constant 448 : i32
    %dma_wait3A_942 = arith.constant 0 : i32
    %dma_wait3A_943 = tpu.memref_slice %arg3[%add3A_312, %dma_wait3A_941, %dma_wait3A_942] : memref<160x1024x512xf32, #tpu.memory_space<hbm>> -> memref<1x64x512xf32, #tpu.memory_space<hbm>>
    %dma_wait3A_944 = tpu.memref_squeeze %dma_wait3A_943 : memref<1x64x512xf32, #tpu.memory_space<hbm>> -> memref<64x512xf32, #tpu.memory_space<hbm>>
    tpu.wait_dma2 semaphore(%arg8 : memref<!tpu.dma_semaphore, #tpu.memory_space<semaphore_mem>>) src(%arg5 : memref<64x512xf32, #tpu.memory_space<vmem>>) dst(%dma_wait3A_944 : memref<64x512xf32, #tpu.memory_space<hbm>>)
    %dma_wait3A_945 = arith.constant 512 : i32
    %dma_wait3A_946 = arith.constant 0 : i32
    %dma_wait3A_947 = tpu.memref_slice %arg3[%add3A_312, %dma_wait3A_945, %dma_wait3A_946] : memref<160x1024x512xf32, #tpu.memory_space<hbm>> -> memref<1x64x512xf32, #tpu.memory_space<hbm>>
    %dma_wait3A_948 = tpu.memref_squeeze %dma_wait3A_947 : memref<1x64x512xf32, #tpu.memory_space<hbm>> -> memref<64x512xf32, #tpu.memory_space<hbm>>
    %dma_wait3A_949 = arith.constant 512 : i32
    %dma_wait3A_950 = arith.constant 0 : i32
    %dma_wait3A_951 = tpu.memref_slice %arg3[%add3A_312, %dma_wait3A_949, %dma_wait3A_950] : memref<160x1024x512xf32, #tpu.memory_space<hbm>> -> memref<1x64x512xf32, #tpu.memory_space<hbm>>
    %dma_wait3A_952 = tpu.memref_squeeze %dma_wait3A_951 : memref<1x64x512xf32, #tpu.memory_space<hbm>> -> memref<64x512xf32, #tpu.memory_space<hbm>>
    tpu.wait_dma2 semaphore(%arg8 : memref<!tpu.dma_semaphore, #tpu.memory_space<semaphore_mem>>) src(%arg5 : memref<64x512xf32, #tpu.memory_space<vmem>>) dst(%dma_wait3A_952 : memref<64x512xf32, #tpu.memory_space<hbm>>)
    %dma_wait3A_953 = arith.constant 576 : i32
    %dma_wait3A_954 = arith.constant 0 : i32
    %dma_wait3A_955 = tpu.memref_slice %arg3[%add3A_312, %dma_wait3A_953, %dma_wait3A_954] : memref<160x1024x512xf32, #tpu.memory_space<hbm>> -> memref<1x64x512xf32, #tpu.memory_space<hbm>>
    %dma_wait3A_956 = tpu.memref_squeeze %dma_wait3A_955 : memref<1x64x512xf32, #tpu.memory_space<hbm>> -> memref<64x512xf32, #tpu.memory_space<hbm>>
    %dma_wait3A_957 = arith.constant 576 : i32
    %dma_wait3A_958 = arith.constant 0 : i32
    %dma_wait3A_959 = tpu.memref_slice %arg3[%add3A_312, %dma_wait3A_957, %dma_wait3A_958] : memref<160x1024x512xf32, #tpu.memory_space<hbm>> -> memref<1x64x512xf32, #tpu.memory_space<hbm>>
    %dma_wait3A_960 = tpu.memref_squeeze %dma_wait3A_959 : memref<1x64x512xf32, #tpu.memory_space<hbm>> -> memref<64x512xf32, #tpu.memory_space<hbm>>
    tpu.wait_dma2 semaphore(%arg8 : memref<!tpu.dma_semaphore, #tpu.memory_space<semaphore_mem>>) src(%arg5 : memref<64x512xf32, #tpu.memory_space<vmem>>) dst(%dma_wait3A_960 : memref<64x512xf32, #tpu.memory_space<hbm>>)
    %dma_wait3A_961 = arith.constant 640 : i32
    %dma_wait3A_962 = arith.constant 0 : i32
    %dma_wait3A_963 = tpu.memref_slice %arg3[%add3A_312, %dma_wait3A_961, %dma_wait3A_962] : memref<160x1024x512xf32, #tpu.memory_space<hbm>> -> memref<1x64x512xf32, #tpu.memory_space<hbm>>
    %dma_wait3A_964 = tpu.memref_squeeze %dma_wait3A_963 : memref<1x64x512xf32, #tpu.memory_space<hbm>> -> memref<64x512xf32, #tpu.memory_space<hbm>>
    %dma_wait3A_965 = arith.constant 640 : i32
    %dma_wait3A_966 = arith.constant 0 : i32
    %dma_wait3A_967 = tpu.memref_slice %arg3[%add3A_312, %dma_wait3A_965, %dma_wait3A_966] : memref<160x1024x512xf32, #tpu.memory_space<hbm>> -> memref<1x64x512xf32, #tpu.memory_space<hbm>>
    %dma_wait3A_968 = tpu.memref_squeeze %dma_wait3A_967 : memref<1x64x512xf32, #tpu.memory_space<hbm>> -> memref<64x512xf32, #tpu.memory_space<hbm>>
    tpu.wait_dma2 semaphore(%arg8 : memref<!tpu.dma_semaphore, #tpu.memory_space<semaphore_mem>>) src(%arg5 : memref<64x512xf32, #tpu.memory_space<vmem>>) dst(%dma_wait3A_968 : memref<64x512xf32, #tpu.memory_space<hbm>>)
    %dma_wait3A_969 = arith.constant 704 : i32
    %dma_wait3A_970 = arith.constant 0 : i32
    %dma_wait3A_971 = tpu.memref_slice %arg3[%add3A_312, %dma_wait3A_969, %dma_wait3A_970] : memref<160x1024x512xf32, #tpu.memory_space<hbm>> -> memref<1x64x512xf32, #tpu.memory_space<hbm>>
    %dma_wait3A_972 = tpu.memref_squeeze %dma_wait3A_971 : memref<1x64x512xf32, #tpu.memory_space<hbm>> -> memref<64x512xf32, #tpu.memory_space<hbm>>
    %dma_wait3A_973 = arith.constant 704 : i32
    %dma_wait3A_974 = arith.constant 0 : i32
    %dma_wait3A_975 = tpu.memref_slice %arg3[%add3A_312, %dma_wait3A_973, %dma_wait3A_974] : memref<160x1024x512xf32, #tpu.memory_space<hbm>> -> memref<1x64x512xf32, #tpu.memory_space<hbm>>
    %dma_wait3A_976 = tpu.memref_squeeze %dma_wait3A_975 : memref<1x64x512xf32, #tpu.memory_space<hbm>> -> memref<64x512xf32, #tpu.memory_space<hbm>>
    tpu.wait_dma2 semaphore(%arg8 : memref<!tpu.dma_semaphore, #tpu.memory_space<semaphore_mem>>) src(%arg5 : memref<64x512xf32, #tpu.memory_space<vmem>>) dst(%dma_wait3A_976 : memref<64x512xf32, #tpu.memory_space<hbm>>)
    %dma_wait3A_977 = arith.constant 768 : i32
    %dma_wait3A_978 = arith.constant 0 : i32
    %dma_wait3A_979 = tpu.memref_slice %arg3[%add3A_312, %dma_wait3A_977, %dma_wait3A_978] : memref<160x1024x512xf32, #tpu.memory_space<hbm>> -> memref<1x64x512xf32, #tpu.memory_space<hbm>>
    %dma_wait3A_980 = tpu.memref_squeeze %dma_wait3A_979 : memref<1x64x512xf32, #tpu.memory_space<hbm>> -> memref<64x512xf32, #tpu.memory_space<hbm>>
    %dma_wait3A_981 = arith.constant 768 : i32
    %dma_wait3A_982 = arith.constant 0 : i32
    %dma_wait3A_983 = tpu.memref_slice %arg3[%add3A_312, %dma_wait3A_981, %dma_wait3A_982] : memref<160x1024x512xf32, #tpu.memory_space<hbm>> -> memref<1x64x512xf32, #tpu.memory_space<hbm>>
    %dma_wait3A_984 = tpu.memref_squeeze %dma_wait3A_983 : memref<1x64x512xf32, #tpu.memory_space<hbm>> -> memref<64x512xf32, #tpu.memory_space<hbm>>
    tpu.wait_dma2 semaphore(%arg8 : memref<!tpu.dma_semaphore, #tpu.memory_space<semaphore_mem>>) src(%arg5 : memref<64x512xf32, #tpu.memory_space<vmem>>) dst(%dma_wait3A_984 : memref<64x512xf32, #tpu.memory_space<hbm>>)
    %dma_wait3A_985 = arith.constant 832 : i32
    %dma_wait3A_986 = arith.constant 0 : i32
    %dma_wait3A_987 = tpu.memref_slice %arg3[%add3A_312, %dma_wait3A_985, %dma_wait3A_986] : memref<160x1024x512xf32, #tpu.memory_space<hbm>> -> memref<1x64x512xf32, #tpu.memory_space<hbm>>
    %dma_wait3A_988 = tpu.memref_squeeze %dma_wait3A_987 : memref<1x64x512xf32, #tpu.memory_space<hbm>> -> memref<64x512xf32, #tpu.memory_space<hbm>>
    %dma_wait3A_989 = arith.constant 832 : i32
    %dma_wait3A_990 = arith.constant 0 : i32
    %dma_wait3A_991 = tpu.memref_slice %arg3[%add3A_312, %dma_wait3A_989, %dma_wait3A_990] : memref<160x1024x512xf32, #tpu.memory_space<hbm>> -> memref<1x64x512xf32, #tpu.memory_space<hbm>>
    %dma_wait3A_992 = tpu.memref_squeeze %dma_wait3A_991 : memref<1x64x512xf32, #tpu.memory_space<hbm>> -> memref<64x512xf32, #tpu.memory_space<hbm>>
    tpu.wait_dma2 semaphore(%arg8 : memref<!tpu.dma_semaphore, #tpu.memory_space<semaphore_mem>>) src(%arg5 : memref<64x512xf32, #tpu.memory_space<vmem>>) dst(%dma_wait3A_992 : memref<64x512xf32, #tpu.memory_space<hbm>>)
    %dma_wait3A_993 = arith.constant 896 : i32
    %dma_wait3A_994 = arith.constant 0 : i32
    %dma_wait3A_995 = tpu.memref_slice %arg3[%add3A_312, %dma_wait3A_993, %dma_wait3A_994] : memref<160x1024x512xf32, #tpu.memory_space<hbm>> -> memref<1x64x512xf32, #tpu.memory_space<hbm>>
    %dma_wait3A_996 = tpu.memref_squeeze %dma_wait3A_995 : memref<1x64x512xf32, #tpu.memory_space<hbm>> -> memref<64x512xf32, #tpu.memory_space<hbm>>
    %dma_wait3A_997 = arith.constant 896 : i32
    %dma_wait3A_998 = arith.constant 0 : i32
    %dma_wait3A_999 = tpu.memref_slice %arg3[%add3A_312, %dma_wait3A_997, %dma_wait3A_998] : memref<160x1024x512xf32, #tpu.memory_space<hbm>> -> memref<1x64x512xf32, #tpu.memory_space<hbm>>
    %dma_wait3A_1000 = tpu.memref_squeeze %dma_wait3A_999 : memref<1x64x512xf32, #tpu.memory_space<hbm>> -> memref<64x512xf32, #tpu.memory_space<hbm>>
    tpu.wait_dma2 semaphore(%arg8 : memref<!tpu.dma_semaphore, #tpu.memory_space<semaphore_mem>>) src(%arg5 : memref<64x512xf32, #tpu.memory_space<vmem>>) dst(%dma_wait3A_1000 : memref<64x512xf32, #tpu.memory_space<hbm>>)
    %dma_wait3A_1001 = arith.constant 960 : i32
    %dma_wait3A_1002 = arith.constant 0 : i32
    %dma_wait3A_1003 = tpu.memref_slice %arg3[%add3A_312, %dma_wait3A_1001, %dma_wait3A_1002] : memref<160x1024x512xf32, #tpu.memory_space<hbm>> -> memref<1x64x512xf32, #tpu.memory_space<hbm>>
    %dma_wait3A_1004 = tpu.memref_squeeze %dma_wait3A_1003 : memref<1x64x512xf32, #tpu.memory_space<hbm>> -> memref<64x512xf32, #tpu.memory_space<hbm>>
    %dma_wait3A_1005 = arith.constant 960 : i32
    %dma_wait3A_1006 = arith.constant 0 : i32
    %dma_wait3A_1007 = tpu.memref_slice %arg3[%add3A_312, %dma_wait3A_1005, %dma_wait3A_1006] : memref<160x1024x512xf32, #tpu.memory_space<hbm>> -> memref<1x64x512xf32, #tpu.memory_space<hbm>>
    %dma_wait3A_1008 = tpu.memref_squeeze %dma_wait3A_1007 : memref<1x64x512xf32, #tpu.memory_space<hbm>> -> memref<64x512xf32, #tpu.memory_space<hbm>>
    tpu.wait_dma2 semaphore(%arg8 : memref<!tpu.dma_semaphore, #tpu.memory_space<semaphore_mem>>) src(%arg5 : memref<64x512xf32, #tpu.memory_space<vmem>>) dst(%dma_wait3A_1008 : memref<64x512xf32, #tpu.memory_space<hbm>>)
    %broadcast_in_dim3A_1009 = vector.broadcast %add3A_880 : i32 to vector<16xi32>
    %swap3A_1010 = arith.constant 0 : index
    %swap3A_1011 = tpu.vector_load %arg4[%swap3A_1010] {strides = array<i32>} : memref<64xi32, #tpu.memory_space<vmem>>, vector<16xi32>,
    %swap3A_1012 = vector.shape_cast %swap3A_1011 : vector<16xi32> to vector<16xi32>
    %swap3A_1013 = vector.shape_cast %broadcast_in_dim3A_1009 : vector<16xi32> to vector<16xi32>
    tpu.vector_store %arg4[%swap3A_1010], %swap3A_1013 {strides = array<i32>} : memref<64xi32, #tpu.memory_space<vmem>>, vector<16xi32>,
    %broadcast_in_dim3A_1014 = vector.broadcast %add3A_880 : i32 to vector<16xi32>
    %swap3A_1015 = arith.constant 16 : index
    %swap3A_1016 = tpu.vector_load %arg4[%swap3A_1015] {strides = array<i32>} : memref<64xi32, #tpu.memory_space<vmem>>, vector<16xi32>,
    %swap3A_1017 = vector.shape_cast %swap3A_1016 : vector<16xi32> to vector<16xi32>
    %swap3A_1018 = vector.shape_cast %broadcast_in_dim3A_1014 : vector<16xi32> to vector<16xi32>
    tpu.vector_store %arg4[%swap3A_1015], %swap3A_1018 {strides = array<i32>} : memref<64xi32, #tpu.memory_space<vmem>>, vector<16xi32>,
    %broadcast_in_dim3A_1019 = vector.broadcast %add3A_880 : i32 to vector<16xi32>
    %swap3A_1020 = arith.constant 32 : index
    %swap3A_1021 = tpu.vector_load %arg4[%swap3A_1020] {strides = array<i32>} : memref<64xi32, #tpu.memory_space<vmem>>, vector<16xi32>,
    %swap3A_1022 = vector.shape_cast %swap3A_1021 : vector<16xi32> to vector<16xi32>
    %swap3A_1023 = vector.shape_cast %broadcast_in_dim3A_1019 : vector<16xi32> to vector<16xi32>
    tpu.vector_store %arg4[%swap3A_1020], %swap3A_1023 {strides = array<i32>} : memref<64xi32, #tpu.memory_space<vmem>>, vector<16xi32>,
    %broadcast_in_dim3A_1024 = vector.broadcast %add3A_880 : i32 to vector<16xi32>
    %swap3A_1025 = arith.constant 48 : index
    %swap3A_1026 = tpu.vector_load %arg4[%swap3A_1025] {strides = array<i32>} : memref<64xi32, #tpu.memory_space<vmem>>, vector<16xi32>,
    %swap3A_1027 = vector.shape_cast %swap3A_1026 : vector<16xi32> to vector<16xi32>
    %swap3A_1028 = vector.shape_cast %broadcast_in_dim3A_1024 : vector<16xi32> to vector<16xi32>
    tpu.vector_store %arg4[%swap3A_1025], %swap3A_1028 {strides = array<i32>} : memref<64xi32, #tpu.memory_space<vmem>>, vector<16xi32>,
    %dma_start3A_1029 = arith.constant 0 : i32
    %dma_start3A_1030 = arith.constant 0 : i32
    %dma_start3A_1031 = tpu.memref_slice %arg2[%dma_start3A_1029, %dma_start3A_1030] : memref<160x512xf32, #tpu.memory_space<hbm>> -> memref<160x512xf32, #tpu.memory_space<hbm>>
    tpu.enqueue_indirect_dma source(%dma_start3A_1031 : memref<160x512xf32, #tpu.memory_space<hbm>>) target(%arg5 : memref<64x512xf32, #tpu.memory_space<vmem>>) offsets(%arg4 : memref<64xi32, #tpu.memory_space<vmem>>) semaphore(%arg7 : memref<!tpu.dma_semaphore, #tpu.memory_space<semaphore_mem>>)
    %dma_wait3A_1032 = arith.constant 0 : i32
    %dma_wait3A_1033 = arith.constant 0 : i32
    %dma_wait3A_1034 = tpu.memref_slice %arg2[%dma_wait3A_1032, %dma_wait3A_1033] : memref<160x512xf32, #tpu.memory_space<hbm>> -> memref<160x512xf32, #tpu.memory_space<hbm>>
    tpu.wait_indirect_dma semaphore(%arg7 : memref<!tpu.dma_semaphore, #tpu.memory_space<semaphore_mem>>) src(%dma_wait3A_1034 : memref<160x512xf32, #tpu.memory_space<hbm>>) dst(%arg5 : memref<64x512xf32, #tpu.memory_space<vmem>>)
    %dma_start3A_1035 = arith.constant 0 : i32
    %dma_start3A_1036 = arith.constant 0 : i32
    %dma_start3A_1037 = tpu.memref_slice %arg3[%add3A_880, %dma_start3A_1035, %dma_start3A_1036] : memref<160x1024x512xf32, #tpu.memory_space<hbm>> -> memref<1x64x512xf32, #tpu.memory_space<hbm>>
    %dma_start3A_1038 = tpu.memref_squeeze %dma_start3A_1037 : memref<1x64x512xf32, #tpu.memory_space<hbm>> -> memref<64x512xf32, #tpu.memory_space<hbm>>
    %dma_start3A_1039 = arith.constant 0 : i32
    %dma_start3A_1040 = arith.constant 0 : i32
    %dma_start3A_1041 = tpu.memref_slice %arg3[%add3A_880, %dma_start3A_1039, %dma_start3A_1040] : memref<160x1024x512xf32, #tpu.memory_space<hbm>> -> memref<1x64x512xf32, #tpu.memory_space<hbm>>
    %dma_start3A_1042 = tpu.memref_squeeze %dma_start3A_1041 : memref<1x64x512xf32, #tpu.memory_space<hbm>> -> memref<64x512xf32, #tpu.memory_space<hbm>>
    tpu.enqueue_dma source(%arg5 : memref<64x512xf32, #tpu.memory_space<vmem>>) target(%dma_start3A_1042 : memref<64x512xf32, #tpu.memory_space<hbm>>) target_semaphore(%arg8 : memref<!tpu.dma_semaphore, #tpu.memory_space<semaphore_mem>>)
    %dma_start3A_1043 = arith.constant 64 : i32
    %dma_start3A_1044 = arith.constant 0 : i32
    %dma_start3A_1045 = tpu.memref_slice %arg3[%add3A_880, %dma_start3A_1043, %dma_start3A_1044] : memref<160x1024x512xf32, #tpu.memory_space<hbm>> -> memref<1x64x512xf32, #tpu.memory_space<hbm>>
    %dma_start3A_1046 = tpu.memref_squeeze %dma_start3A_1045 : memref<1x64x512xf32, #tpu.memory_space<hbm>> -> memref<64x512xf32, #tpu.memory_space<hbm>>
    %dma_start3A_1047 = arith.constant 64 : i32
    %dma_start3A_1048 = arith.constant 0 : i32
    %dma_start3A_1049 = tpu.memref_slice %arg3[%add3A_880, %dma_start3A_1047, %dma_start3A_1048] : memref<160x1024x512xf32, #tpu.memory_space<hbm>> -> memref<1x64x512xf32, #tpu.memory_space<hbm>>
    %dma_start3A_1050 = tpu.memref_squeeze %dma_start3A_1049 : memref<1x64x512xf32, #tpu.memory_space<hbm>> -> memref<64x512xf32, #tpu.memory_space<hbm>>
    tpu.enqueue_dma source(%arg5 : memref<64x512xf32, #tpu.memory_space<vmem>>) target(%dma_start3A_1050 : memref<64x512xf32, #tpu.memory_space<hbm>>) target_semaphore(%arg8 : memref<!tpu.dma_semaphore, #tpu.memory_space<semaphore_mem>>)
    %dma_start3A_1051 = arith.constant 128 : i32
    %dma_start3A_1052 = arith.constant 0 : i32
    %dma_start3A_1053 = tpu.memref_slice %arg3[%add3A_880, %dma_start3A_1051, %dma_start3A_1052] : memref<160x1024x512xf32, #tpu.memory_space<hbm>> -> memref<1x64x512xf32, #tpu.memory_space<hbm>>
    %dma_start3A_1054 = tpu.memref_squeeze %dma_start3A_1053 : memref<1x64x512xf32, #tpu.memory_space<hbm>> -> memref<64x512xf32, #tpu.memory_space<hbm>>
    %dma_start3A_1055 = arith.constant 128 : i32
    %dma_start3A_1056 = arith.constant 0 : i32
    %dma_start3A_1057 = tpu.memref_slice %arg3[%add3A_880, %dma_start3A_1055, %dma_start3A_1056] : memref<160x1024x512xf32, #tpu.memory_space<hbm>> -> memref<1x64x512xf32, #tpu.memory_space<hbm>>
    %dma_start3A_1058 = tpu.memref_squeeze %dma_start3A_1057 : memref<1x64x512xf32, #tpu.memory_space<hbm>> -> memref<64x512xf32, #tpu.memory_space<hbm>>
    tpu.enqueue_dma source(%arg5 : memref<64x512xf32, #tpu.memory_space<vmem>>) target(%dma_start3A_1058 : memref<64x512xf32, #tpu.memory_space<hbm>>) target_semaphore(%arg8 : memref<!tpu.dma_semaphore, #tpu.memory_space<semaphore_mem>>)
    %dma_start3A_1059 = arith.constant 192 : i32
    %dma_start3A_1060 = arith.constant 0 : i32
    %dma_start3A_1061 = tpu.memref_slice %arg3[%add3A_880, %dma_start3A_1059, %dma_start3A_1060] : memref<160x1024x512xf32, #tpu.memory_space<hbm>> -> memref<1x64x512xf32, #tpu.memory_space<hbm>>
    %dma_start3A_1062 = tpu.memref_squeeze %dma_start3A_1061 : memref<1x64x512xf32, #tpu.memory_space<hbm>> -> memref<64x512xf32, #tpu.memory_space<hbm>>
    %dma_start3A_1063 = arith.constant 192 : i32
    %dma_start3A_1064 = arith.constant 0 : i32
    %dma_start3A_1065 = tpu.memref_slice %arg3[%add3A_880, %dma_start3A_1063, %dma_start3A_1064] : memref<160x1024x512xf32, #tpu.memory_space<hbm>> -> memref<1x64x512xf32, #tpu.memory_space<hbm>>
    %dma_start3A_1066 = tpu.memref_squeeze %dma_start3A_1065 : memref<1x64x512xf32, #tpu.memory_space<hbm>> -> memref<64x512xf32, #tpu.memory_space<hbm>>
    tpu.enqueue_dma source(%arg5 : memref<64x512xf32, #tpu.memory_space<vmem>>) target(%dma_start3A_1066 : memref<64x512xf32, #tpu.memory_space<hbm>>) target_semaphore(%arg8 : memref<!tpu.dma_semaphore, #tpu.memory_space<semaphore_mem>>)
    %dma_start3A_1067 = arith.constant 256 : i32
    %dma_start3A_1068 = arith.constant 0 : i32
    %dma_start3A_1069 = tpu.memref_slice %arg3[%add3A_880, %dma_start3A_1067, %dma_start3A_1068] : memref<160x1024x512xf32, #tpu.memory_space<hbm>> -> memref<1x64x512xf32, #tpu.memory_space<hbm>>
    %dma_start3A_1070 = tpu.memref_squeeze %dma_start3A_1069 : memref<1x64x512xf32, #tpu.memory_space<hbm>> -> memref<64x512xf32, #tpu.memory_space<hbm>>
    %dma_start3A_1071 = arith.constant 256 : i32
    %dma_start3A_1072 = arith.constant 0 : i32
    %dma_start3A_1073 = tpu.memref_slice %arg3[%add3A_880, %dma_start3A_1071, %dma_start3A_1072] : memref<160x1024x512xf32, #tpu.memory_space<hbm>> -> memref<1x64x512xf32, #tpu.memory_space<hbm>>
    %dma_start3A_1074 = tpu.memref_squeeze %dma_start3A_1073 : memref<1x64x512xf32, #tpu.memory_space<hbm>> -> memref<64x512xf32, #tpu.memory_space<hbm>>
    tpu.enqueue_dma source(%arg5 : memref<64x512xf32, #tpu.memory_space<vmem>>) target(%dma_start3A_1074 : memref<64x512xf32, #tpu.memory_space<hbm>>) target_semaphore(%arg8 : memref<!tpu.dma_semaphore, #tpu.memory_space<semaphore_mem>>)
    %dma_start3A_1075 = arith.constant 320 : i32
    %dma_start3A_1076 = arith.constant 0 : i32
    %dma_start3A_1077 = tpu.memref_slice %arg3[%add3A_880, %dma_start3A_1075, %dma_start3A_1076] : memref<160x1024x512xf32, #tpu.memory_space<hbm>> -> memref<1x64x512xf32, #tpu.memory_space<hbm>>
    %dma_start3A_1078 = tpu.memref_squeeze %dma_start3A_1077 : memref<1x64x512xf32, #tpu.memory_space<hbm>> -> memref<64x512xf32, #tpu.memory_space<hbm>>
    %dma_start3A_1079 = arith.constant 320 : i32
    %dma_start3A_1080 = arith.constant 0 : i32
    %dma_start3A_1081 = tpu.memref_slice %arg3[%add3A_880, %dma_start3A_1079, %dma_start3A_1080] : memref<160x1024x512xf32, #tpu.memory_space<hbm>> -> memref<1x64x512xf32, #tpu.memory_space<hbm>>
    %dma_start3A_1082 = tpu.memref_squeeze %dma_start3A_1081 : memref<1x64x512xf32, #tpu.memory_space<hbm>> -> memref<64x512xf32, #tpu.memory_space<hbm>>
    tpu.enqueue_dma source(%arg5 : memref<64x512xf32, #tpu.memory_space<vmem>>) target(%dma_start3A_1082 : memref<64x512xf32, #tpu.memory_space<hbm>>) target_semaphore(%arg8 : memref<!tpu.dma_semaphore, #tpu.memory_space<semaphore_mem>>)
    %dma_start3A_1083 = arith.constant 384 : i32
    %dma_start3A_1084 = arith.constant 0 : i32
    %dma_start3A_1085 = tpu.memref_slice %arg3[%add3A_880, %dma_start3A_1083, %dma_start3A_1084] : memref<160x1024x512xf32, #tpu.memory_space<hbm>> -> memref<1x64x512xf32, #tpu.memory_space<hbm>>
    %dma_start3A_1086 = tpu.memref_squeeze %dma_start3A_1085 : memref<1x64x512xf32, #tpu.memory_space<hbm>> -> memref<64x512xf32, #tpu.memory_space<hbm>>
    %dma_start3A_1087 = arith.constant 384 : i32
    %dma_start3A_1088 = arith.constant 0 : i32
    %dma_start3A_1089 = tpu.memref_slice %arg3[%add3A_880, %dma_start3A_1087, %dma_start3A_1088] : memref<160x1024x512xf32, #tpu.memory_space<hbm>> -> memref<1x64x512xf32, #tpu.memory_space<hbm>>
    %dma_start3A_1090 = tpu.memref_squeeze %dma_start3A_1089 : memref<1x64x512xf32, #tpu.memory_space<hbm>> -> memref<64x512xf32, #tpu.memory_space<hbm>>
    tpu.enqueue_dma source(%arg5 : memref<64x512xf32, #tpu.memory_space<vmem>>) target(%dma_start3A_1090 : memref<64x512xf32, #tpu.memory_space<hbm>>) target_semaphore(%arg8 : memref<!tpu.dma_semaphore, #tpu.memory_space<semaphore_mem>>)
    %dma_start3A_1091 = arith.constant 448 : i32
    %dma_start3A_1092 = arith.constant 0 : i32
    %dma_start3A_1093 = tpu.memref_slice %arg3[%add3A_880, %dma_start3A_1091, %dma_start3A_1092] : memref<160x1024x512xf32, #tpu.memory_space<hbm>> -> memref<1x64x512xf32, #tpu.memory_space<hbm>>
    %dma_start3A_1094 = tpu.memref_squeeze %dma_start3A_1093 : memref<1x64x512xf32, #tpu.memory_space<hbm>> -> memref<64x512xf32, #tpu.memory_space<hbm>>
    %dma_start3A_1095 = arith.constant 448 : i32
    %dma_start3A_1096 = arith.constant 0 : i32
    %dma_start3A_1097 = tpu.memref_slice %arg3[%add3A_880, %dma_start3A_1095, %dma_start3A_1096] : memref<160x1024x512xf32, #tpu.memory_space<hbm>> -> memref<1x64x512xf32, #tpu.memory_space<hbm>>
    %dma_start3A_1098 = tpu.memref_squeeze %dma_start3A_1097 : memref<1x64x512xf32, #tpu.memory_space<hbm>> -> memref<64x512xf32, #tpu.memory_space<hbm>>
    tpu.enqueue_dma source(%arg5 : memref<64x512xf32, #tpu.memory_space<vmem>>) target(%dma_start3A_1098 : memref<64x512xf32, #tpu.memory_space<hbm>>) target_semaphore(%arg8 : memref<!tpu.dma_semaphore, #tpu.memory_space<semaphore_mem>>)
    %dma_start3A_1099 = arith.constant 512 : i32
    %dma_start3A_1100 = arith.constant 0 : i32
    %dma_start3A_1101 = tpu.memref_slice %arg3[%add3A_880, %dma_start3A_1099, %dma_start3A_1100] : memref<160x1024x512xf32, #tpu.memory_space<hbm>> -> memref<1x64x512xf32, #tpu.memory_space<hbm>>
    %dma_start3A_1102 = tpu.memref_squeeze %dma_start3A_1101 : memref<1x64x512xf32, #tpu.memory_space<hbm>> -> memref<64x512xf32, #tpu.memory_space<hbm>>
    %dma_start3A_1103 = arith.constant 512 : i32
    %dma_start3A_1104 = arith.constant 0 : i32
    %dma_start3A_1105 = tpu.memref_slice %arg3[%add3A_880, %dma_start3A_1103, %dma_start3A_1104] : memref<160x1024x512xf32, #tpu.memory_space<hbm>> -> memref<1x64x512xf32, #tpu.memory_space<hbm>>
    %dma_start3A_1106 = tpu.memref_squeeze %dma_start3A_1105 : memref<1x64x512xf32, #tpu.memory_space<hbm>> -> memref<64x512xf32, #tpu.memory_space<hbm>>
    tpu.enqueue_dma source(%arg5 : memref<64x512xf32, #tpu.memory_space<vmem>>) target(%dma_start3A_1106 : memref<64x512xf32, #tpu.memory_space<hbm>>) target_semaphore(%arg8 : memref<!tpu.dma_semaphore, #tpu.memory_space<semaphore_mem>>)
    %dma_start3A_1107 = arith.constant 576 : i32
    %dma_start3A_1108 = arith.constant 0 : i32
    %dma_start3A_1109 = tpu.memref_slice %arg3[%add3A_880, %dma_start3A_1107, %dma_start3A_1108] : memref<160x1024x512xf32, #tpu.memory_space<hbm>> -> memref<1x64x512xf32, #tpu.memory_space<hbm>>
    %dma_start3A_1110 = tpu.memref_squeeze %dma_start3A_1109 : memref<1x64x512xf32, #tpu.memory_space<hbm>> -> memref<64x512xf32, #tpu.memory_space<hbm>>
    %dma_start3A_1111 = arith.constant 576 : i32
    %dma_start3A_1112 = arith.constant 0 : i32
    %dma_start3A_1113 = tpu.memref_slice %arg3[%add3A_880, %dma_start3A_1111, %dma_start3A_1112] : memref<160x1024x512xf32, #tpu.memory_space<hbm>> -> memref<1x64x512xf32, #tpu.memory_space<hbm>>
    %dma_start3A_1114 = tpu.memref_squeeze %dma_start3A_1113 : memref<1x64x512xf32, #tpu.memory_space<hbm>> -> memref<64x512xf32, #tpu.memory_space<hbm>>
    tpu.enqueue_dma source(%arg5 : memref<64x512xf32, #tpu.memory_space<vmem>>) target(%dma_start3A_1114 : memref<64x512xf32, #tpu.memory_space<hbm>>) target_semaphore(%arg8 : memref<!tpu.dma_semaphore, #tpu.memory_space<semaphore_mem>>)
    %dma_start3A_1115 = arith.constant 640 : i32
    %dma_start3A_1116 = arith.constant 0 : i32
    %dma_start3A_1117 = tpu.memref_slice %arg3[%add3A_880, %dma_start3A_1115, %dma_start3A_1116] : memref<160x1024x512xf32, #tpu.memory_space<hbm>> -> memref<1x64x512xf32, #tpu.memory_space<hbm>>
    %dma_start3A_1118 = tpu.memref_squeeze %dma_start3A_1117 : memref<1x64x512xf32, #tpu.memory_space<hbm>> -> memref<64x512xf32, #tpu.memory_space<hbm>>
    %dma_start3A_1119 = arith.constant 640 : i32
    %dma_start3A_1120 = arith.constant 0 : i32
    %dma_start3A_1121 = tpu.memref_slice %arg3[%add3A_880, %dma_start3A_1119, %dma_start3A_1120] : memref<160x1024x512xf32, #tpu.memory_space<hbm>> -> memref<1x64x512xf32, #tpu.memory_space<hbm>>
    %dma_start3A_1122 = tpu.memref_squeeze %dma_start3A_1121 : memref<1x64x512xf32, #tpu.memory_space<hbm>> -> memref<64x512xf32, #tpu.memory_space<hbm>>
    tpu.enqueue_dma source(%arg5 : memref<64x512xf32, #tpu.memory_space<vmem>>) target(%dma_start3A_1122 : memref<64x512xf32, #tpu.memory_space<hbm>>) target_semaphore(%arg8 : memref<!tpu.dma_semaphore, #tpu.memory_space<semaphore_mem>>)
    %dma_start3A_1123 = arith.constant 704 : i32
    %dma_start3A_1124 = arith.constant 0 : i32
    %dma_start3A_1125 = tpu.memref_slice %arg3[%add3A_880, %dma_start3A_1123, %dma_start3A_1124] : memref<160x1024x512xf32, #tpu.memory_space<hbm>> -> memref<1x64x512xf32, #tpu.memory_space<hbm>>
    %dma_start3A_1126 = tpu.memref_squeeze %dma_start3A_1125 : memref<1x64x512xf32, #tpu.memory_space<hbm>> -> memref<64x512xf32, #tpu.memory_space<hbm>>
    %dma_start3A_1127 = arith.constant 704 : i32
    %dma_start3A_1128 = arith.constant 0 : i32
    %dma_start3A_1129 = tpu.memref_slice %arg3[%add3A_880, %dma_start3A_1127, %dma_start3A_1128] : memref<160x1024x512xf32, #tpu.memory_space<hbm>> -> memref<1x64x512xf32, #tpu.memory_space<hbm>>
    %dma_start3A_1130 = tpu.memref_squeeze %dma_start3A_1129 : memref<1x64x512xf32, #tpu.memory_space<hbm>> -> memref<64x512xf32, #tpu.memory_space<hbm>>
    tpu.enqueue_dma source(%arg5 : memref<64x512xf32, #tpu.memory_space<vmem>>) target(%dma_start3A_1130 : memref<64x512xf32, #tpu.memory_space<hbm>>) target_semaphore(%arg8 : memref<!tpu.dma_semaphore, #tpu.memory_space<semaphore_mem>>)
    %dma_start3A_1131 = arith.constant 768 : i32
    %dma_start3A_1132 = arith.constant 0 : i32
    %dma_start3A_1133 = tpu.memref_slice %arg3[%add3A_880, %dma_start3A_1131, %dma_start3A_1132] : memref<160x1024x512xf32, #tpu.memory_space<hbm>> -> memref<1x64x512xf32, #tpu.memory_space<hbm>>
    %dma_start3A_1134 = tpu.memref_squeeze %dma_start3A_1133 : memref<1x64x512xf32, #tpu.memory_space<hbm>> -> memref<64x512xf32, #tpu.memory_space<hbm>>
    %dma_start3A_1135 = arith.constant 768 : i32
    %dma_start3A_1136 = arith.constant 0 : i32
    %dma_start3A_1137 = tpu.memref_slice %arg3[%add3A_880, %dma_start3A_1135, %dma_start3A_1136] : memref<160x1024x512xf32, #tpu.memory_space<hbm>> -> memref<1x64x512xf32, #tpu.memory_space<hbm>>
    %dma_start3A_1138 = tpu.memref_squeeze %dma_start3A_1137 : memref<1x64x512xf32, #tpu.memory_space<hbm>> -> memref<64x512xf32, #tpu.memory_space<hbm>>
    tpu.enqueue_dma source(%arg5 : memref<64x512xf32, #tpu.memory_space<vmem>>) target(%dma_start3A_1138 : memref<64x512xf32, #tpu.memory_space<hbm>>) target_semaphore(%arg8 : memref<!tpu.dma_semaphore, #tpu.memory_space<semaphore_mem>>)
    %dma_start3A_1139 = arith.constant 832 : i32
    %dma_start3A_1140 = arith.constant 0 : i32
    %dma_start3A_1141 = tpu.memref_slice %arg3[%add3A_880, %dma_start3A_1139, %dma_start3A_1140] : memref<160x1024x512xf32, #tpu.memory_space<hbm>> -> memref<1x64x512xf32, #tpu.memory_space<hbm>>
    %dma_start3A_1142 = tpu.memref_squeeze %dma_start3A_1141 : memref<1x64x512xf32, #tpu.memory_space<hbm>> -> memref<64x512xf32, #tpu.memory_space<hbm>>
    %dma_start3A_1143 = arith.constant 832 : i32
    %dma_start3A_1144 = arith.constant 0 : i32
    %dma_start3A_1145 = tpu.memref_slice %arg3[%add3A_880, %dma_start3A_1143, %dma_start3A_1144] : memref<160x1024x512xf32, #tpu.memory_space<hbm>> -> memref<1x64x512xf32, #tpu.memory_space<hbm>>
    %dma_start3A_1146 = tpu.memref_squeeze %dma_start3A_1145 : memref<1x64x512xf32, #tpu.memory_space<hbm>> -> memref<64x512xf32, #tpu.memory_space<hbm>>
    tpu.enqueue_dma source(%arg5 : memref<64x512xf32, #tpu.memory_space<vmem>>) target(%dma_start3A_1146 : memref<64x512xf32, #tpu.memory_space<hbm>>) target_semaphore(%arg8 : memref<!tpu.dma_semaphore, #tpu.memory_space<semaphore_mem>>)
    %dma_start3A_1147 = arith.constant 896 : i32
    %dma_start3A_1148 = arith.constant 0 : i32
    %dma_start3A_1149 = tpu.memref_slice %arg3[%add3A_880, %dma_start3A_1147, %dma_start3A_1148] : memref<160x1024x512xf32, #tpu.memory_space<hbm>> -> memref<1x64x512xf32, #tpu.memory_space<hbm>>
    %dma_start3A_1150 = tpu.memref_squeeze %dma_start3A_1149 : memref<1x64x512xf32, #tpu.memory_space<hbm>> -> memref<64x512xf32, #tpu.memory_space<hbm>>
    %dma_start3A_1151 = arith.constant 896 : i32
    %dma_start3A_1152 = arith.constant 0 : i32
    %dma_start3A_1153 = tpu.memref_slice %arg3[%add3A_880, %dma_start3A_1151, %dma_start3A_1152] : memref<160x1024x512xf32, #tpu.memory_space<hbm>> -> memref<1x64x512xf32, #tpu.memory_space<hbm>>
    %dma_start3A_1154 = tpu.memref_squeeze %dma_start3A_1153 : memref<1x64x512xf32, #tpu.memory_space<hbm>> -> memref<64x512xf32, #tpu.memory_space<hbm>>
    tpu.enqueue_dma source(%arg5 : memref<64x512xf32, #tpu.memory_space<vmem>>) target(%dma_start3A_1154 : memref<64x512xf32, #tpu.memory_space<hbm>>) target_semaphore(%arg8 : memref<!tpu.dma_semaphore, #tpu.memory_space<semaphore_mem>>)
    %dma_start3A_1155 = arith.constant 960 : i32
    %dma_start3A_1156 = arith.constant 0 : i32
    %dma_start3A_1157 = tpu.memref_slice %arg3[%add3A_880, %dma_start3A_1155, %dma_start3A_1156] : memref<160x1024x512xf32, #tpu.memory_space<hbm>> -> memref<1x64x512xf32, #tpu.memory_space<hbm>>
    %dma_start3A_1158 = tpu.memref_squeeze %dma_start3A_1157 : memref<1x64x512xf32, #tpu.memory_space<hbm>> -> memref<64x512xf32, #tpu.memory_space<hbm>>
    %dma_start3A_1159 = arith.constant 960 : i32
    %dma_start3A_1160 = arith.constant 0 : i32
    %dma_start3A_1161 = tpu.memref_slice %arg3[%add3A_880, %dma_start3A_1159, %dma_start3A_1160] : memref<160x1024x512xf32, #tpu.memory_space<hbm>> -> memref<1x64x512xf32, #tpu.memory_space<hbm>>
    %dma_start3A_1162 = tpu.memref_squeeze %dma_start3A_1161 : memref<1x64x512xf32, #tpu.memory_space<hbm>> -> memref<64x512xf32, #tpu.memory_space<hbm>>
    tpu.enqueue_dma source(%arg5 : memref<64x512xf32, #tpu.memory_space<vmem>>) target(%dma_start3A_1162 : memref<64x512xf32, #tpu.memory_space<hbm>>) target_semaphore(%arg8 : memref<!tpu.dma_semaphore, #tpu.memory_space<semaphore_mem>>)
    %dma_wait3A_1163 = arith.constant 0 : i32
    %dma_wait3A_1164 = arith.constant 0 : i32
    %dma_wait3A_1165 = tpu.memref_slice %arg3[%add3A_596, %dma_wait3A_1163, %dma_wait3A_1164] : memref<160x1024x512xf32, #tpu.memory_space<hbm>> -> memref<1x64x512xf32, #tpu.memory_space<hbm>>
    %dma_wait3A_1166 = tpu.memref_squeeze %dma_wait3A_1165 : memref<1x64x512xf32, #tpu.memory_space<hbm>> -> memref<64x512xf32, #tpu.memory_space<hbm>>
    %dma_wait3A_1167 = arith.constant 0 : i32
    %dma_wait3A_1168 = arith.constant 0 : i32
    %dma_wait3A_1169 = tpu.memref_slice %arg3[%add3A_596, %dma_wait3A_1167, %dma_wait3A_1168] : memref<160x1024x512xf32, #tpu.memory_space<hbm>> -> memref<1x64x512xf32, #tpu.memory_space<hbm>>
    %dma_wait3A_1170 = tpu.memref_squeeze %dma_wait3A_1169 : memref<1x64x512xf32, #tpu.memory_space<hbm>> -> memref<64x512xf32, #tpu.memory_space<hbm>>
    tpu.wait_dma2 semaphore(%arg8 : memref<!tpu.dma_semaphore, #tpu.memory_space<semaphore_mem>>) src(%arg6 : memref<64x512xf32, #tpu.memory_space<vmem>>) dst(%dma_wait3A_1170 : memref<64x512xf32, #tpu.memory_space<hbm>>)
    %dma_wait3A_1171 = arith.constant 64 : i32
    %dma_wait3A_1172 = arith.constant 0 : i32
    %dma_wait3A_1173 = tpu.memref_slice %arg3[%add3A_596, %dma_wait3A_1171, %dma_wait3A_1172] : memref<160x1024x512xf32, #tpu.memory_space<hbm>> -> memref<1x64x512xf32, #tpu.memory_space<hbm>>
    %dma_wait3A_1174 = tpu.memref_squeeze %dma_wait3A_1173 : memref<1x64x512xf32, #tpu.memory_space<hbm>> -> memref<64x512xf32, #tpu.memory_space<hbm>>
    %dma_wait3A_1175 = arith.constant 64 : i32
    %dma_wait3A_1176 = arith.constant 0 : i32
    %dma_wait3A_1177 = tpu.memref_slice %arg3[%add3A_596, %dma_wait3A_1175, %dma_wait3A_1176] : memref<160x1024x512xf32, #tpu.memory_space<hbm>> -> memref<1x64x512xf32, #tpu.memory_space<hbm>>
    %dma_wait3A_1178 = tpu.memref_squeeze %dma_wait3A_1177 : memref<1x64x512xf32, #tpu.memory_space<hbm>> -> memref<64x512xf32, #tpu.memory_space<hbm>>
    tpu.wait_dma2 semaphore(%arg8 : memref<!tpu.dma_semaphore, #tpu.memory_space<semaphore_mem>>) src(%arg6 : memref<64x512xf32, #tpu.memory_space<vmem>>) dst(%dma_wait3A_1178 : memref<64x512xf32, #tpu.memory_space<hbm>>)
    %dma_wait3A_1179 = arith.constant 128 : i32
    %dma_wait3A_1180 = arith.constant 0 : i32
    %dma_wait3A_1181 = tpu.memref_slice %arg3[%add3A_596, %dma_wait3A_1179, %dma_wait3A_1180] : memref<160x1024x512xf32, #tpu.memory_space<hbm>> -> memref<1x64x512xf32, #tpu.memory_space<hbm>>
    %dma_wait3A_1182 = tpu.memref_squeeze %dma_wait3A_1181 : memref<1x64x512xf32, #tpu.memory_space<hbm>> -> memref<64x512xf32, #tpu.memory_space<hbm>>
    %dma_wait3A_1183 = arith.constant 128 : i32
    %dma_wait3A_1184 = arith.constant 0 : i32
    %dma_wait3A_1185 = tpu.memref_slice %arg3[%add3A_596, %dma_wait3A_1183, %dma_wait3A_1184] : memref<160x1024x512xf32, #tpu.memory_space<hbm>> -> memref<1x64x512xf32, #tpu.memory_space<hbm>>
    %dma_wait3A_1186 = tpu.memref_squeeze %dma_wait3A_1185 : memref<1x64x512xf32, #tpu.memory_space<hbm>> -> memref<64x512xf32, #tpu.memory_space<hbm>>
    tpu.wait_dma2 semaphore(%arg8 : memref<!tpu.dma_semaphore, #tpu.memory_space<semaphore_mem>>) src(%arg6 : memref<64x512xf32, #tpu.memory_space<vmem>>) dst(%dma_wait3A_1186 : memref<64x512xf32, #tpu.memory_space<hbm>>)
    %dma_wait3A_1187 = arith.constant 192 : i32
    %dma_wait3A_1188 = arith.constant 0 : i32
    %dma_wait3A_1189 = tpu.memref_slice %arg3[%add3A_596, %dma_wait3A_1187, %dma_wait3A_1188] : memref<160x1024x512xf32, #tpu.memory_space<hbm>> -> memref<1x64x512xf32, #tpu.memory_space<hbm>>
    %dma_wait3A_1190 = tpu.memref_squeeze %dma_wait3A_1189 : memref<1x64x512xf32, #tpu.memory_space<hbm>> -> memref<64x512xf32, #tpu.memory_space<hbm>>
    %dma_wait3A_1191 = arith.constant 192 : i32
    %dma_wait3A_1192 = arith.constant 0 : i32
    %dma_wait3A_1193 = tpu.memref_slice %arg3[%add3A_596, %dma_wait3A_1191, %dma_wait3A_1192] : memref<160x1024x512xf32, #tpu.memory_space<hbm>> -> memref<1x64x512xf32, #tpu.memory_space<hbm>>
    %dma_wait3A_1194 = tpu.memref_squeeze %dma_wait3A_1193 : memref<1x64x512xf32, #tpu.memory_space<hbm>> -> memref<64x512xf32, #tpu.memory_space<hbm>>
    tpu.wait_dma2 semaphore(%arg8 : memref<!tpu.dma_semaphore, #tpu.memory_space<semaphore_mem>>) src(%arg6 : memref<64x512xf32, #tpu.memory_space<vmem>>) dst(%dma_wait3A_1194 : memref<64x512xf32, #tpu.memory_space<hbm>>)
    %dma_wait3A_1195 = arith.constant 256 : i32
    %dma_wait3A_1196 = arith.constant 0 : i32
    %dma_wait3A_1197 = tpu.memref_slice %arg3[%add3A_596, %dma_wait3A_1195, %dma_wait3A_1196] : memref<160x1024x512xf32, #tpu.memory_space<hbm>> -> memref<1x64x512xf32, #tpu.memory_space<hbm>>
    %dma_wait3A_1198 = tpu.memref_squeeze %dma_wait3A_1197 : memref<1x64x512xf32, #tpu.memory_space<hbm>> -> memref<64x512xf32, #tpu.memory_space<hbm>>
    %dma_wait3A_1199 = arith.constant 256 : i32
    %dma_wait3A_1200 = arith.constant 0 : i32
    %dma_wait3A_1201 = tpu.memref_slice %arg3[%add3A_596, %dma_wait3A_1199, %dma_wait3A_1200] : memref<160x1024x512xf32, #tpu.memory_space<hbm>> -> memref<1x64x512xf32, #tpu.memory_space<hbm>>
    %dma_wait3A_1202 = tpu.memref_squeeze %dma_wait3A_1201 : memref<1x64x512xf32, #tpu.memory_space<hbm>> -> memref<64x512xf32, #tpu.memory_space<hbm>>
    tpu.wait_dma2 semaphore(%arg8 : memref<!tpu.dma_semaphore, #tpu.memory_space<semaphore_mem>>) src(%arg6 : memref<64x512xf32, #tpu.memory_space<vmem>>) dst(%dma_wait3A_1202 : memref<64x512xf32, #tpu.memory_space<hbm>>)
    %dma_wait3A_1203 = arith.constant 320 : i32
    %dma_wait3A_1204 = arith.constant 0 : i32
    %dma_wait3A_1205 = tpu.memref_slice %arg3[%add3A_596, %dma_wait3A_1203, %dma_wait3A_1204] : memref<160x1024x512xf32, #tpu.memory_space<hbm>> -> memref<1x64x512xf32, #tpu.memory_space<hbm>>
    %dma_wait3A_1206 = tpu.memref_squeeze %dma_wait3A_1205 : memref<1x64x512xf32, #tpu.memory_space<hbm>> -> memref<64x512xf32, #tpu.memory_space<hbm>>
    %dma_wait3A_1207 = arith.constant 320 : i32
    %dma_wait3A_1208 = arith.constant 0 : i32
    %dma_wait3A_1209 = tpu.memref_slice %arg3[%add3A_596, %dma_wait3A_1207, %dma_wait3A_1208] : memref<160x1024x512xf32, #tpu.memory_space<hbm>> -> memref<1x64x512xf32, #tpu.memory_space<hbm>>
    %dma_wait3A_1210 = tpu.memref_squeeze %dma_wait3A_1209 : memref<1x64x512xf32, #tpu.memory_space<hbm>> -> memref<64x512xf32, #tpu.memory_space<hbm>>
    tpu.wait_dma2 semaphore(%arg8 : memref<!tpu.dma_semaphore, #tpu.memory_space<semaphore_mem>>) src(%arg6 : memref<64x512xf32, #tpu.memory_space<vmem>>) dst(%dma_wait3A_1210 : memref<64x512xf32, #tpu.memory_space<hbm>>)
    %dma_wait3A_1211 = arith.constant 384 : i32
    %dma_wait3A_1212 = arith.constant 0 : i32
    %dma_wait3A_1213 = tpu.memref_slice %arg3[%add3A_596, %dma_wait3A_1211, %dma_wait3A_1212] : memref<160x1024x512xf32, #tpu.memory_space<hbm>> -> memref<1x64x512xf32, #tpu.memory_space<hbm>>
    %dma_wait3A_1214 = tpu.memref_squeeze %dma_wait3A_1213 : memref<1x64x512xf32, #tpu.memory_space<hbm>> -> memref<64x512xf32, #tpu.memory_space<hbm>>
    %dma_wait3A_1215 = arith.constant 384 : i32
    %dma_wait3A_1216 = arith.constant 0 : i32
    %dma_wait3A_1217 = tpu.memref_slice %arg3[%add3A_596, %dma_wait3A_1215, %dma_wait3A_1216] : memref<160x1024x512xf32, #tpu.memory_space<hbm>> -> memref<1x64x512xf32, #tpu.memory_space<hbm>>
    %dma_wait3A_1218 = tpu.memref_squeeze %dma_wait3A_1217 : memref<1x64x512xf32, #tpu.memory_space<hbm>> -> memref<64x512xf32, #tpu.memory_space<hbm>>
    tpu.wait_dma2 semaphore(%arg8 : memref<!tpu.dma_semaphore, #tpu.memory_space<semaphore_mem>>) src(%arg6 : memref<64x512xf32, #tpu.memory_space<vmem>>) dst(%dma_wait3A_1218 : memref<64x512xf32, #tpu.memory_space<hbm>>)
    %dma_wait3A_1219 = arith.constant 448 : i32
    %dma_wait3A_1220 = arith.constant 0 : i32
    %dma_wait3A_1221 = tpu.memref_slice %arg3[%add3A_596, %dma_wait3A_1219, %dma_wait3A_1220] : memref<160x1024x512xf32, #tpu.memory_space<hbm>> -> memref<1x64x512xf32, #tpu.memory_space<hbm>>
    %dma_wait3A_1222 = tpu.memref_squeeze %dma_wait3A_1221 : memref<1x64x512xf32, #tpu.memory_space<hbm>> -> memref<64x512xf32, #tpu.memory_space<hbm>>
    %dma_wait3A_1223 = arith.constant 448 : i32
    %dma_wait3A_1224 = arith.constant 0 : i32
    %dma_wait3A_1225 = tpu.memref_slice %arg3[%add3A_596, %dma_wait3A_1223, %dma_wait3A_1224] : memref<160x1024x512xf32, #tpu.memory_space<hbm>> -> memref<1x64x512xf32, #tpu.memory_space<hbm>>
    %dma_wait3A_1226 = tpu.memref_squeeze %dma_wait3A_1225 : memref<1x64x512xf32, #tpu.memory_space<hbm>> -> memref<64x512xf32, #tpu.memory_space<hbm>>
    tpu.wait_dma2 semaphore(%arg8 : memref<!tpu.dma_semaphore, #tpu.memory_space<semaphore_mem>>) src(%arg6 : memref<64x512xf32, #tpu.memory_space<vmem>>) dst(%dma_wait3A_1226 : memref<64x512xf32, #tpu.memory_space<hbm>>)
    %dma_wait3A_1227 = arith.constant 512 : i32
    %dma_wait3A_1228 = arith.constant 0 : i32
    %dma_wait3A_1229 = tpu.memref_slice %arg3[%add3A_596, %dma_wait3A_1227, %dma_wait3A_1228] : memref<160x1024x512xf32, #tpu.memory_space<hbm>> -> memref<1x64x512xf32, #tpu.memory_space<hbm>>
    %dma_wait3A_1230 = tpu.memref_squeeze %dma_wait3A_1229 : memref<1x64x512xf32, #tpu.memory_space<hbm>> -> memref<64x512xf32, #tpu.memory_space<hbm>>
    %dma_wait3A_1231 = arith.constant 512 : i32
    %dma_wait3A_1232 = arith.constant 0 : i32
    %dma_wait3A_1233 = tpu.memref_slice %arg3[%add3A_596, %dma_wait3A_1231, %dma_wait3A_1232] : memref<160x1024x512xf32, #tpu.memory_space<hbm>> -> memref<1x64x512xf32, #tpu.memory_space<hbm>>
    %dma_wait3A_1234 = tpu.memref_squeeze %dma_wait3A_1233 : memref<1x64x512xf32, #tpu.memory_space<hbm>> -> memref<64x512xf32, #tpu.memory_space<hbm>>
    tpu.wait_dma2 semaphore(%arg8 : memref<!tpu.dma_semaphore, #tpu.memory_space<semaphore_mem>>) src(%arg6 : memref<64x512xf32, #tpu.memory_space<vmem>>) dst(%dma_wait3A_1234 : memref<64x512xf32, #tpu.memory_space<hbm>>)
    %dma_wait3A_1235 = arith.constant 576 : i32
    %dma_wait3A_1236 = arith.constant 0 : i32
    %dma_wait3A_1237 = tpu.memref_slice %arg3[%add3A_596, %dma_wait3A_1235, %dma_wait3A_1236] : memref<160x1024x512xf32, #tpu.memory_space<hbm>> -> memref<1x64x512xf32, #tpu.memory_space<hbm>>
    %dma_wait3A_1238 = tpu.memref_squeeze %dma_wait3A_1237 : memref<1x64x512xf32, #tpu.memory_space<hbm>> -> memref<64x512xf32, #tpu.memory_space<hbm>>
    %dma_wait3A_1239 = arith.constant 576 : i32
    %dma_wait3A_1240 = arith.constant 0 : i32
    %dma_wait3A_1241 = tpu.memref_slice %arg3[%add3A_596, %dma_wait3A_1239, %dma_wait3A_1240] : memref<160x1024x512xf32, #tpu.memory_space<hbm>> -> memref<1x64x512xf32, #tpu.memory_space<hbm>>
    %dma_wait3A_1242 = tpu.memref_squeeze %dma_wait3A_1241 : memref<1x64x512xf32, #tpu.memory_space<hbm>> -> memref<64x512xf32, #tpu.memory_space<hbm>>
    tpu.wait_dma2 semaphore(%arg8 : memref<!tpu.dma_semaphore, #tpu.memory_space<semaphore_mem>>) src(%arg6 : memref<64x512xf32, #tpu.memory_space<vmem>>) dst(%dma_wait3A_1242 : memref<64x512xf32, #tpu.memory_space<hbm>>)
    %dma_wait3A_1243 = arith.constant 640 : i32
    %dma_wait3A_1244 = arith.constant 0 : i32
    %dma_wait3A_1245 = tpu.memref_slice %arg3[%add3A_596, %dma_wait3A_1243, %dma_wait3A_1244] : memref<160x1024x512xf32, #tpu.memory_space<hbm>> -> memref<1x64x512xf32, #tpu.memory_space<hbm>>
    %dma_wait3A_1246 = tpu.memref_squeeze %dma_wait3A_1245 : memref<1x64x512xf32, #tpu.memory_space<hbm>> -> memref<64x512xf32, #tpu.memory_space<hbm>>
    %dma_wait3A_1247 = arith.constant 640 : i32
    %dma_wait3A_1248 = arith.constant 0 : i32
    %dma_wait3A_1249 = tpu.memref_slice %arg3[%add3A_596, %dma_wait3A_1247, %dma_wait3A_1248] : memref<160x1024x512xf32, #tpu.memory_space<hbm>> -> memref<1x64x512xf32, #tpu.memory_space<hbm>>
    %dma_wait3A_1250 = tpu.memref_squeeze %dma_wait3A_1249 : memref<1x64x512xf32, #tpu.memory_space<hbm>> -> memref<64x512xf32, #tpu.memory_space<hbm>>
    tpu.wait_dma2 semaphore(%arg8 : memref<!tpu.dma_semaphore, #tpu.memory_space<semaphore_mem>>) src(%arg6 : memref<64x512xf32, #tpu.memory_space<vmem>>) dst(%dma_wait3A_1250 : memref<64x512xf32, #tpu.memory_space<hbm>>)
    %dma_wait3A_1251 = arith.constant 704 : i32
    %dma_wait3A_1252 = arith.constant 0 : i32
    %dma_wait3A_1253 = tpu.memref_slice %arg3[%add3A_596, %dma_wait3A_1251, %dma_wait3A_1252] : memref<160x1024x512xf32, #tpu.memory_space<hbm>> -> memref<1x64x512xf32, #tpu.memory_space<hbm>>
    %dma_wait3A_1254 = tpu.memref_squeeze %dma_wait3A_1253 : memref<1x64x512xf32, #tpu.memory_space<hbm>> -> memref<64x512xf32, #tpu.memory_space<hbm>>
    %dma_wait3A_1255 = arith.constant 704 : i32
    %dma_wait3A_1256 = arith.constant 0 : i32
    %dma_wait3A_1257 = tpu.memref_slice %arg3[%add3A_596, %dma_wait3A_1255, %dma_wait3A_1256] : memref<160x1024x512xf32, #tpu.memory_space<hbm>> -> memref<1x64x512xf32, #tpu.memory_space<hbm>>
    %dma_wait3A_1258 = tpu.memref_squeeze %dma_wait3A_1257 : memref<1x64x512xf32, #tpu.memory_space<hbm>> -> memref<64x512xf32, #tpu.memory_space<hbm>>
    tpu.wait_dma2 semaphore(%arg8 : memref<!tpu.dma_semaphore, #tpu.memory_space<semaphore_mem>>) src(%arg6 : memref<64x512xf32, #tpu.memory_space<vmem>>) dst(%dma_wait3A_1258 : memref<64x512xf32, #tpu.memory_space<hbm>>)
    %dma_wait3A_1259 = arith.constant 768 : i32
    %dma_wait3A_1260 = arith.constant 0 : i32
    %dma_wait3A_1261 = tpu.memref_slice %arg3[%add3A_596, %dma_wait3A_1259, %dma_wait3A_1260] : memref<160x1024x512xf32, #tpu.memory_space<hbm>> -> memref<1x64x512xf32, #tpu.memory_space<hbm>>
    %dma_wait3A_1262 = tpu.memref_squeeze %dma_wait3A_1261 : memref<1x64x512xf32, #tpu.memory_space<hbm>> -> memref<64x512xf32, #tpu.memory_space<hbm>>
    %dma_wait3A_1263 = arith.constant 768 : i32
    %dma_wait3A_1264 = arith.constant 0 : i32
    %dma_wait3A_1265 = tpu.memref_slice %arg3[%add3A_596, %dma_wait3A_1263, %dma_wait3A_1264] : memref<160x1024x512xf32, #tpu.memory_space<hbm>> -> memref<1x64x512xf32, #tpu.memory_space<hbm>>
    %dma_wait3A_1266 = tpu.memref_squeeze %dma_wait3A_1265 : memref<1x64x512xf32, #tpu.memory_space<hbm>> -> memref<64x512xf32, #tpu.memory_space<hbm>>
    tpu.wait_dma2 semaphore(%arg8 : memref<!tpu.dma_semaphore, #tpu.memory_space<semaphore_mem>>) src(%arg6 : memref<64x512xf32, #tpu.memory_space<vmem>>) dst(%dma_wait3A_1266 : memref<64x512xf32, #tpu.memory_space<hbm>>)
    %dma_wait3A_1267 = arith.constant 832 : i32
    %dma_wait3A_1268 = arith.constant 0 : i32
    %dma_wait3A_1269 = tpu.memref_slice %arg3[%add3A_596, %dma_wait3A_1267, %dma_wait3A_1268] : memref<160x1024x512xf32, #tpu.memory_space<hbm>> -> memref<1x64x512xf32, #tpu.memory_space<hbm>>
    %dma_wait3A_1270 = tpu.memref_squeeze %dma_wait3A_1269 : memref<1x64x512xf32, #tpu.memory_space<hbm>> -> memref<64x512xf32, #tpu.memory_space<hbm>>
    %dma_wait3A_1271 = arith.constant 832 : i32
    %dma_wait3A_1272 = arith.constant 0 : i32
    %dma_wait3A_1273 = tpu.memref_slice %arg3[%add3A_596, %dma_wait3A_1271, %dma_wait3A_1272] : memref<160x1024x512xf32, #tpu.memory_space<hbm>> -> memref<1x64x512xf32, #tpu.memory_space<hbm>>
    %dma_wait3A_1274 = tpu.memref_squeeze %dma_wait3A_1273 : memref<1x64x512xf32, #tpu.memory_space<hbm>> -> memref<64x512xf32, #tpu.memory_space<hbm>>
    tpu.wait_dma2 semaphore(%arg8 : memref<!tpu.dma_semaphore, #tpu.memory_space<semaphore_mem>>) src(%arg6 : memref<64x512xf32, #tpu.memory_space<vmem>>) dst(%dma_wait3A_1274 : memref<64x512xf32, #tpu.memory_space<hbm>>)
    %dma_wait3A_1275 = arith.constant 896 : i32
    %dma_wait3A_1276 = arith.constant 0 : i32
    %dma_wait3A_1277 = tpu.memref_slice %arg3[%add3A_596, %dma_wait3A_1275, %dma_wait3A_1276] : memref<160x1024x512xf32, #tpu.memory_space<hbm>> -> memref<1x64x512xf32, #tpu.memory_space<hbm>>
    %dma_wait3A_1278 = tpu.memref_squeeze %dma_wait3A_1277 : memref<1x64x512xf32, #tpu.memory_space<hbm>> -> memref<64x512xf32, #tpu.memory_space<hbm>>
    %dma_wait3A_1279 = arith.constant 896 : i32
    %dma_wait3A_1280 = arith.constant 0 : i32
    %dma_wait3A_1281 = tpu.memref_slice %arg3[%add3A_596, %dma_wait3A_1279, %dma_wait3A_1280] : memref<160x1024x512xf32, #tpu.memory_space<hbm>> -> memref<1x64x512xf32, #tpu.memory_space<hbm>>
    %dma_wait3A_1282 = tpu.memref_squeeze %dma_wait3A_1281 : memref<1x64x512xf32, #tpu.memory_space<hbm>> -> memref<64x512xf32, #tpu.memory_space<hbm>>
    tpu.wait_dma2 semaphore(%arg8 : memref<!tpu.dma_semaphore, #tpu.memory_space<semaphore_mem>>) src(%arg6 : memref<64x512xf32, #tpu.memory_space<vmem>>) dst(%dma_wait3A_1282 : memref<64x512xf32, #tpu.memory_space<hbm>>)
    %dma_wait3A_1283 = arith.constant 960 : i32
    %dma_wait3A_1284 = arith.constant 0 : i32
    %dma_wait3A_1285 = tpu.memref_slice %arg3[%add3A_596, %dma_wait3A_1283, %dma_wait3A_1284] : memref<160x1024x512xf32, #tpu.memory_space<hbm>> -> memref<1x64x512xf32, #tpu.memory_space<hbm>>
    %dma_wait3A_1286 = tpu.memref_squeeze %dma_wait3A_1285 : memref<1x64x512xf32, #tpu.memory_space<hbm>> -> memref<64x512xf32, #tpu.memory_space<hbm>>
    %dma_wait3A_1287 = arith.constant 960 : i32
    %dma_wait3A_1288 = arith.constant 0 : i32
    %dma_wait3A_1289 = tpu.memref_slice %arg3[%add3A_596, %dma_wait3A_1287, %dma_wait3A_1288] : memref<160x1024x512xf32, #tpu.memory_space<hbm>> -> memref<1x64x512xf32, #tpu.memory_space<hbm>>
    %dma_wait3A_1290 = tpu.memref_squeeze %dma_wait3A_1289 : memref<1x64x512xf32, #tpu.memory_space<hbm>> -> memref<64x512xf32, #tpu.memory_space<hbm>>
    tpu.wait_dma2 semaphore(%arg8 : memref<!tpu.dma_semaphore, #tpu.memory_space<semaphore_mem>>) src(%arg6 : memref<64x512xf32, #tpu.memory_space<vmem>>) dst(%dma_wait3A_1290 : memref<64x512xf32, #tpu.memory_space<hbm>>)
    %dma_wait3A_1291 = arith.constant 0 : i32
    %dma_wait3A_1292 = arith.constant 0 : i32
    %dma_wait3A_1293 = tpu.memref_slice %arg3[%add3A_880, %dma_wait3A_1291, %dma_wait3A_1292] : memref<160x1024x512xf32, #tpu.memory_space<hbm>> -> memref<1x64x512xf32, #tpu.memory_space<hbm>>
    %dma_wait3A_1294 = tpu.memref_squeeze %dma_wait3A_1293 : memref<1x64x512xf32, #tpu.memory_space<hbm>> -> memref<64x512xf32, #tpu.memory_space<hbm>>
    %dma_wait3A_1295 = arith.constant 0 : i32
    %dma_wait3A_1296 = arith.constant 0 : i32
    %dma_wait3A_1297 = tpu.memref_slice %arg3[%add3A_880, %dma_wait3A_1295, %dma_wait3A_1296] : memref<160x1024x512xf32, #tpu.memory_space<hbm>> -> memref<1x64x512xf32, #tpu.memory_space<hbm>>
    %dma_wait3A_1298 = tpu.memref_squeeze %dma_wait3A_1297 : memref<1x64x512xf32, #tpu.memory_space<hbm>> -> memref<64x512xf32, #tpu.memory_space<hbm>>
    tpu.wait_dma2 semaphore(%arg8 : memref<!tpu.dma_semaphore, #tpu.memory_space<semaphore_mem>>) src(%arg5 : memref<64x512xf32, #tpu.memory_space<vmem>>) dst(%dma_wait3A_1298 : memref<64x512xf32, #tpu.memory_space<hbm>>)
    %dma_wait3A_1299 = arith.constant 64 : i32
    %dma_wait3A_1300 = arith.constant 0 : i32
    %dma_wait3A_1301 = tpu.memref_slice %arg3[%add3A_880, %dma_wait3A_1299, %dma_wait3A_1300] : memref<160x1024x512xf32, #tpu.memory_space<hbm>> -> memref<1x64x512xf32, #tpu.memory_space<hbm>>
    %dma_wait3A_1302 = tpu.memref_squeeze %dma_wait3A_1301 : memref<1x64x512xf32, #tpu.memory_space<hbm>> -> memref<64x512xf32, #tpu.memory_space<hbm>>
    %dma_wait3A_1303 = arith.constant 64 : i32
    %dma_wait3A_1304 = arith.constant 0 : i32
    %dma_wait3A_1305 = tpu.memref_slice %arg3[%add3A_880, %dma_wait3A_1303, %dma_wait3A_1304] : memref<160x1024x512xf32, #tpu.memory_space<hbm>> -> memref<1x64x512xf32, #tpu.memory_space<hbm>>
    %dma_wait3A_1306 = tpu.memref_squeeze %dma_wait3A_1305 : memref<1x64x512xf32, #tpu.memory_space<hbm>> -> memref<64x512xf32, #tpu.memory_space<hbm>>
    tpu.wait_dma2 semaphore(%arg8 : memref<!tpu.dma_semaphore, #tpu.memory_space<semaphore_mem>>) src(%arg5 : memref<64x512xf32, #tpu.memory_space<vmem>>) dst(%dma_wait3A_1306 : memref<64x512xf32, #tpu.memory_space<hbm>>)
    %dma_wait3A_1307 = arith.constant 128 : i32
    %dma_wait3A_1308 = arith.constant 0 : i32
    %dma_wait3A_1309 = tpu.memref_slice %arg3[%add3A_880, %dma_wait3A_1307, %dma_wait3A_1308] : memref<160x1024x512xf32, #tpu.memory_space<hbm>> -> memref<1x64x512xf32, #tpu.memory_space<hbm>>
    %dma_wait3A_1310 = tpu.memref_squeeze %dma_wait3A_1309 : memref<1x64x512xf32, #tpu.memory_space<hbm>> -> memref<64x512xf32, #tpu.memory_space<hbm>>
    %dma_wait3A_1311 = arith.constant 128 : i32
    %dma_wait3A_1312 = arith.constant 0 : i32
    %dma_wait3A_1313 = tpu.memref_slice %arg3[%add3A_880, %dma_wait3A_1311, %dma_wait3A_1312] : memref<160x1024x512xf32, #tpu.memory_space<hbm>> -> memref<1x64x512xf32, #tpu.memory_space<hbm>>
    %dma_wait3A_1314 = tpu.memref_squeeze %dma_wait3A_1313 : memref<1x64x512xf32, #tpu.memory_space<hbm>> -> memref<64x512xf32, #tpu.memory_space<hbm>>
    tpu.wait_dma2 semaphore(%arg8 : memref<!tpu.dma_semaphore, #tpu.memory_space<semaphore_mem>>) src(%arg5 : memref<64x512xf32, #tpu.memory_space<vmem>>) dst(%dma_wait3A_1314 : memref<64x512xf32, #tpu.memory_space<hbm>>)
    %dma_wait3A_1315 = arith.constant 192 : i32
    %dma_wait3A_1316 = arith.constant 0 : i32
    %dma_wait3A_1317 = tpu.memref_slice %arg3[%add3A_880, %dma_wait3A_1315, %dma_wait3A_1316] : memref<160x1024x512xf32, #tpu.memory_space<hbm>> -> memref<1x64x512xf32, #tpu.memory_space<hbm>>
    %dma_wait3A_1318 = tpu.memref_squeeze %dma_wait3A_1317 : memref<1x64x512xf32, #tpu.memory_space<hbm>> -> memref<64x512xf32, #tpu.memory_space<hbm>>
    %dma_wait3A_1319 = arith.constant 192 : i32
    %dma_wait3A_1320 = arith.constant 0 : i32
    %dma_wait3A_1321 = tpu.memref_slice %arg3[%add3A_880, %dma_wait3A_1319, %dma_wait3A_1320] : memref<160x1024x512xf32, #tpu.memory_space<hbm>> -> memref<1x64x512xf32, #tpu.memory_space<hbm>>
    %dma_wait3A_1322 = tpu.memref_squeeze %dma_wait3A_1321 : memref<1x64x512xf32, #tpu.memory_space<hbm>> -> memref<64x512xf32, #tpu.memory_space<hbm>>
    tpu.wait_dma2 semaphore(%arg8 : memref<!tpu.dma_semaphore, #tpu.memory_space<semaphore_mem>>) src(%arg5 : memref<64x512xf32, #tpu.memory_space<vmem>>) dst(%dma_wait3A_1322 : memref<64x512xf32, #tpu.memory_space<hbm>>)
    %dma_wait3A_1323 = arith.constant 256 : i32
    %dma_wait3A_1324 = arith.constant 0 : i32
    %dma_wait3A_1325 = tpu.memref_slice %arg3[%add3A_880, %dma_wait3A_1323, %dma_wait3A_1324] : memref<160x1024x512xf32, #tpu.memory_space<hbm>> -> memref<1x64x512xf32, #tpu.memory_space<hbm>>
    %dma_wait3A_1326 = tpu.memref_squeeze %dma_wait3A_1325 : memref<1x64x512xf32, #tpu.memory_space<hbm>> -> memref<64x512xf32, #tpu.memory_space<hbm>>
    %dma_wait3A_1327 = arith.constant 256 : i32
    %dma_wait3A_1328 = arith.constant 0 : i32
    %dma_wait3A_1329 = tpu.memref_slice %arg3[%add3A_880, %dma_wait3A_1327, %dma_wait3A_1328] : memref<160x1024x512xf32, #tpu.memory_space<hbm>> -> memref<1x64x512xf32, #tpu.memory_space<hbm>>
    %dma_wait3A_1330 = tpu.memref_squeeze %dma_wait3A_1329 : memref<1x64x512xf32, #tpu.memory_space<hbm>> -> memref<64x512xf32, #tpu.memory_space<hbm>>
    tpu.wait_dma2 semaphore(%arg8 : memref<!tpu.dma_semaphore, #tpu.memory_space<semaphore_mem>>) src(%arg5 : memref<64x512xf32, #tpu.memory_space<vmem>>) dst(%dma_wait3A_1330 : memref<64x512xf32, #tpu.memory_space<hbm>>)
    %dma_wait3A_1331 = arith.constant 320 : i32
    %dma_wait3A_1332 = arith.constant 0 : i32
    %dma_wait3A_1333 = tpu.memref_slice %arg3[%add3A_880, %dma_wait3A_1331, %dma_wait3A_1332] : memref<160x1024x512xf32, #tpu.memory_space<hbm>> -> memref<1x64x512xf32, #tpu.memory_space<hbm>>
    %dma_wait3A_1334 = tpu.memref_squeeze %dma_wait3A_1333 : memref<1x64x512xf32, #tpu.memory_space<hbm>> -> memref<64x512xf32, #tpu.memory_space<hbm>>
    %dma_wait3A_1335 = arith.constant 320 : i32
    %dma_wait3A_1336 = arith.constant 0 : i32
    %dma_wait3A_1337 = tpu.memref_slice %arg3[%add3A_880, %dma_wait3A_1335, %dma_wait3A_1336] : memref<160x1024x512xf32, #tpu.memory_space<hbm>> -> memref<1x64x512xf32, #tpu.memory_space<hbm>>
    %dma_wait3A_1338 = tpu.memref_squeeze %dma_wait3A_1337 : memref<1x64x512xf32, #tpu.memory_space<hbm>> -> memref<64x512xf32, #tpu.memory_space<hbm>>
    tpu.wait_dma2 semaphore(%arg8 : memref<!tpu.dma_semaphore, #tpu.memory_space<semaphore_mem>>) src(%arg5 : memref<64x512xf32, #tpu.memory_space<vmem>>) dst(%dma_wait3A_1338 : memref<64x512xf32, #tpu.memory_space<hbm>>)
    %dma_wait3A_1339 = arith.constant 384 : i32
    %dma_wait3A_1340 = arith.constant 0 : i32
    %dma_wait3A_1341 = tpu.memref_slice %arg3[%add3A_880, %dma_wait3A_1339, %dma_wait3A_1340] : memref<160x1024x512xf32, #tpu.memory_space<hbm>> -> memref<1x64x512xf32, #tpu.memory_space<hbm>>
    %dma_wait3A_1342 = tpu.memref_squeeze %dma_wait3A_1341 : memref<1x64x512xf32, #tpu.memory_space<hbm>> -> memref<64x512xf32, #tpu.memory_space<hbm>>
    %dma_wait3A_1343 = arith.constant 384 : i32
    %dma_wait3A_1344 = arith.constant 0 : i32
    %dma_wait3A_1345 = tpu.memref_slice %arg3[%add3A_880, %dma_wait3A_1343, %dma_wait3A_1344] : memref<160x1024x512xf32, #tpu.memory_space<hbm>> -> memref<1x64x512xf32, #tpu.memory_space<hbm>>
    %dma_wait3A_1346 = tpu.memref_squeeze %dma_wait3A_1345 : memref<1x64x512xf32, #tpu.memory_space<hbm>> -> memref<64x512xf32, #tpu.memory_space<hbm>>
    tpu.wait_dma2 semaphore(%arg8 : memref<!tpu.dma_semaphore, #tpu.memory_space<semaphore_mem>>) src(%arg5 : memref<64x512xf32, #tpu.memory_space<vmem>>) dst(%dma_wait3A_1346 : memref<64x512xf32, #tpu.memory_space<hbm>>)
    %dma_wait3A_1347 = arith.constant 448 : i32
    %dma_wait3A_1348 = arith.constant 0 : i32
    %dma_wait3A_1349 = tpu.memref_slice %arg3[%add3A_880, %dma_wait3A_1347, %dma_wait3A_1348] : memref<160x1024x512xf32, #tpu.memory_space<hbm>> -> memref<1x64x512xf32, #tpu.memory_space<hbm>>
    %dma_wait3A_1350 = tpu.memref_squeeze %dma_wait3A_1349 : memref<1x64x512xf32, #tpu.memory_space<hbm>> -> memref<64x512xf32, #tpu.memory_space<hbm>>
    %dma_wait3A_1351 = arith.constant 448 : i32
    %dma_wait3A_1352 = arith.constant 0 : i32
    %dma_wait3A_1353 = tpu.memref_slice %arg3[%add3A_880, %dma_wait3A_1351, %dma_wait3A_1352] : memref<160x1024x512xf32, #tpu.memory_space<hbm>> -> memref<1x64x512xf32, #tpu.memory_space<hbm>>
    %dma_wait3A_1354 = tpu.memref_squeeze %dma_wait3A_1353 : memref<1x64x512xf32, #tpu.memory_space<hbm>> -> memref<64x512xf32, #tpu.memory_space<hbm>>
    tpu.wait_dma2 semaphore(%arg8 : memref<!tpu.dma_semaphore, #tpu.memory_space<semaphore_mem>>) src(%arg5 : memref<64x512xf32, #tpu.memory_space<vmem>>) dst(%dma_wait3A_1354 : memref<64x512xf32, #tpu.memory_space<hbm>>)
    %dma_wait3A_1355 = arith.constant 512 : i32
    %dma_wait3A_1356 = arith.constant 0 : i32
    %dma_wait3A_1357 = tpu.memref_slice %arg3[%add3A_880, %dma_wait3A_1355, %dma_wait3A_1356] : memref<160x1024x512xf32, #tpu.memory_space<hbm>> -> memref<1x64x512xf32, #tpu.memory_space<hbm>>
    %dma_wait3A_1358 = tpu.memref_squeeze %dma_wait3A_1357 : memref<1x64x512xf32, #tpu.memory_space<hbm>> -> memref<64x512xf32, #tpu.memory_space<hbm>>
    %dma_wait3A_1359 = arith.constant 512 : i32
    %dma_wait3A_1360 = arith.constant 0 : i32
    %dma_wait3A_1361 = tpu.memref_slice %arg3[%add3A_880, %dma_wait3A_1359, %dma_wait3A_1360] : memref<160x1024x512xf32, #tpu.memory_space<hbm>> -> memref<1x64x512xf32, #tpu.memory_space<hbm>>
    %dma_wait3A_1362 = tpu.memref_squeeze %dma_wait3A_1361 : memref<1x64x512xf32, #tpu.memory_space<hbm>> -> memref<64x512xf32, #tpu.memory_space<hbm>>
    tpu.wait_dma2 semaphore(%arg8 : memref<!tpu.dma_semaphore, #tpu.memory_space<semaphore_mem>>) src(%arg5 : memref<64x512xf32, #tpu.memory_space<vmem>>) dst(%dma_wait3A_1362 : memref<64x512xf32, #tpu.memory_space<hbm>>)
    %dma_wait3A_1363 = arith.constant 576 : i32
    %dma_wait3A_1364 = arith.constant 0 : i32
    %dma_wait3A_1365 = tpu.memref_slice %arg3[%add3A_880, %dma_wait3A_1363, %dma_wait3A_1364] : memref<160x1024x512xf32, #tpu.memory_space<hbm>> -> memref<1x64x512xf32, #tpu.memory_space<hbm>>
    %dma_wait3A_1366 = tpu.memref_squeeze %dma_wait3A_1365 : memref<1x64x512xf32, #tpu.memory_space<hbm>> -> memref<64x512xf32, #tpu.memory_space<hbm>>
    %dma_wait3A_1367 = arith.constant 576 : i32
    %dma_wait3A_1368 = arith.constant 0 : i32
    %dma_wait3A_1369 = tpu.memref_slice %arg3[%add3A_880, %dma_wait3A_1367, %dma_wait3A_1368] : memref<160x1024x512xf32, #tpu.memory_space<hbm>> -> memref<1x64x512xf32, #tpu.memory_space<hbm>>
    %dma_wait3A_1370 = tpu.memref_squeeze %dma_wait3A_1369 : memref<1x64x512xf32, #tpu.memory_space<hbm>> -> memref<64x512xf32, #tpu.memory_space<hbm>>
    tpu.wait_dma2 semaphore(%arg8 : memref<!tpu.dma_semaphore, #tpu.memory_space<semaphore_mem>>) src(%arg5 : memref<64x512xf32, #tpu.memory_space<vmem>>) dst(%dma_wait3A_1370 : memref<64x512xf32, #tpu.memory_space<hbm>>)
    %dma_wait3A_1371 = arith.constant 640 : i32
    %dma_wait3A_1372 = arith.constant 0 : i32
    %dma_wait3A_1373 = tpu.memref_slice %arg3[%add3A_880, %dma_wait3A_1371, %dma_wait3A_1372] : memref<160x1024x512xf32, #tpu.memory_space<hbm>> -> memref<1x64x512xf32, #tpu.memory_space<hbm>>
    %dma_wait3A_1374 = tpu.memref_squeeze %dma_wait3A_1373 : memref<1x64x512xf32, #tpu.memory_space<hbm>> -> memref<64x512xf32, #tpu.memory_space<hbm>>
    %dma_wait3A_1375 = arith.constant 640 : i32
    %dma_wait3A_1376 = arith.constant 0 : i32
    %dma_wait3A_1377 = tpu.memref_slice %arg3[%add3A_880, %dma_wait3A_1375, %dma_wait3A_1376] : memref<160x1024x512xf32, #tpu.memory_space<hbm>> -> memref<1x64x512xf32, #tpu.memory_space<hbm>>
    %dma_wait3A_1378 = tpu.memref_squeeze %dma_wait3A_1377 : memref<1x64x512xf32, #tpu.memory_space<hbm>> -> memref<64x512xf32, #tpu.memory_space<hbm>>
    tpu.wait_dma2 semaphore(%arg8 : memref<!tpu.dma_semaphore, #tpu.memory_space<semaphore_mem>>) src(%arg5 : memref<64x512xf32, #tpu.memory_space<vmem>>) dst(%dma_wait3A_1378 : memref<64x512xf32, #tpu.memory_space<hbm>>)
    %dma_wait3A_1379 = arith.constant 704 : i32
    %dma_wait3A_1380 = arith.constant 0 : i32
    %dma_wait3A_1381 = tpu.memref_slice %arg3[%add3A_880, %dma_wait3A_1379, %dma_wait3A_1380] : memref<160x1024x512xf32, #tpu.memory_space<hbm>> -> memref<1x64x512xf32, #tpu.memory_space<hbm>>
    %dma_wait3A_1382 = tpu.memref_squeeze %dma_wait3A_1381 : memref<1x64x512xf32, #tpu.memory_space<hbm>> -> memref<64x512xf32, #tpu.memory_space<hbm>>
    %dma_wait3A_1383 = arith.constant 704 : i32
    %dma_wait3A_1384 = arith.constant 0 : i32
    %dma_wait3A_1385 = tpu.memref_slice %arg3[%add3A_880, %dma_wait3A_1383, %dma_wait3A_1384] : memref<160x1024x512xf32, #tpu.memory_space<hbm>> -> memref<1x64x512xf32, #tpu.memory_space<hbm>>
    %dma_wait3A_1386 = tpu.memref_squeeze %dma_wait3A_1385 : memref<1x64x512xf32, #tpu.memory_space<hbm>> -> memref<64x512xf32, #tpu.memory_space<hbm>>
    tpu.wait_dma2 semaphore(%arg8 : memref<!tpu.dma_semaphore, #tpu.memory_space<semaphore_mem>>) src(%arg5 : memref<64x512xf32, #tpu.memory_space<vmem>>) dst(%dma_wait3A_1386 : memref<64x512xf32, #tpu.memory_space<hbm>>)
    %dma_wait3A_1387 = arith.constant 768 : i32
    %dma_wait3A_1388 = arith.constant 0 : i32
    %dma_wait3A_1389 = tpu.memref_slice %arg3[%add3A_880, %dma_wait3A_1387, %dma_wait3A_1388] : memref<160x1024x512xf32, #tpu.memory_space<hbm>> -> memref<1x64x512xf32, #tpu.memory_space<hbm>>
    %dma_wait3A_1390 = tpu.memref_squeeze %dma_wait3A_1389 : memref<1x64x512xf32, #tpu.memory_space<hbm>> -> memref<64x512xf32, #tpu.memory_space<hbm>>
    %dma_wait3A_1391 = arith.constant 768 : i32
    %dma_wait3A_1392 = arith.constant 0 : i32
    %dma_wait3A_1393 = tpu.memref_slice %arg3[%add3A_880, %dma_wait3A_1391, %dma_wait3A_1392] : memref<160x1024x512xf32, #tpu.memory_space<hbm>> -> memref<1x64x512xf32, #tpu.memory_space<hbm>>
    %dma_wait3A_1394 = tpu.memref_squeeze %dma_wait3A_1393 : memref<1x64x512xf32, #tpu.memory_space<hbm>> -> memref<64x512xf32, #tpu.memory_space<hbm>>
    tpu.wait_dma2 semaphore(%arg8 : memref<!tpu.dma_semaphore, #tpu.memory_space<semaphore_mem>>) src(%arg5 : memref<64x512xf32, #tpu.memory_space<vmem>>) dst(%dma_wait3A_1394 : memref<64x512xf32, #tpu.memory_space<hbm>>)
    %dma_wait3A_1395 = arith.constant 832 : i32
    %dma_wait3A_1396 = arith.constant 0 : i32
    %dma_wait3A_1397 = tpu.memref_slice %arg3[%add3A_880, %dma_wait3A_1395, %dma_wait3A_1396] : memref<160x1024x512xf32, #tpu.memory_space<hbm>> -> memref<1x64x512xf32, #tpu.memory_space<hbm>>
    %dma_wait3A_1398 = tpu.memref_squeeze %dma_wait3A_1397 : memref<1x64x512xf32, #tpu.memory_space<hbm>> -> memref<64x512xf32, #tpu.memory_space<hbm>>
    %dma_wait3A_1399 = arith.constant 832 : i32
    %dma_wait3A_1400 = arith.constant 0 : i32
    %dma_wait3A_1401 = tpu.memref_slice %arg3[%add3A_880, %dma_wait3A_1399, %dma_wait3A_1400] : memref<160x1024x512xf32, #tpu.memory_space<hbm>> -> memref<1x64x512xf32, #tpu.memory_space<hbm>>
    %dma_wait3A_1402 = tpu.memref_squeeze %dma_wait3A_1401 : memref<1x64x512xf32, #tpu.memory_space<hbm>> -> memref<64x512xf32, #tpu.memory_space<hbm>>
    tpu.wait_dma2 semaphore(%arg8 : memref<!tpu.dma_semaphore, #tpu.memory_space<semaphore_mem>>) src(%arg5 : memref<64x512xf32, #tpu.memory_space<vmem>>) dst(%dma_wait3A_1402 : memref<64x512xf32, #tpu.memory_space<hbm>>)
    %dma_wait3A_1403 = arith.constant 896 : i32
    %dma_wait3A_1404 = arith.constant 0 : i32
    %dma_wait3A_1405 = tpu.memref_slice %arg3[%add3A_880, %dma_wait3A_1403, %dma_wait3A_1404] : memref<160x1024x512xf32, #tpu.memory_space<hbm>> -> memref<1x64x512xf32, #tpu.memory_space<hbm>>
    %dma_wait3A_1406 = tpu.memref_squeeze %dma_wait3A_1405 : memref<1x64x512xf32, #tpu.memory_space<hbm>> -> memref<64x512xf32, #tpu.memory_space<hbm>>
    %dma_wait3A_1407 = arith.constant 896 : i32
    %dma_wait3A_1408 = arith.constant 0 : i32
    %dma_wait3A_1409 = tpu.memref_slice %arg3[%add3A_880, %dma_wait3A_1407, %dma_wait3A_1408] : memref<160x1024x512xf32, #tpu.memory_space<hbm>> -> memref<1x64x512xf32, #tpu.memory_space<hbm>>
    %dma_wait3A_1410 = tpu.memref_squeeze %dma_wait3A_1409 : memref<1x64x512xf32, #tpu.memory_space<hbm>> -> memref<64x512xf32, #tpu.memory_space<hbm>>
    tpu.wait_dma2 semaphore(%arg8 : memref<!tpu.dma_semaphore, #tpu.memory_space<semaphore_mem>>) src(%arg5 : memref<64x512xf32, #tpu.memory_space<vmem>>) dst(%dma_wait3A_1410 : memref<64x512xf32, #tpu.memory_space<hbm>>)
    %dma_wait3A_1411 = arith.constant 960 : i32
    %dma_wait3A_1412 = arith.constant 0 : i32
    %dma_wait3A_1413 = tpu.memref_slice %arg3[%add3A_880, %dma_wait3A_1411, %dma_wait3A_1412] : memref<160x1024x512xf32, #tpu.memory_space<hbm>> -> memref<1x64x512xf32, #tpu.memory_space<hbm>>
    %dma_wait3A_1414 = tpu.memref_squeeze %dma_wait3A_1413 : memref<1x64x512xf32, #tpu.memory_space<hbm>> -> memref<64x512xf32, #tpu.memory_space<hbm>>
    %dma_wait3A_1415 = arith.constant 960 : i32
    %dma_wait3A_1416 = arith.constant 0 : i32
    %dma_wait3A_1417 = tpu.memref_slice %arg3[%add3A_880, %dma_wait3A_1415, %dma_wait3A_1416] : memref<160x1024x512xf32, #tpu.memory_space<hbm>> -> memref<1x64x512xf32, #tpu.memory_space<hbm>>
    %dma_wait3A_1418 = tpu.memref_squeeze %dma_wait3A_1417 : memref<1x64x512xf32, #tpu.memory_space<hbm>> -> memref<64x512xf32, #tpu.memory_space<hbm>>
    tpu.wait_dma2 semaphore(%arg8 : memref<!tpu.dma_semaphore, #tpu.memory_space<semaphore_mem>>) src(%arg5 : memref<64x512xf32, #tpu.memory_space<vmem>>) dst(%dma_wait3A_1418 : memref<64x512xf32, #tpu.memory_space<hbm>>)
    return
  }
}

</mosaic_0001>

<sc_bundles>
// kernel: _run_sc.3.cloned.1.call-start
scs
__scs_entry_jumppad:
0x0: {  	(pc) =	sbr.rel $0x88, $3  }
0x1: {  	(tag) =	ssettag $0x0;
	lr =	simm.s32 $0x1  }
0x2: {  	[smem:$0x3FA0] =	sst lr;
	_ =	strace $0xD0000000  }
0x3: {  	_ = 	snop  }
0x4: {  	_ = 	snop  }
0x5: {  	_ = 	snop  }
0x6: {  	_ = 	snop  }
0x7: {  	_ = 	snop  }
__scs_overlays_trampoline_lowered:
0x8: {  	[smem:$0x3FAF] =	sst s0  }
0x9: {  	[smem:$0x3FB0] =	sst s1  }
0xa: {  	[smem:$0x3FB1] =	sst s2  }
0xb: {  	[smem:$0x3FB2] =	sst s3  }
0xc: {  	[smem:$0x3FB3] =	sst s4  }
0xd: {  	[smem:$0x3FB4] =	sst s5  }
0xe: {  	[smem:$0x3FB5] =	sst s6  }
0xf: {  	[smem:$0x3FB6] =	sst s7  }
0x10: {  	[smem:$0x3FB7] =	sst s8  }
0x11: {  	[smem:$0x3FB8] =	sst s9;
	s0 =	simm.s32 @!p0 $0x0  }
0x12: {  	s1 =	sld [smem:$0x3F9E];
	s0 =	simm.s32 @p0 $0x1  }
0x13: {  	[smem:$0x3FB9] =	sst s0;
	s0 =	simm.s32 @!p1 $0x0  }
0x14: {  	s2 =	sld [smem:$0x3F9D];
	s0 =	simm.s32 @p1 $0x1  }
0x15: {  	[smem:$0x3FBA] =	sst s0;
	s0 =	simm.s32 @!p2 $0x0  }
0x16: {  	s3 =	sld [smem:$0x3FDB];
	s0 =	simm.s32 @p2 $0x1  }
0x17: {  	s4 =	simm.s32 $0x1BF5;
	[smem:$0x3FBC] =	sst s0  }
0x18: {  	s0 =	sld [smem:$0x3F9F];
	_ =	swait.ge [sflag:s4], $0x0  }
0x19: {  	s7 =	sld [smem:$0x3FA0]  }
0x1a: {  	s8 =	sadd.s32 $0xFFFFE003, lr  }
0x1b: {  	s9 =	sadd.s32 $0xFFFFFEF7, lr;
	s5 =	simm.s32 $0xFFFFFFFF;
	p2 =	slt.u32 s8, $0xFFFFF086  }
0x1c: {  	p1 =	slt.u32 s9, $0xF7A;
	s5 =	simm.s32 @!p2 $0x0  }
0x1d: {  	s5 =	simm.s32 @p1 $0x1;
	p0 =	seq.s32 s7, s2  }
0x1e: {  	s7 =	smul.u32 @!p0 $0xF7A, s2;
	p2 =	seq.s32 @!p0 s5, $0x0  }
0x1f: {  	s9 =	smul.u32 $0xF7A, s1;
	s8 =	simm.s32 @!p0 $0x1BF5;
	p2 =	por !p2, p0  }
0x20: {  	[sflag:s8] =	ssyncset.s32 @!p0 $0xFFFFF086;
	s6 =	sadd.s32 @!p0 s3, s7;
	s7 =	simm.s32 @!p0 $0x108  }
0x21: {  	s3 =	sadd.s32 s3, s9;
	s6 =	sadd.s32 @!p0 $0x88, s6;
	s7 =	simm.s32 @p2 $0x1082  }
0x22: {  	[simem:s7], [sflag:s8] =	dma.local @!p0 [hbm:s6], $0xF7A  }
0x23: {  	s9 =	sor.u32 $0xD0000000, s2;
	s6 =	simm.s32 $0x108;
	_ =	swait.ge @!p0 [sflag:s8], $0x0  }
0x24: {  	s3 =	sadd.s32 $0x88, s3;
	s6 =	simm.s32 @!p1 $0x1082;
	[sflag:s4] =	ssyncset.s32 $0xFFFFF086  }
0x25: {  	[simem:s6], [sflag:s4] =	dma.local [hbm:s3], $0xF7A  }
0x26: {  	[smem:$0x3FA0] =	sst s1;
	(tag) =	ssettag s2;
	_ =	strace s9  }
0x27: {  	s1 =	sld [smem:$0x3FB0]  }
0x28: {  	s2 =	sld [smem:$0x3FB1]  }
0x29: {  	s4 =	sld [smem:$0x3FB3]  }
0x2a: {  	p0 =	seq.s32 s5, $0x0;
	s5 =	sld [smem:$0x3FB4]  }
0x2b: {  	s6 =	sld [smem:$0x3FB5]  }
0x2c: {  	s7 =	sld [smem:$0x3FB6]  }
0x2d: {  	s3 =	simm.s32 $0x108;
	s8 =	sld [smem:$0x3FB7]  }
0x2e: {  	s3 =	simm.s32 @!p0 $0x1082;
	s9 =	sld [smem:$0x3FB8]  }
0x2f: {  	lr =	sadd.s32 s0, s3;
	s0 =	sld [smem:$0x3FAF]  }
0x30: {  	s3 =	sld [smem:$0x3FB2]  }
0x31: {  	[smem:$0x3FBB] =	sst s10  }
0x32: {  	s10 =	sld [smem:$0x3FB9];
	_ =	sdelay $0x3  }
0x33: {  	p0 =	seq.s32 s10, $0x1;
	s10 =	sld [smem:$0x3FBB];
	_ =	sdelay $0x3  }
0x34: {  	[smem:$0x3FBB] =	sst s10  }
0x35: {  	s10 =	sld [smem:$0x3FBA];
	_ =	sdelay $0x3  }
0x36: {  	p1 =	seq.s32 s10, $0x1;
	s10 =	sld [smem:$0x3FBB];
	_ =	sdelay $0x3  }
0x37: {  	[smem:$0x3FBB] =	sst s10  }
0x38: {  	s10 =	sld [smem:$0x3FBC]  }
0x39: {  	_ = 	snop;
	(pc) =	sbr.ind lr, $3  }
0x3a: {  	_ = 	snop  }
0x3b: {  	_ = 	snop  }
0x3c: {  	p2 =	seq.s32 s10, $0x1;
	s10 =	sld [smem:$0x3FBB]  }
0x3d: {  	_ =	shalt  }
0x3e: {  	_ =	shalt  }
0x3f: {  	_ =	shalt  }
0x40: {  	_ =	shalt  }
0x41: {  	_ =	shalt  }
0x42: {  	_ =	shalt  }
0x43: {  	_ =	shalt  }
0x44: {  	_ =	shalt  }
0x45: {  	_ =	shalt  }
0x46: {  	_ =	shalt  }
0x47: {  	_ =	shalt  }
0x48: {  	_ =	shalt  }
0x49: {  	_ =	shalt  }
0x4a: {  	_ =	shalt  }
0x4b: {  	_ =	shalt  }
0x4c: {  	_ =	shalt  }
0x4d: {  	_ =	shalt  }
0x4e: {  	_ =	shalt  }
0x4f: {  	_ =	shalt  }
0x50: {  	_ =	shalt  }
0x51: {  	_ =	shalt  }
0x52: {  	_ =	shalt  }
0x53: {  	_ =	shalt  }
0x54: {  	_ =	shalt  }
0x55: {  	_ =	shalt  }
0x56: {  	_ =	shalt  }
0x57: {  	_ =	shalt  }
0x58: {  	_ =	shalt  }
0x59: {  	_ =	shalt  }
0x5a: {  	_ =	shalt  }
0x5b: {  	_ =	shalt  }
0x5c: {  	_ =	shalt  }
0x5d: {  	_ =	shalt  }
0x5e: {  	_ =	shalt  }
0x5f: {  	_ =	shalt  }
0x60: {  	_ =	shalt  }
0x61: {  	_ =	shalt  }
0x62: {  	_ =	shalt  }
0x63: {  	_ =	shalt  }
0x64: {  	_ =	shalt  }
0x65: {  	_ =	shalt  }
0x66: {  	_ =	shalt  }
0x67: {  	_ =	shalt  }
0x68: {  	_ =	shalt  }
0x69: {  	_ =	shalt  }
0x6a: {  	_ =	shalt  }
0x6b: {  	_ =	shalt  }
0x6c: {  	_ =	shalt  }
0x6d: {  	_ =	shalt  }
0x6e: {  	_ =	shalt  }
0x6f: {  	_ =	shalt  }
0x70: {  	_ =	shalt  }
0x71: {  	_ =	shalt  }
0x72: {  	_ =	shalt  }
0x73: {  	_ =	shalt  }
0x74: {  	_ =	shalt  }
0x75: {  	_ =	shalt  }
0x76: {  	_ =	shalt  }
0x77: {  	_ =	shalt  }
0x78: {  	_ =	shalt  }
0x79: {  	_ =	shalt  }
0x7a: {  	_ =	shalt  }
0x7b: {  	_ =	shalt  }
0x7c: {  	_ =	shalt  }
0x7d: {  	_ =	shalt  }
0x7e: {  	_ =	shalt  }
0x7f: {  	_ =	shalt  }
0x80: {  	_ =	shalt  }
0x81: {  	_ =	shalt  }
0x82: {  	_ =	shalt  }
0x83: {  	_ =	shalt  }
0x84: {  	_ =	shalt  }
0x85: {  	_ =	shalt  }
0x86: {  	_ =	shalt  }
0x87: {  	_ =	shalt  }
.Lfunc_end0:
.L_simem_size_0:
called_computation_lowered:
.L_overlay_start_0:
0x88: {  	s2 =	sld [smem:$0x3FD9]  }
0x89: {  	s3 =	sld [smem:$0x3FFE];
	_ =	sdelay $0x1  }
0x8a: {  	s1 =	srdreg.scid  }
0x8b: {  	s0 =	sand.u32 $0x1, s1  }
0x8c: {  	s18 =	sshll.u32 s0, $0xA;
	s2 =	sadd.s32 s3, s2  }
0x8d: {  	s2 =	sadd.s32 s2, s18  }
0x8e: {  	[smem:$0x3FC7] =	sst s2  }
0x8f: {  	_ = 	snop  }
0x90: {  	s2 =	sld [smem:$0x3FC9]  }
0x91: {  	s19 =	sld [smem:$0x3FD0];
	(tm) =	ssettm $0x1  }
0x92: {  	s4 =	sld [smem:$0x3FFB];
	_ =	sdelay $0x3  }
0x93: {  	_ =	strace s4  }
0x94: {  	s4 =	sld [smem:$0x3FFC];
	_ =	sdelay $0x3  }
0x95: {  	_ =	strace s4  }
0x96: {  	s4 =	sld [smem:$0x3FFD];
	_ =	sdelay $0x3  }
0x97: {  	_ =	strace s4  }
0x98: {  	_ =	strace $0x8FFFFFFF  }
0x99: {  	s20 =	sld [smem:$0x3FDB];
	_ =	sdelay $0x1  }
0x9a: {  	s5 =	simm.s32 $_scs_section_size  }
0x9b: {  	s6 =	simm.s32 $_size__tile_overlayer_lowered;
	s7 =	simm.s32 $_tile_overlayer_lowered  }
0x9c: {  	s23 =	simm.s32 $0x1BFF;
	s22 =	sshll.u32 s7, $0x1;
	s4 =	sadd.s32 s5, s20  }
0x9d: {  	s8 =	simm.s32 $0x0;
	s21 =	sshll.u32 s6, $0x1;
	s6 =	sadd.s32 s22, s4  }
0x9e: {  	[timem:s8], [sflag:s23] =	dma.local [hbm:s6], s21  }
0x9f: {  	_ =	swait.ge [sflag:s23], s21  }
0xa0: {  	s5 =	ssub.s32 $0x0, s21;
	[sflag:s23] =	ssyncset.done $0x0  }
0xa1: {  	[sflag:s23] =	ssyncadd.s32 s5;
	_ =	sdelay $0x1  }
0xa2: {  	s24 =	simm.s32 $0x1B8B  }
0xa3: {  	_ =	swait.ge [sflag:s24], $0x1  }
0xa4: {  	[sflag:s24] =	ssyncset.done $0x0  }
0xa5: {  	s25 =	simm.s32 $0x1B8E;
	[sflag:s24] =	ssyncadd.s32 $0xFFFFFFFF  }
0xa6: {  	s26 =	simm.s32 $execute0_lowered;
	[smem:$0x3FD2] =	sst s25  }
0xa7: {  	s5 =	sshll.u32 s26, $0x1;
	_ =	strace $0x80000046;
	[dreg:$0x1] =	wrdreg $0xFFFFFFFF  }
0xa8: {  	s28 =	simm.s32 $_size_execute0_lowered;
	s4 =	sadd.s32 s4, s5;
	[dreg:$0x0] =	wrdreg $0x0  }
0xa9: {  	s5 =	sshll.u32 s28, $0x1;
	[dreg:$0x2] =	wrdreg s4  }
0xaa: {  	[dreg:$0x3] =	wrdreg s5  }
0xab: {  	[dreg:$0x4] =	wrdreg $0xC0  }
0xac: {  	_ =	task [dreg:s8], $0x5FFFF  }
0xad: {  	[dreg:$0x1] =	wrdreg $0xFFFFFFFF  }
0xae: {  	[dreg:$0x0] =	wrdreg $0x60  }
0xaf: {  	[dreg:$0x2] =	wrdreg s2  }
0xb0: {  	[dreg:$0x3] =	wrdreg s19  }
0xb1: {  	[dreg:$0x4] =	wrdreg $0x9  }
0xb2: {  	_ =	task.clear_ibuf [dreg:s8], $0x5FFFF;
	_ =	strace $0x90000046  }
0xb3: {  	s29 =	simm.s32 $0x9;
	_ =	strace $0x80000048  }
0xb4: {  	_ =	swait.ge [sflag:s29], $0x1  }
0xb5: {  	[sflag:s29] =	ssyncadd.s32 $0xFFFFFFFF  }
0xb6: {  	_ =	strace $0x90000048  }
0xb7: {  	_ =	sfence  }
0xb8: {  	s30 =	sld [smem:$0x0];
	_ =	sdelay $0x2  }
0xb9: {  	s31 =	sshll.u32 s1, $0xD;
	s1 =	sshrl.u32 s1, $0x2  }
0xba: {  	s3 =	sand.u32 $0x4000, s31;
	s1 =	sadd.s32 s1, s30  }
0xbb: {  	s0 =	sor.u32 s3, s0;
	s1 =	sshll.u32 s1, $0x11  }
0xbc: {  	s0 =	sor.u32 s1, s0  }
0xbd: {  	s0 =	sadd.s32 $0x8F2B, s0  }
0xbe: {  	[sflag:s0] =	ssyncadd.remote.s32 $0x1  }
0xbf: {  	_ =	sfence.sel $0xFFFF  }
0xc0: {  	[dreg:$0x0] =	wrdreg $0xFFFFFFFF;
	(pc) =	sbr.abs _section_cstart, $3  }
0xc1: {  	[dreg:$0x1] =	wrdreg $0xFFFFFFFF  }
0xc2: {  	_ =	task.clear_ibuf [dreg:s8], $0x2FFFF;
	_ =	strace $0x9FFFFFFF  }
0xc3: {  	(tm) =	ssettm $0x7FFFFFFF  }
tec
execute0_lowered:
.L_overlay_start_1:
0x0: {  	(tag) =	ssettag $0x1  }
0x1: {  	s0 =	srdreg.scid;
	s1 =	stileid.u32  }
0x2: {  	s0 =	sand.u32 $0x1, s0;
	s3 =	sshll.u32 s1, $0x1  }
0x3: {  	s5 =	sor.u32 s0, s3  }
0x4: {  	s1 =	rddreg [dreg:$0x1];
	s21 =	smul.u32 $0x50000, s5  }
0x5: {  	s2 =	rddreg [dreg:$0x0];
	s3 =	simm.s32 $0x0;
	s4 =	sadd.s32 $0x1000, s1  }
0x6: {  	s8 =	sadd.s32 $0x2000, s1;
	[smem:$0x7FF] =	sst s3;
	s6 =	sadd.s32 s1, s21  }
0x7: {  	_ =	strace $0x80000047;
	s22 =	sadd.s32 s21, s4;
	[dreg:$0x3] =	wrdreg s6  }
0x8: {  	s9 =	sadd.s32 $0x3000, s1;
	s23 =	sadd.s32 s21, s8;
	[dreg:$0x4] =	wrdreg s22  }
0x9: {  	s11 =	sadd.s32 $0x4000, s1;
	s24 =	sadd.s32 s21, s9;
	[dreg:$0x5] =	wrdreg s23  }
0xa: {  	s12 =	sadd.s32 $0x5000, s1;
	s25 =	sadd.s32 s21, s11;
	[dreg:$0x6] =	wrdreg s24  }
0xb: {  	s13 =	sadd.s32 $0x6000, s1;
	s26 =	sadd.s32 s21, s12;
	[dreg:$0x7] =	wrdreg s25  }
0xc: {  	s16 =	sadd.s32 $0x7000, s1;
	s7 =	sadd.s32 s21, s13;
	[dreg:$0x8] =	wrdreg s26  }
0xd: {  	s17 =	sadd.s32 $0x8000, s1;
	s10 =	sadd.s32 s21, s16;
	[dreg:$0x9] =	wrdreg s7  }
0xe: {  	s18 =	sadd.s32 $0x9000, s1;
	s14 =	sadd.s32 s21, s17;
	[dreg:$0xa] =	wrdreg s10  }
0xf: {  	s19 =	sadd.s32 $0xA000, s1;
	s15 =	sadd.s32 s21, s18;
	[dreg:$0xb] =	wrdreg s14  }
0x10: {  	s20 =	sadd.s32 s21, s19;
	[dreg:$0xc] =	wrdreg s15  }
0x11: {  	s14 =	sadd.s32 $0xB000, s1;
	[dreg:$0xd] =	wrdreg s20;
	s10 =	sadd.s32 $0xC000, s1  }
0x12: {  	s6 =	sadd.s32 $0xD000, s1;
	s20 =	smul.u32 $0x5, s5;
	s22 =	sadd.s32 s21, s14  }
0x13: {  	s5 =	sadd.s32 $0xF000, s1;
	s7 =	sadd.s32 s21, s10;
	[dreg:$0xe] =	wrdreg s22  }
0x14: {  	s23 =	sadd.s32 s21, s6;
	[dreg:$0xf] =	wrdreg s7;
	s7 =	sadd.s32 $0xE000, s1  }
0x15: {  	[dreg:$0x10] =	wrdreg s23;
	s15 =	sadd.s32 $0x1, s20;
	s22 =	sadd.s32 s21, s7  }
0x16: {  	s21 =	sadd.s32 s21, s5;
	[dreg:$0x11] =	wrdreg s22;
	s22 =	sshll.u32 s15, $0x10  }
0x17: {  	[dreg:$0x12] =	wrdreg s21;
	s24 =	sadd.s32 s1, s22  }
0x18: {  	s25 =	sadd.s32 s22, s4;
	[dreg:$0x13] =	wrdreg s24  }
0x19: {  	s26 =	sadd.s32 s22, s8;
	[dreg:$0x14] =	wrdreg s25  }
0x1a: {  	s23 =	sadd.s32 s22, s9;
	[dreg:$0x15] =	wrdreg s26  }
0x1b: {  	[dreg:$0x16] =	wrdreg s23;
	s24 =	sadd.s32 s22, s11  }
0x1c: {  	s25 =	sadd.s32 s22, s12;
	[dreg:$0x17] =	wrdreg s24  }
0x1d: {  	s26 =	sadd.s32 s22, s13;
	[dreg:$0x18] =	wrdreg s25  }
0x1e: {  	s23 =	sadd.s32 s22, s16;
	[dreg:$0x19] =	wrdreg s26  }
0x1f: {  	[dreg:$0x1a] =	wrdreg s23;
	s24 =	sadd.s32 s22, s17  }
0x20: {  	s25 =	sadd.s32 s22, s18;
	[dreg:$0x1b] =	wrdreg s24  }
0x21: {  	s26 =	sadd.s32 s22, s19;
	[dreg:$0x1c] =	wrdreg s25  }
0x22: {  	s23 =	sadd.s32 s22, s14;
	[dreg:$0x1d] =	wrdreg s26  }
0x23: {  	[dreg:$0x1e] =	wrdreg s23;
	s24 =	sadd.s32 s22, s10  }
0x24: {  	s25 =	sadd.s32 s22, s6;
	[dreg:$0x1f] =	wrdreg s24  }
0x25: {  	s21 =	sadd.s32 $0x2, s20;
	s23 =	sadd.s32 s22, s7;
	[smem:$0x7CB] =	sst s25  }
0x26: {  	s22 =	sadd.s32 s22, s5;
	[smem:$0x7CC] =	sst s23;
	s23 =	sshll.u32 s21, $0x10  }
0x27: {  	[smem:$0x7CD] =	sst s22;
	s26 =	sadd.s32 s1, s23  }
0x28: {  	s24 =	sadd.s32 s23, s4;
	[smem:$0x7CE] =	sst s26  }
0x29: {  	s25 =	sadd.s32 s23, s8;
	[smem:$0x7CF] =	sst s24  }
0x2a: {  	[smem:$0x7D0] =	sst s25;
	s26 =	sadd.s32 s23, s9  }
0x2b: {  	s24 =	sadd.s32 s23, s11;
	[smem:$0x7D1] =	sst s26  }
0x2c: {  	s25 =	sadd.s32 s23, s12;
	[smem:$0x7D2] =	sst s24  }
0x2d: {  	[smem:$0x7D3] =	sst s25;
	s26 =	sadd.s32 s23, s13  }
0x2e: {  	s24 =	sadd.s32 s23, s16;
	[smem:$0x7D4] =	sst s26  }
0x2f: {  	s25 =	sadd.s32 s23, s17;
	[smem:$0x7D5] =	sst s24  }
0x30: {  	[smem:$0x7D6] =	sst s25;
	s26 =	sadd.s32 s23, s18  }
0x31: {  	s24 =	sadd.s32 s23, s19;
	[smem:$0x7D7] =	sst s26  }
0x32: {  	s25 =	sadd.s32 s23, s14;
	[smem:$0x7D8] =	sst s24  }
0x33: {  	[smem:$0x7D9] =	sst s25;
	s26 =	sadd.s32 s23, s10  }
0x34: {  	s24 =	sadd.s32 s23, s6;
	[smem:$0x7DA] =	sst s26  }
0x35: {  	s22 =	sadd.s32 $0x3, s20;
	[smem:$0x7DB] =	sst s24;
	s24 =	sadd.s32 s23, s7  }
0x36: {  	s23 =	sadd.s32 s23, s5;
	[smem:$0x7DC] =	sst s24;
	s24 =	sshll.u32 s22, $0x10  }
0x37: {  	[smem:$0x7DD] =	sst s23;
	s25 =	sadd.s32 s1, s24  }
0x38: {  	s26 =	sadd.s32 s24, s4;
	[smem:$0x7DE] =	sst s25  }
0x39: {  	[smem:$0x7DF] =	sst s26;
	s25 =	sadd.s32 s24, s8  }
0x3a: {  	s26 =	sadd.s32 s24, s9;
	[smem:$0x7E0] =	sst s25  }
0x3b: {  	[smem:$0x7E1] =	sst s26;
	s25 =	sadd.s32 s24, s11  }
0x3c: {  	s26 =	sadd.s32 s24, s12;
	[smem:$0x7E2] =	sst s25  }
0x3d: {  	[smem:$0x7E3] =	sst s26;
	s25 =	sadd.s32 s24, s13  }
0x3e: {  	s26 =	sadd.s32 s24, s16;
	[smem:$0x7E4] =	sst s25  }
0x3f: {  	[smem:$0x7E5] =	sst s26;
	s25 =	sadd.s32 s24, s17  }
0x40: {  	s26 =	sadd.s32 s24, s18;
	[smem:$0x7E6] =	sst s25  }
0x41: {  	s31 =	simm.s32 $0x2;
	v0 =	vmov s20;
	[smem:$0x7E7] =	sst s26;
	s25 =	sadd.s32 s24, s19  }
0x42: {  	s28 =	simm.s32 $0xA080;
	v1 =	vshll.u32 v0, $0x2;
	s26 =	sadd.s32 s24, s14;
	[smem:$0x7E8] =	sst s25  }
0x43: {  	s29 =	simm.s32 $0xA880;
	v2 =	vand.u32 $0x7, v0;
	v1 =	vand.u32 $0x7FFFFFE0, v1;
	[smem:$0x7E9] =	sst s26;
	s25 =	sadd.s32 s24, s10  }
0x44: {  	v3 =	vlaneseq.u32;
	s30 =	simm.s32 $0xB080;
	v4 =	vmov s15;
	v6 =	vor.u32 v2, v1;
	s26 =	sadd.s32 s24, s6;
	[smem:$0x7EA] =	sst s25  }
0x45: {  	v1 =	vand.u32 $0x7, v3;
	v2 =	vshrl.u32 v3, $0x3;
	v3 =	vor.u32 $0x8, v3;
	s23 =	sadd.s32 $0x4, s20;
	[smem:$0x7EB] =	sst s26;
	s25 =	sadd.s32 s24, s7  }
0x46: {  	v5 =	vperm.xlane v6, v1;
	v7 =	vperm.xlane v6, v3;
	v6 =	vshll.u32 v4, $0x2;
	s24 =	sadd.s32 s24, s5;
	[smem:$0x7EC] =	sst s25;
	s25 =	sshll.u32 s23, $0x10  }
0x47: {  	s0 =	ssub.s32 $0x2, s0;
	v8 =	vand.u32 $0x7, v4;
	v9 =	vand.u32 $0x7FFFFFE0, v6;
	v6 =	vmov s21;
	[smem:$0x7ED] =	sst s24;
	s1 =	sadd.s32 s1, s25  }
0x48: {  	s15 =	simm.s32 $0xF880;
	v10 =	vor.u32 v8, v9;
	v8 =	vshll.u32 v6, $0x2;
	s4 =	sadd.s32 s25, s4;
	[smem:$0x7EE] =	sst s1  }
0x49: {  	v9 =	vand.u32 $0x7, v6;
	v11 =	vand.u32 $0x7FFFFFE0, v8;
	v8 =	vmov s22;
	s22 =	simm.s32 $0x1;
	s24 =	sadd.s32 s25, s8;
	[smem:$0x7EF] =	sst s4  }
0x4a: {  	v11 =	vor.u32 v9, v11;
	v9 =	vmov s23;
	s23 =	simm.s32 $0x8080;
	s26 =	sadd.s32 s25, s9;
	[smem:$0x7F0] =	sst s24  }
0x4b: {  	s8 =	sadd.s32 s25, s12;
	s9 =	sadd.s32 s25, s13;
	[smem:$0x7F1] =	sst s26  }
0x4c: {  	s12 =	sadd.s32 s25, s17;
	s13 =	sadd.s32 s25, s18;
	[smem:$0x7F3] =	sst s8  }
0x4d: {  	s17 =	sadd.s32 s25, s14;
	s18 =	sadd.s32 s25, s10;
	[smem:$0x7F4] =	sst s9  }
0x4e: {  	v2 =	vmul.u32 $0x8, v2;
	s20 =	sadd.s32 s25, s6;
	s6 =	simm.s32 $0x80;
	[smem:$0x7F6] =	sst s12  }
0x4f: {  	s10 =	simm.s32 $0xD080;
	s14 =	simm.s32 $0xF080;
	[smem:$0x7F7] =	sst s13  }
0x50: {  	vm0 =	vmmov $0xffff;
	v5 =	vadd.s32 v2, v5;
	v7 =	vadd.s32 v2, v7;
	s4 =	sadd.s32 s25, s11;
	s11 =	sadd.s32 s25, s16;
	[smem:$0x7F9] =	sst s17  }
0x51: {  	v15 =	vperm.xlane v10, v3;
	v12 =	vshll.u32 v8, $0x2;
	v13 =	vand.u32 $0x7, v8;
	s16 =	sadd.s32 s25, s19;
	s19 =	sshrl.u32 s0, $0x1;
	[smem:$0x7FA] =	sst s18  }
0x52: {  	v16 =	vperm.xlane v11, v1;
	v12 =	vand.u32 $0x7FFFFFE0, v12;
	v14 =	vshll.u32 v9, $0x2;
	[smem:$0x7FB] =	sst s20;
	s24 =	sadd.s32 s25, s7;
	s26 =	sadd.s32 s25, s5  }
0x53: {  	v12 =	vor.u32 v13, v12;
	v13 =	vand.u32 $0x7, v9;
	v14 =	vand.u32 $0x7FFFFFE0, v14;
	s18 =	simm.s32 $0x7880;
	s25 =	simm.s32 $0x9080;
	[smem:$0x7F2] =	sst s4  }
0x54: {  	v17 =	vperm.xlane v11, v3;
	v13 =	vor.u32 v13, v14;
	v14 =	vperm.xlane v10, v1;
	s7 =	simm.s32 $0xB880;
	s8 =	simm.s32 $0xC080;
	[smem:$0x7F5] =	sst s11  }
0x55: {  	v11 =	vadd.s32 v2, v15;
	v18 =	vperm.xlane v12, v3;
	v19 =	vperm.xlane v13, v1;
	s9 =	simm.s32 $0xC880;
	s12 =	simm.s32 $0xE080;
	[smem:$0x7F8] =	sst s16  }
0x56: {  	v20 =	vperm.xlane v13, v3;
	v10 =	vadd.s32 v2, v14;
	v14 =	vperm.xlane v12, v1;
	s13 =	simm.s32 $0xE880;
	s0 =	ssub.s32 s0, s19;
	[smem:$0x7FC] =	sst s24  }
0x57: {  	v15 =	vadd.s32 v2, v18;
	v13 =	vadd.s32 v2, v17;
	v12 =	vadd.s32 v2, v16;
	s4 =	sadd.s32 $0x100, s2;
	[smem:$0x7FD] =	sst s26;
	s24 =	simm.s32 $0x8880  }
0x58: {  	v16 =	vadd.s32 v2, v19;
	v17 =	vadd.s32 v2, v20;
	v14 =	vadd.s32 v2, v14;
	s26 =	simm.s32 $0x9880;
	s11 =	simm.s32 $0xD880;
	s5 =	smax.u32 s0, $0x1  }
.LBB2_1:
0x59: {  	[tilespmem:$0x0] =	vst v0  }
0x5a: {  	[tilespmem:$0x10] =	vst v0  }
0x5b: {  	[tilespmem:$0x20] =	vst v0  }
0x5c: {  	[tilespmem:$0x30] =	vst v0  }
0x5d: {  	[tilespmem:s6], [sflag:$0x1] =	stream.indirect_vreg.gather [hbm4b:s2+s3], $0x80, v5, vm0, $0xb8;
	[tilespmem:$0x10080] =	vst v63  }
0x5e: {  	s0 =	simm.s32 $0x880  }
0x5f: {  	[tilespmem:s0], [sflag:$0x1] =	stream.indirect_vreg.gather [hbm4b:s4+s3], $0x80, v5, vm0, $0xb8;
	[tilespmem:$0x10080] =	vst v63  }
0x60: {  	s1 =	simm.s32 $0x1080  }
0x61: {  	[tilespmem:s1], [sflag:$0x1] =	stream.indirect_vreg.gather [hbm4b:s2+s3], $0x80, v7, vm0, $0xb8;
	[tilespmem:$0x10080] =	vst v63  }
0x62: {  	s16 =	simm.s32 $0x1880  }
0x63: {  	[tilespmem:s16], [sflag:$0x1] =	stream.indirect_vreg.gather [hbm4b:s4+s3], $0x80, v7, vm0, $0xb8;
	[tilespmem:$0x10080] =	vst v63  }
0x64: {  	v18 =	vld [tilespmem:$0x10];
	_ =	sdelay $0x4  }
0x65: {  	v19 =	vshll.u32 v18, $0x2  }
0x66: {  	v18 =	vand.u32 $0x7, v18;
	v19 =	vand.u32 $0xFFFFFFE0, v19  }
0x67: {  	v18 =	vor.u32 v18, v19  }
0x68: {  	v19 =	vperm.xlane v18, v1;
	_ =	sdelay $0x1  }
0x69: {  	v19 =	vadd.s32 v2, v19;
	_ =	sdelay $0x1  }
0x6a: {  	v18 =	vperm.xlane v18, v3;
	_ =	sdelay $0x1  }
0x6b: {  	s17 =	simm.s32 $0x2080;
	v18 =	vadd.s32 v2, v18  }
0x6c: {  	[tilespmem:s17], [sflag:$0x1] =	stream.indirect_vreg.gather [hbm4b:s2+s3], $0x80, v19, vm0, $0xb8;
	[tilespmem:$0x10080] =	vst v63  }
0x6d: {  	s19 =	simm.s32 $0x2880  }
0x6e: {  	[tilespmem:s19], [sflag:$0x1] =	stream.indirect_vreg.gather [hbm4b:s4+s3], $0x80, v19, vm0, $0xb8;
	[tilespmem:$0x10080] =	vst v63  }
0x6f: {  	s20 =	simm.s32 $0x3080  }
0x70: {  	[tilespmem:s20], [sflag:$0x1] =	stream.indirect_vreg.gather [hbm4b:s2+s3], $0x80, v18, vm0, $0xb8;
	[tilespmem:$0x10080] =	vst v63  }
0x71: {  	s21 =	simm.s32 $0x3880  }
0x72: {  	[tilespmem:s21], [sflag:$0x1] =	stream.indirect_vreg.gather [hbm4b:s4+s3], $0x80, v18, vm0, $0xb8;
	[tilespmem:$0x10080] =	vst v63  }
0x73: {  	v18 =	vld [tilespmem:$0x20];
	_ =	sdelay $0x4  }
0x74: {  	v19 =	vshll.u32 v18, $0x2  }
0x75: {  	v18 =	vand.u32 $0x7, v18;
	v19 =	vand.u32 $0xFFFFFFE0, v19  }
0x76: {  	v18 =	vor.u32 v18, v19  }
0x77: {  	v19 =	vperm.xlane v18, v1;
	_ =	sdelay $0x1  }
0x78: {  	v19 =	vadd.s32 v2, v19;
	_ =	sdelay $0x1  }
0x79: {  	v18 =	vperm.xlane v18, v3;
	_ =	sdelay $0x1  }
0x7a: {  	s1 =	simm.s32 $0x4080;
	v18 =	vadd.s32 v2, v18  }
0x7b: {  	[tilespmem:s1], [sflag:$0x1] =	stream.indirect_vreg.gather [hbm4b:s2+s3], $0x80, v19, vm0, $0xb8;
	[tilespmem:$0x10080] =	vst v63  }
0x7c: {  	s19 =	simm.s32 $0x4880  }
0x7d: {  	[tilespmem:s19], [sflag:$0x1] =	stream.indirect_vreg.gather [hbm4b:s4+s3], $0x80, v19, vm0, $0xb8;
	[tilespmem:$0x10080] =	vst v63  }
0x7e: {  	s1 =	simm.s32 $0x5080  }
0x7f: {  	[tilespmem:s1], [sflag:$0x1] =	stream.indirect_vreg.gather [hbm4b:s2+s3], $0x80, v18, vm0, $0xb8;
	[tilespmem:$0x10080] =	vst v63  }
0x80: {  	s19 =	simm.s32 $0x5880  }
0x81: {  	[tilespmem:s19], [sflag:$0x1] =	stream.indirect_vreg.gather [hbm4b:s4+s3], $0x80, v18, vm0, $0xb8;
	[tilespmem:$0x10080] =	vst v63  }
0x82: {  	v18 =	vld [tilespmem:$0x30];
	_ =	sdelay $0x4  }
0x83: {  	v19 =	vshll.u32 v18, $0x2  }
0x84: {  	v18 =	vand.u32 $0x7, v18;
	v19 =	vand.u32 $0xFFFFFFE0, v19  }
0x85: {  	v18 =	vor.u32 v18, v19  }
0x86: {  	v19 =	vperm.xlane v18, v1;
	_ =	sdelay $0x1  }
0x87: {  	v19 =	vadd.s32 v2, v19;
	_ =	sdelay $0x1  }
0x88: {  	v18 =	vperm.xlane v18, v3;
	_ =	sdelay $0x1  }
0x89: {  	s1 =	simm.s32 $0x6080;
	v18 =	vadd.s32 v2, v18  }
0x8a: {  	[tilespmem:s1], [sflag:$0x1] =	stream.indirect_vreg.gather [hbm4b:s2+s3], $0x80, v19, vm0, $0xb8;
	[tilespmem:$0x10080] =	vst v63  }
0x8b: {  	s1 =	simm.s32 $0x6880  }
0x8c: {  	[tilespmem:s1], [sflag:$0x1] =	stream.indirect_vreg.gather [hbm4b:s4+s3], $0x80, v19, vm0, $0xb8;
	[tilespmem:$0x10080] =	vst v63  }
0x8d: {  	s1 =	simm.s32 $0x7080  }
0x8e: {  	[tilespmem:s1], [sflag:$0x1] =	stream.indirect_vreg.gather [hbm4b:s2+s3], $0x80, v18, vm0, $0xb8;
	[tilespmem:$0x10080] =	vst v63  }
0x8f: {  	s1 =	simm.s32 $0x7880  }
0x90: {  	[tilespmem:s1], [sflag:$0x1] =	stream.indirect_vreg.gather [hbm4b:s4+s3], $0x80, v18, vm0, $0xb8;
	[tilespmem:$0x10080] =	vst v63  }
0x91: {  	_ =	swait.ge [sflag:s22], $0x8000  }
0x92: {  	[sflag:s22] =	ssyncset.done $0x0  }
0x93: {  	s1 =	rddreg [dreg:$0x3];
	[sflag:s22] =	ssyncadd.s32 $0xFFFF8000  }
0x94: {  	[hbm4b:s1+s3] =	stream.linear.scatter [tilespmem:s6], [sflag:$0x2], $0x8000, $0x38;
	[tilespmem:$0x10080] =	vst v63  }
0x95: {  	s0 =	rddreg [dreg:$0x4]  }
0x96: {  	[hbm4b:s0+s3] =	stream.linear.scatter [tilespmem:s6], [sflag:$0x2], $0x8000, $0x38;
	[tilespmem:$0x10080] =	vst v63  }
0x97: {  	s1 =	rddreg [dreg:$0x5]  }
0x98: {  	[hbm4b:s1+s3] =	stream.linear.scatter [tilespmem:s6], [sflag:$0x2], $0x8000, $0x38;
	[tilespmem:$0x10080] =	vst v63  }
0x99: {  	s0 =	rddreg [dreg:$0x6]  }
0x9a: {  	[hbm4b:s0+s3] =	stream.linear.scatter [tilespmem:s6], [sflag:$0x2], $0x8000, $0x38;
	[tilespmem:$0x10080] =	vst v63  }
0x9b: {  	s1 =	rddreg [dreg:$0x7]  }
0x9c: {  	[hbm4b:s1+s3] =	stream.linear.scatter [tilespmem:s6], [sflag:$0x2], $0x8000, $0x38;
	[tilespmem:$0x10080] =	vst v63  }
0x9d: {  	s0 =	rddreg [dreg:$0x8]  }
0x9e: {  	[hbm4b:s0+s3] =	stream.linear.scatter [tilespmem:s6], [sflag:$0x2], $0x8000, $0x38;
	[tilespmem:$0x10080] =	vst v63  }
0x9f: {  	s1 =	rddreg [dreg:$0x9]  }
0xa0: {  	[hbm4b:s1+s3] =	stream.linear.scatter [tilespmem:s6], [sflag:$0x2], $0x8000, $0x38;
	[tilespmem:$0x10080] =	vst v63  }
0xa1: {  	s0 =	rddreg [dreg:$0xa]  }
0xa2: {  	[hbm4b:s0+s3] =	stream.linear.scatter [tilespmem:s6], [sflag:$0x2], $0x8000, $0x38;
	[tilespmem:$0x10080] =	vst v63  }
0xa3: {  	s1 =	rddreg [dreg:$0xb]  }
0xa4: {  	[hbm4b:s1+s3] =	stream.linear.scatter [tilespmem:s6], [sflag:$0x2], $0x8000, $0x38;
	[tilespmem:$0x10080] =	vst v63  }
0xa5: {  	s0 =	rddreg [dreg:$0xc]  }
0xa6: {  	[hbm4b:s0+s3] =	stream.linear.scatter [tilespmem:s6], [sflag:$0x2], $0x8000, $0x38;
	[tilespmem:$0x10080] =	vst v63  }
0xa7: {  	s1 =	rddreg [dreg:$0xd]  }
0xa8: {  	[hbm4b:s1+s3] =	stream.linear.scatter [tilespmem:s6], [sflag:$0x2], $0x8000, $0x38;
	[tilespmem:$0x10080] =	vst v63  }
0xa9: {  	s0 =	rddreg [dreg:$0xe]  }
0xaa: {  	[hbm4b:s0+s3] =	stream.linear.scatter [tilespmem:s6], [sflag:$0x2], $0x8000, $0x38;
	[tilespmem:$0x10080] =	vst v63  }
0xab: {  	s1 =	rddreg [dreg:$0xf]  }
0xac: {  	[hbm4b:s1+s3] =	stream.linear.scatter [tilespmem:s6], [sflag:$0x2], $0x8000, $0x38;
	[tilespmem:$0x10080] =	vst v63  }
0xad: {  	s0 =	rddreg [dreg:$0x10]  }
0xae: {  	[hbm4b:s0+s3] =	stream.linear.scatter [tilespmem:s6], [sflag:$0x2], $0x8000, $0x38;
	[tilespmem:$0x10080] =	vst v63  }
0xaf: {  	s1 =	rddreg [dreg:$0x11]  }
0xb0: {  	[hbm4b:s1+s3] =	stream.linear.scatter [tilespmem:s6], [sflag:$0x2], $0x8000, $0x38;
	[tilespmem:$0x10080] =	vst v63  }
0xb1: {  	s0 =	rddreg [dreg:$0x12]  }
0xb2: {  	[hbm4b:s0+s3] =	stream.linear.scatter [tilespmem:s6], [sflag:$0x2], $0x8000, $0x38;
	[tilespmem:$0x10080] =	vst v63  }
0xb3: {  	[tilespmem:$0x0] =	vst v4  }
0xb4: {  	[tilespmem:$0x10] =	vst v4  }
0xb5: {  	[tilespmem:$0x20] =	vst v4  }
0xb6: {  	[tilespmem:$0x30] =	vst v4  }
0xb7: {  	[tilespmem:s23], [sflag:$0x1] =	stream.indirect_vreg.gather [hbm4b:s2+s3], $0x80, v10, vm0, $0xb8;
	[tilespmem:$0x10080] =	vst v63  }
0xb8: {  	_ = 	snop  }
0xb9: {  	[tilespmem:s24], [sflag:$0x1] =	stream.indirect_vreg.gather [hbm4b:s4+s3], $0x80, v10, vm0, $0xb8;
	[tilespmem:$0x10080] =	vst v63  }
0xba: {  	_ = 	snop  }
0xbb: {  	[tilespmem:s25], [sflag:$0x1] =	stream.indirect_vreg.gather [hbm4b:s2+s3], $0x80, v11, vm0, $0xb8;
	[tilespmem:$0x10080] =	vst v63  }
0xbc: {  	_ = 	snop  }
0xbd: {  	[tilespmem:s26], [sflag:$0x1] =	stream.indirect_vreg.gather [hbm4b:s4+s3], $0x80, v11, vm0, $0xb8;
	[tilespmem:$0x10080] =	vst v63  }
0xbe: {  	v18 =	vld [tilespmem:$0x10];
	_ =	sdelay $0x4  }
0xbf: {  	v19 =	vshll.u32 v18, $0x2  }
0xc0: {  	v18 =	vand.u32 $0x7, v18;
	v19 =	vand.u32 $0xFFFFFFE0, v19  }
0xc1: {  	v18 =	vor.u32 v18, v19  }
0xc2: {  	v19 =	vperm.xlane v18, v1;
	_ =	sdelay $0x1  }
0xc3: {  	v19 =	vadd.s32 v2, v19;
	_ =	sdelay $0x1  }
0xc4: {  	v18 =	vperm.xlane v18, v3;
	_ =	sdelay $0x1  }
0xc5: {  	v18 =	vadd.s32 v2, v18  }
0xc6: {  	[tilespmem:s28], [sflag:$0x1] =	stream.indirect_vreg.gather [hbm4b:s2+s3], $0x80, v19, vm0, $0xb8;
	[tilespmem:$0x10080] =	vst v63  }
0xc7: {  	_ = 	snop  }
0xc8: {  	[tilespmem:s29], [sflag:$0x1] =	stream.indirect_vreg.gather [hbm4b:s4+s3], $0x80, v19, vm0, $0xb8;
	[tilespmem:$0x10080] =	vst v63  }
0xc9: {  	_ = 	snop  }
0xca: {  	[tilespmem:s30], [sflag:$0x1] =	stream.indirect_vreg.gather [hbm4b:s2+s3], $0x80, v18, vm0, $0xb8;
	[tilespmem:$0x10080] =	vst v63  }
0xcb: {  	_ = 	snop  }
0xcc: {  	[tilespmem:s7], [sflag:$0x1] =	stream.indirect_vreg.gather [hbm4b:s4+s3], $0x80, v18, vm0, $0xb8;
	[tilespmem:$0x10080] =	vst v63  }
0xcd: {  	v18 =	vld [tilespmem:$0x20];
	_ =	sdelay $0x4  }
0xce: {  	v19 =	vshll.u32 v18, $0x2  }
0xcf: {  	v18 =	vand.u32 $0x7, v18;
	v19 =	vand.u32 $0xFFFFFFE0, v19  }
0xd0: {  	v18 =	vor.u32 v18, v19  }
0xd1: {  	v19 =	vperm.xlane v18, v1;
	_ =	sdelay $0x1  }
0xd2: {  	v19 =	vadd.s32 v2, v19;
	_ =	sdelay $0x1  }
0xd3: {  	v18 =	vperm.xlane v18, v3;
	_ =	sdelay $0x1  }
0xd4: {  	v18 =	vadd.s32 v2, v18  }
0xd5: {  	[tilespmem:s8], [sflag:$0x1] =	stream.indirect_vreg.gather [hbm4b:s2+s3], $0x80, v19, vm0, $0xb8;
	[tilespmem:$0x10080] =	vst v63  }
0xd6: {  	_ = 	snop  }
0xd7: {  	[tilespmem:s9], [sflag:$0x1] =	stream.indirect_vreg.gather [hbm4b:s4+s3], $0x80, v19, vm0, $0xb8;
	[tilespmem:$0x10080] =	vst v63  }
0xd8: {  	_ = 	snop  }
0xd9: {  	[tilespmem:s10], [sflag:$0x1] =	stream.indirect_vreg.gather [hbm4b:s2+s3], $0x80, v18, vm0, $0xb8;
	[tilespmem:$0x10080] =	vst v63  }
0xda: {  	_ = 	snop  }
0xdb: {  	[tilespmem:s11], [sflag:$0x1] =	stream.indirect_vreg.gather [hbm4b:s4+s3], $0x80, v18, vm0, $0xb8;
	[tilespmem:$0x10080] =	vst v63  }
0xdc: {  	v18 =	vld [tilespmem:$0x30];
	_ =	sdelay $0x4  }
0xdd: {  	v19 =	vshll.u32 v18, $0x2  }
0xde: {  	v18 =	vand.u32 $0x7, v18;
	v19 =	vand.u32 $0xFFFFFFE0, v19  }
0xdf: {  	v18 =	vor.u32 v18, v19  }
0xe0: {  	v19 =	vperm.xlane v18, v1;
	_ =	sdelay $0x1  }
0xe1: {  	v19 =	vadd.s32 v2, v19;
	_ =	sdelay $0x1  }
0xe2: {  	v18 =	vperm.xlane v18, v3;
	_ =	sdelay $0x1  }
0xe3: {  	v18 =	vadd.s32 v2, v18  }
0xe4: {  	[tilespmem:s12], [sflag:$0x1] =	stream.indirect_vreg.gather [hbm4b:s2+s3], $0x80, v19, vm0, $0xb8;
	[tilespmem:$0x10080] =	vst v63  }
0xe5: {  	_ = 	snop  }
0xe6: {  	[tilespmem:s13], [sflag:$0x1] =	stream.indirect_vreg.gather [hbm4b:s4+s3], $0x80, v19, vm0, $0xb8;
	[tilespmem:$0x10080] =	vst v63  }
0xe7: {  	_ = 	snop  }
0xe8: {  	[tilespmem:s14], [sflag:$0x1] =	stream.indirect_vreg.gather [hbm4b:s2+s3], $0x80, v18, vm0, $0xb8;
	[tilespmem:$0x10080] =	vst v63  }
0xe9: {  	_ = 	snop  }
0xea: {  	[tilespmem:s15], [sflag:$0x1] =	stream.indirect_vreg.gather [hbm4b:s4+s3], $0x80, v18, vm0, $0xb8;
	[tilespmem:$0x10080] =	vst v63  }
0xeb: {  	_ =	swait.ge [sflag:s22], $0x8000  }
0xec: {  	s0 =	rddreg [dreg:$0x13];
	[sflag:s22] =	ssyncset.done $0x0  }
0xed: {  	s1 =	rddreg [dreg:$0x14];
	[sflag:s22] =	ssyncadd.s32 $0xFFFF8000  }
0xee: {  	[hbm4b:s0+s3] =	stream.linear.scatter [tilespmem:s23], [sflag:$0x2], $0x8000, $0x38;
	[tilespmem:$0x10080] =	vst v63  }
0xef: {  	s0 =	rddreg [dreg:$0x15]  }
0xf0: {  	[hbm4b:s1+s3] =	stream.linear.scatter [tilespmem:s23], [sflag:$0x2], $0x8000, $0x38;
	[tilespmem:$0x10080] =	vst v63  }
0xf1: {  	s1 =	rddreg [dreg:$0x16]  }
0xf2: {  	[hbm4b:s0+s3] =	stream.linear.scatter [tilespmem:s23], [sflag:$0x2], $0x8000, $0x38;
	[tilespmem:$0x10080] =	vst v63  }
0xf3: {  	s0 =	rddreg [dreg:$0x17]  }
0xf4: {  	[hbm4b:s1+s3] =	stream.linear.scatter [tilespmem:s23], [sflag:$0x2], $0x8000, $0x38;
	[tilespmem:$0x10080] =	vst v63  }
0xf5: {  	s1 =	rddreg [dreg:$0x18]  }
0xf6: {  	[hbm4b:s0+s3] =	stream.linear.scatter [tilespmem:s23], [sflag:$0x2], $0x8000, $0x38;
	[tilespmem:$0x10080] =	vst v63  }
0xf7: {  	s0 =	rddreg [dreg:$0x19]  }
0xf8: {  	[hbm4b:s1+s3] =	stream.linear.scatter [tilespmem:s23], [sflag:$0x2], $0x8000, $0x38;
	[tilespmem:$0x10080] =	vst v63  }
0xf9: {  	s1 =	rddreg [dreg:$0x1a]  }
0xfa: {  	[hbm4b:s0+s3] =	stream.linear.scatter [tilespmem:s23], [sflag:$0x2], $0x8000, $0x38;
	[tilespmem:$0x10080] =	vst v63  }
0xfb: {  	s0 =	rddreg [dreg:$0x1b]  }
0xfc: {  	[hbm4b:s1+s3] =	stream.linear.scatter [tilespmem:s23], [sflag:$0x2], $0x8000, $0x38;
	[tilespmem:$0x10080] =	vst v63  }
0xfd: {  	s1 =	rddreg [dreg:$0x1c]  }
0xfe: {  	[hbm4b:s0+s3] =	stream.linear.scatter [tilespmem:s23], [sflag:$0x2], $0x8000, $0x38;
	[tilespmem:$0x10080] =	vst v63  }
0xff: {  	s0 =	rddreg [dreg:$0x1d]  }
0x100: {  	[hbm4b:s1+s3] =	stream.linear.scatter [tilespmem:s23], [sflag:$0x2], $0x8000, $0x38;
	[tilespmem:$0x10080] =	vst v63  }
0x101: {  	s1 =	rddreg [dreg:$0x1e]  }
0x102: {  	[hbm4b:s0+s3] =	stream.linear.scatter [tilespmem:s23], [sflag:$0x2], $0x8000, $0x38;
	[tilespmem:$0x10080] =	vst v63  }
0x103: {  	s0 =	rddreg [dreg:$0x1f]  }
0x104: {  	[hbm4b:s1+s3] =	stream.linear.scatter [tilespmem:s23], [sflag:$0x2], $0x8000, $0x38;
	[tilespmem:$0x10080] =	vst v63  }
0x105: {  	s1 =	sld [smem:$0x7CB]  }
0x106: {  	[hbm4b:s0+s3] =	stream.linear.scatter [tilespmem:s23], [sflag:$0x2], $0x8000, $0x38;
	[tilespmem:$0x10080] =	vst v63  }
0x107: {  	s0 =	sld [smem:$0x7CC]  }
0x108: {  	[hbm4b:s1+s3] =	stream.linear.scatter [tilespmem:s23], [sflag:$0x2], $0x8000, $0x38;
	[tilespmem:$0x10080] =	vst v63  }
0x109: {  	s1 =	sld [smem:$0x7CD]  }
0x10a: {  	[hbm4b:s0+s3] =	stream.linear.scatter [tilespmem:s23], [sflag:$0x2], $0x8000, $0x38;
	[tilespmem:$0x10080] =	vst v63  }
0x10b: {  	_ = 	snop  }
0x10c: {  	[hbm4b:s1+s3] =	stream.linear.scatter [tilespmem:s23], [sflag:$0x2], $0x8000, $0x38;
	[tilespmem:$0x10080] =	vst v63  }
0x10d: {  	_ =	swait.ge [sflag:s31], $0x8000  }
0x10e: {  	[sflag:s31] =	ssyncset.done $0x0  }
0x10f: {  	[sflag:s31] =	ssyncadd.s32 $0xFFFF8000  }
0x110: {  	_ =	swait.ge [sflag:s31], $0x8000  }
0x111: {  	[sflag:s31] =	ssyncset.done $0x0  }
0x112: {  	[sflag:s31] =	ssyncadd.s32 $0xFFFF8000  }
0x113: {  	_ =	swait.ge [sflag:s31], $0x8000  }
0x114: {  	[sflag:s31] =	ssyncset.done $0x0  }
0x115: {  	[sflag:s31] =	ssyncadd.s32 $0xFFFF8000  }
0x116: {  	_ =	swait.ge [sflag:s31], $0x8000  }
0x117: {  	[sflag:s31] =	ssyncset.done $0x0  }
0x118: {  	[sflag:s31] =	ssyncadd.s32 $0xFFFF8000  }
0x119: {  	_ =	swait.ge [sflag:s31], $0x8000  }
0x11a: {  	[sflag:s31] =	ssyncset.done $0x0  }
0x11b: {  	[sflag:s31] =	ssyncadd.s32 $0xFFFF8000  }
0x11c: {  	_ =	swait.ge [sflag:s31], $0x8000  }
0x11d: {  	[sflag:s31] =	ssyncset.done $0x0  }
0x11e: {  	[sflag:s31] =	ssyncadd.s32 $0xFFFF8000  }
0x11f: {  	_ =	swait.ge [sflag:s31], $0x8000  }
0x120: {  	[sflag:s31] =	ssyncset.done $0x0  }
0x121: {  	[sflag:s31] =	ssyncadd.s32 $0xFFFF8000  }
0x122: {  	_ =	swait.ge [sflag:s31], $0x8000  }
0x123: {  	[sflag:s31] =	ssyncset.done $0x0  }
0x124: {  	[sflag:s31] =	ssyncadd.s32 $0xFFFF8000  }
0x125: {  	_ =	swait.ge [sflag:s31], $0x8000  }
0x126: {  	[sflag:s31] =	ssyncset.done $0x0  }
0x127: {  	[sflag:s31] =	ssyncadd.s32 $0xFFFF8000  }
0x128: {  	_ =	swait.ge [sflag:s31], $0x8000  }
0x129: {  	[sflag:s31] =	ssyncset.done $0x0  }
0x12a: {  	[sflag:s31] =	ssyncadd.s32 $0xFFFF8000  }
0x12b: {  	_ =	swait.ge [sflag:s31], $0x8000  }
0x12c: {  	[sflag:s31] =	ssyncset.done $0x0  }
0x12d: {  	[sflag:s31] =	ssyncadd.s32 $0xFFFF8000  }
0x12e: {  	_ =	swait.ge [sflag:s31], $0x8000  }
0x12f: {  	[sflag:s31] =	ssyncset.done $0x0  }
0x130: {  	[sflag:s31] =	ssyncadd.s32 $0xFFFF8000  }
0x131: {  	_ =	swait.ge [sflag:s31], $0x8000  }
0x132: {  	[sflag:s31] =	ssyncset.done $0x0  }
0x133: {  	[sflag:s31] =	ssyncadd.s32 $0xFFFF8000  }
0x134: {  	_ =	swait.ge [sflag:s31], $0x8000  }
0x135: {  	[sflag:s31] =	ssyncset.done $0x0  }
0x136: {  	[sflag:s31] =	ssyncadd.s32 $0xFFFF8000  }
0x137: {  	_ =	swait.ge [sflag:s31], $0x8000  }
0x138: {  	[sflag:s31] =	ssyncset.done $0x0  }
0x139: {  	[sflag:s31] =	ssyncadd.s32 $0xFFFF8000  }
0x13a: {  	_ =	swait.ge [sflag:s31], $0x8000  }
0x13b: {  	[sflag:s31] =	ssyncset.done $0x0  }
0x13c: {  	[sflag:s31] =	ssyncadd.s32 $0xFFFF8000  }
0x13d: {  	[tilespmem:$0x0] =	vst v6  }
0x13e: {  	[tilespmem:$0x10] =	vst v6  }
0x13f: {  	[tilespmem:$0x20] =	vst v6  }
0x140: {  	[tilespmem:$0x30] =	vst v6  }
0x141: {  	[tilespmem:s6], [sflag:$0x1] =	stream.indirect_vreg.gather [hbm4b:s2+s3], $0x80, v12, vm0, $0xb8;
	[tilespmem:$0x10080] =	vst v63  }
0x142: {  	s1 =	simm.s32 $0x880  }
0x143: {  	[tilespmem:s1], [sflag:$0x1] =	stream.indirect_vreg.gather [hbm4b:s4+s3], $0x80, v12, vm0, $0xb8;
	[tilespmem:$0x10080] =	vst v63  }
0x144: {  	s1 =	simm.s32 $0x1080  }
0x145: {  	[tilespmem:s1], [sflag:$0x1] =	stream.indirect_vreg.gather [hbm4b:s2+s3], $0x80, v13, vm0, $0xb8;
	[tilespmem:$0x10080] =	vst v63  }
0x146: {  	s16 =	simm.s32 $0x1880  }
0x147: {  	[tilespmem:s16], [sflag:$0x1] =	stream.indirect_vreg.gather [hbm4b:s4+s3], $0x80, v13, vm0, $0xb8;
	[tilespmem:$0x10080] =	vst v63  }
0x148: {  	v18 =	vld [tilespmem:$0x10];
	_ =	sdelay $0x4  }
0x149: {  	v19 =	vshll.u32 v18, $0x2  }
0x14a: {  	v18 =	vand.u32 $0x7, v18;
	v19 =	vand.u32 $0xFFFFFFE0, v19  }
0x14b: {  	v18 =	vor.u32 v18, v19  }
0x14c: {  	v19 =	vperm.xlane v18, v1;
	_ =	sdelay $0x1  }
0x14d: {  	v19 =	vadd.s32 v2, v19;
	_ =	sdelay $0x1  }
0x14e: {  	v18 =	vperm.xlane v18, v3;
	_ =	sdelay $0x1  }
0x14f: {  	s1 =	simm.s32 $0x2080;
	v18 =	vadd.s32 v2, v18  }
0x150: {  	[tilespmem:s1], [sflag:$0x1] =	stream.indirect_vreg.gather [hbm4b:s2+s3], $0x80, v19, vm0, $0xb8;
	[tilespmem:$0x10080] =	vst v63  }
0x151: {  	s16 =	simm.s32 $0x2880  }
0x152: {  	[tilespmem:s16], [sflag:$0x1] =	stream.indirect_vreg.gather [hbm4b:s4+s3], $0x80, v19, vm0, $0xb8;
	[tilespmem:$0x10080] =	vst v63  }
0x153: {  	s20 =	simm.s32 $0x3080  }
0x154: {  	[tilespmem:s20], [sflag:$0x1] =	stream.indirect_vreg.gather [hbm4b:s2+s3], $0x80, v18, vm0, $0xb8;
	[tilespmem:$0x10080] =	vst v63  }
0x155: {  	s17 =	simm.s32 $0x3880  }
0x156: {  	[tilespmem:s17], [sflag:$0x1] =	stream.indirect_vreg.gather [hbm4b:s4+s3], $0x80, v18, vm0, $0xb8;
	[tilespmem:$0x10080] =	vst v63  }
0x157: {  	v18 =	vld [tilespmem:$0x20];
	_ =	sdelay $0x4  }
0x158: {  	v19 =	vshll.u32 v18, $0x2  }
0x159: {  	v18 =	vand.u32 $0x7, v18;
	v19 =	vand.u32 $0xFFFFFFE0, v19  }
0x15a: {  	v18 =	vor.u32 v18, v19  }
0x15b: {  	v19 =	vperm.xlane v18, v1;
	_ =	sdelay $0x1  }
0x15c: {  	v19 =	vadd.s32 v2, v19;
	_ =	sdelay $0x1  }
0x15d: {  	v18 =	vperm.xlane v18, v3;
	_ =	sdelay $0x1  }
0x15e: {  	s21 =	simm.s32 $0x4080;
	v18 =	vadd.s32 v2, v18  }
0x15f: {  	[tilespmem:s21], [sflag:$0x1] =	stream.indirect_vreg.gather [hbm4b:s2+s3], $0x80, v19, vm0, $0xb8;
	[tilespmem:$0x10080] =	vst v63  }
0x160: {  	s1 =	simm.s32 $0x4880  }
0x161: {  	[tilespmem:s1], [sflag:$0x1] =	stream.indirect_vreg.gather [hbm4b:s4+s3], $0x80, v19, vm0, $0xb8;
	[tilespmem:$0x10080] =	vst v63  }
0x162: {  	s17 =	simm.s32 $0x5080  }
0x163: {  	[tilespmem:s17], [sflag:$0x1] =	stream.indirect_vreg.gather [hbm4b:s2+s3], $0x80, v18, vm0, $0xb8;
	[tilespmem:$0x10080] =	vst v63  }
0x164: {  	s19 =	simm.s32 $0x5880  }
0x165: {  	[tilespmem:s19], [sflag:$0x1] =	stream.indirect_vreg.gather [hbm4b:s4+s3], $0x80, v18, vm0, $0xb8;
	[tilespmem:$0x10080] =	vst v63  }
0x166: {  	v18 =	vld [tilespmem:$0x30];
	_ =	sdelay $0x4  }
0x167: {  	v19 =	vshll.u32 v18, $0x2  }
0x168: {  	v18 =	vand.u32 $0x7, v18;
	v19 =	vand.u32 $0xFFFFFFE0, v19  }
0x169: {  	v18 =	vor.u32 v18, v19  }
0x16a: {  	v19 =	vperm.xlane v18, v1;
	_ =	sdelay $0x1  }
0x16b: {  	v19 =	vadd.s32 v2, v19;
	_ =	sdelay $0x1  }
0x16c: {  	v18 =	vperm.xlane v18, v3;
	_ =	sdelay $0x1  }
0x16d: {  	s19 =	simm.s32 $0x6080;
	v18 =	vadd.s32 v2, v18  }
0x16e: {  	[tilespmem:s19], [sflag:$0x1] =	stream.indirect_vreg.gather [hbm4b:s2+s3], $0x80, v19, vm0, $0xb8;
	[tilespmem:$0x10080] =	vst v63  }
0x16f: {  	s1 =	simm.s32 $0x6880  }
0x170: {  	[tilespmem:s1], [sflag:$0x1] =	stream.indirect_vreg.gather [hbm4b:s4+s3], $0x80, v19, vm0, $0xb8;
	[tilespmem:$0x10080] =	vst v63  }
0x171: {  	s17 =	simm.s32 $0x7080  }
0x172: {  	[tilespmem:s17], [sflag:$0x1] =	stream.indirect_vreg.gather [hbm4b:s2+s3], $0x80, v18, vm0, $0xb8;
	[tilespmem:$0x10080] =	vst v63  }
0x173: {  	_ = 	snop  }
0x174: {  	[tilespmem:s18], [sflag:$0x1] =	stream.indirect_vreg.gather [hbm4b:s4+s3], $0x80, v18, vm0, $0xb8;
	[tilespmem:$0x10080] =	vst v63  }
0x175: {  	_ =	swait.ge [sflag:s22], $0x8000  }
0x176: {  	s0 =	sld [smem:$0x7CE]  }
0x177: {  	[sflag:s22] =	ssyncset.done $0x0  }
0x178: {  	s1 =	sld [smem:$0x7CF];
	[sflag:s22] =	ssyncadd.s32 $0xFFFF8000  }
0x179: {  	[hbm4b:s0+s3] =	stream.linear.scatter [tilespmem:s6], [sflag:$0x2], $0x8000, $0x38;
	[tilespmem:$0x10080] =	vst v63  }
0x17a: {  	s0 =	sld [smem:$0x7D0]  }
0x17b: {  	[hbm4b:s1+s3] =	stream.linear.scatter [tilespmem:s6], [sflag:$0x2], $0x8000, $0x38;
	[tilespmem:$0x10080] =	vst v63  }
0x17c: {  	s1 =	sld [smem:$0x7D1]  }
0x17d: {  	[hbm4b:s0+s3] =	stream.linear.scatter [tilespmem:s6], [sflag:$0x2], $0x8000, $0x38;
	[tilespmem:$0x10080] =	vst v63  }
0x17e: {  	s0 =	sld [smem:$0x7D2]  }
0x17f: {  	[hbm4b:s1+s3] =	stream.linear.scatter [tilespmem:s6], [sflag:$0x2], $0x8000, $0x38;
	[tilespmem:$0x10080] =	vst v63  }
0x180: {  	s1 =	sld [smem:$0x7D3]  }
0x181: {  	[hbm4b:s0+s3] =	stream.linear.scatter [tilespmem:s6], [sflag:$0x2], $0x8000, $0x38;
	[tilespmem:$0x10080] =	vst v63  }
0x182: {  	s0 =	sld [smem:$0x7D4]  }
0x183: {  	[hbm4b:s1+s3] =	stream.linear.scatter [tilespmem:s6], [sflag:$0x2], $0x8000, $0x38;
	[tilespmem:$0x10080] =	vst v63  }
0x184: {  	s1 =	sld [smem:$0x7D5]  }
0x185: {  	[hbm4b:s0+s3] =	stream.linear.scatter [tilespmem:s6], [sflag:$0x2], $0x8000, $0x38;
	[tilespmem:$0x10080] =	vst v63  }
0x186: {  	s0 =	sld [smem:$0x7D6]  }
0x187: {  	[hbm4b:s1+s3] =	stream.linear.scatter [tilespmem:s6], [sflag:$0x2], $0x8000, $0x38;
	[tilespmem:$0x10080] =	vst v63  }
0x188: {  	s1 =	sld [smem:$0x7D7]  }
0x189: {  	[hbm4b:s0+s3] =	stream.linear.scatter [tilespmem:s6], [sflag:$0x2], $0x8000, $0x38;
	[tilespmem:$0x10080] =	vst v63  }
0x18a: {  	s0 =	sld [smem:$0x7D8]  }
0x18b: {  	[hbm4b:s1+s3] =	stream.linear.scatter [tilespmem:s6], [sflag:$0x2], $0x8000, $0x38;
	[tilespmem:$0x10080] =	vst v63  }
0x18c: {  	s1 =	sld [smem:$0x7D9]  }
0x18d: {  	[hbm4b:s0+s3] =	stream.linear.scatter [tilespmem:s6], [sflag:$0x2], $0x8000, $0x38;
	[tilespmem:$0x10080] =	vst v63  }
0x18e: {  	s0 =	sld [smem:$0x7DA]  }
0x18f: {  	[hbm4b:s1+s3] =	stream.linear.scatter [tilespmem:s6], [sflag:$0x2], $0x8000, $0x38;
	[tilespmem:$0x10080] =	vst v63  }
0x190: {  	s1 =	sld [smem:$0x7DB]  }
0x191: {  	[hbm4b:s0+s3] =	stream.linear.scatter [tilespmem:s6], [sflag:$0x2], $0x8000, $0x38;
	[tilespmem:$0x10080] =	vst v63  }
0x192: {  	s0 =	sld [smem:$0x7DC]  }
0x193: {  	[hbm4b:s1+s3] =	stream.linear.scatter [tilespmem:s6], [sflag:$0x2], $0x8000, $0x38;
	[tilespmem:$0x10080] =	vst v63  }
0x194: {  	s1 =	sld [smem:$0x7DD]  }
0x195: {  	[hbm4b:s0+s3] =	stream.linear.scatter [tilespmem:s6], [sflag:$0x2], $0x8000, $0x38;
	[tilespmem:$0x10080] =	vst v63  }
0x196: {  	_ = 	snop  }
0x197: {  	[hbm4b:s1+s3] =	stream.linear.scatter [tilespmem:s6], [sflag:$0x2], $0x8000, $0x38;
	[tilespmem:$0x10080] =	vst v63  }
0x198: {  	_ =	swait.ge [sflag:s31], $0x8000  }
0x199: {  	[sflag:s31] =	ssyncset.done $0x0  }
0x19a: {  	[sflag:s31] =	ssyncadd.s32 $0xFFFF8000  }
0x19b: {  	_ =	swait.ge [sflag:s31], $0x8000  }
0x19c: {  	[sflag:s31] =	ssyncset.done $0x0  }
0x19d: {  	[sflag:s31] =	ssyncadd.s32 $0xFFFF8000  }
0x19e: {  	_ =	swait.ge [sflag:s31], $0x8000  }
0x19f: {  	[sflag:s31] =	ssyncset.done $0x0  }
0x1a0: {  	[sflag:s31] =	ssyncadd.s32 $0xFFFF8000  }
0x1a1: {  	_ =	swait.ge [sflag:s31], $0x8000  }
0x1a2: {  	[sflag:s31] =	ssyncset.done $0x0  }
0x1a3: {  	[sflag:s31] =	ssyncadd.s32 $0xFFFF8000  }
0x1a4: {  	_ =	swait.ge [sflag:s31], $0x8000  }
0x1a5: {  	[sflag:s31] =	ssyncset.done $0x0  }
0x1a6: {  	[sflag:s31] =	ssyncadd.s32 $0xFFFF8000  }
0x1a7: {  	_ =	swait.ge [sflag:s31], $0x8000  }
0x1a8: {  	[sflag:s31] =	ssyncset.done $0x0  }
0x1a9: {  	[sflag:s31] =	ssyncadd.s32 $0xFFFF8000  }
0x1aa: {  	_ =	swait.ge [sflag:s31], $0x8000  }
0x1ab: {  	[sflag:s31] =	ssyncset.done $0x0  }
0x1ac: {  	[sflag:s31] =	ssyncadd.s32 $0xFFFF8000  }
0x1ad: {  	_ =	swait.ge [sflag:s31], $0x8000  }
0x1ae: {  	[sflag:s31] =	ssyncset.done $0x0  }
0x1af: {  	[sflag:s31] =	ssyncadd.s32 $0xFFFF8000  }
0x1b0: {  	_ =	swait.ge [sflag:s31], $0x8000  }
0x1b1: {  	[sflag:s31] =	ssyncset.done $0x0  }
0x1b2: {  	[sflag:s31] =	ssyncadd.s32 $0xFFFF8000  }
0x1b3: {  	_ =	swait.ge [sflag:s31], $0x8000  }
0x1b4: {  	[sflag:s31] =	ssyncset.done $0x0  }
0x1b5: {  	[sflag:s31] =	ssyncadd.s32 $0xFFFF8000  }
0x1b6: {  	_ =	swait.ge [sflag:s31], $0x8000  }
0x1b7: {  	[sflag:s31] =	ssyncset.done $0x0  }
0x1b8: {  	[sflag:s31] =	ssyncadd.s32 $0xFFFF8000  }
0x1b9: {  	_ =	swait.ge [sflag:s31], $0x8000  }
0x1ba: {  	[sflag:s31] =	ssyncset.done $0x0  }
0x1bb: {  	[sflag:s31] =	ssyncadd.s32 $0xFFFF8000  }
0x1bc: {  	_ =	swait.ge [sflag:s31], $0x8000  }
0x1bd: {  	[sflag:s31] =	ssyncset.done $0x0  }
0x1be: {  	[sflag:s31] =	ssyncadd.s32 $0xFFFF8000  }
0x1bf: {  	_ =	swait.ge [sflag:s31], $0x8000  }
0x1c0: {  	[sflag:s31] =	ssyncset.done $0x0  }
0x1c1: {  	[sflag:s31] =	ssyncadd.s32 $0xFFFF8000  }
0x1c2: {  	_ =	swait.ge [sflag:s31], $0x8000  }
0x1c3: {  	[sflag:s31] =	ssyncset.done $0x0  }
0x1c4: {  	[sflag:s31] =	ssyncadd.s32 $0xFFFF8000  }
0x1c5: {  	_ =	swait.ge [sflag:s31], $0x8000  }
0x1c6: {  	[sflag:s31] =	ssyncset.done $0x0  }
0x1c7: {  	[sflag:s31] =	ssyncadd.s32 $0xFFFF8000  }
0x1c8: {  	[tilespmem:$0x0] =	vst v8  }
0x1c9: {  	[tilespmem:$0x10] =	vst v8  }
0x1ca: {  	[tilespmem:$0x20] =	vst v8  }
0x1cb: {  	[tilespmem:$0x30] =	vst v8  }
0x1cc: {  	[tilespmem:s23], [sflag:$0x1] =	stream.indirect_vreg.gather [hbm4b:s2+s3], $0x80, v14, vm0, $0xb8;
	[tilespmem:$0x10080] =	vst v63  }
0x1cd: {  	_ = 	snop  }
0x1ce: {  	[tilespmem:s24], [sflag:$0x1] =	stream.indirect_vreg.gather [hbm4b:s4+s3], $0x80, v14, vm0, $0xb8;
	[tilespmem:$0x10080] =	vst v63  }
0x1cf: {  	_ = 	snop  }
0x1d0: {  	[tilespmem:s25], [sflag:$0x1] =	stream.indirect_vreg.gather [hbm4b:s2+s3], $0x80, v15, vm0, $0xb8;
	[tilespmem:$0x10080] =	vst v63  }
0x1d1: {  	_ = 	snop  }
0x1d2: {  	[tilespmem:s26], [sflag:$0x1] =	stream.indirect_vreg.gather [hbm4b:s4+s3], $0x80, v15, vm0, $0xb8;
	[tilespmem:$0x10080] =	vst v63  }
0x1d3: {  	v18 =	vld [tilespmem:$0x10];
	_ =	sdelay $0x4  }
0x1d4: {  	v19 =	vshll.u32 v18, $0x2  }
0x1d5: {  	v18 =	vand.u32 $0x7, v18;
	v19 =	vand.u32 $0xFFFFFFE0, v19  }
0x1d6: {  	v18 =	vor.u32 v18, v19  }
0x1d7: {  	v19 =	vperm.xlane v18, v1;
	_ =	sdelay $0x1  }
0x1d8: {  	v19 =	vadd.s32 v2, v19;
	_ =	sdelay $0x1  }
0x1d9: {  	v18 =	vperm.xlane v18, v3;
	_ =	sdelay $0x1  }
0x1da: {  	v18 =	vadd.s32 v2, v18  }
0x1db: {  	[tilespmem:s28], [sflag:$0x1] =	stream.indirect_vreg.gather [hbm4b:s2+s3], $0x80, v19, vm0, $0xb8;
	[tilespmem:$0x10080] =	vst v63  }
0x1dc: {  	_ = 	snop  }
0x1dd: {  	[tilespmem:s29], [sflag:$0x1] =	stream.indirect_vreg.gather [hbm4b:s4+s3], $0x80, v19, vm0, $0xb8;
	[tilespmem:$0x10080] =	vst v63  }
0x1de: {  	_ = 	snop  }
0x1df: {  	[tilespmem:s30], [sflag:$0x1] =	stream.indirect_vreg.gather [hbm4b:s2+s3], $0x80, v18, vm0, $0xb8;
	[tilespmem:$0x10080] =	vst v63  }
0x1e0: {  	_ = 	snop  }
0x1e1: {  	[tilespmem:s7], [sflag:$0x1] =	stream.indirect_vreg.gather [hbm4b:s4+s3], $0x80, v18, vm0, $0xb8;
	[tilespmem:$0x10080] =	vst v63  }
0x1e2: {  	v18 =	vld [tilespmem:$0x20];
	_ =	sdelay $0x4  }
0x1e3: {  	v19 =	vshll.u32 v18, $0x2  }
0x1e4: {  	v18 =	vand.u32 $0x7, v18;
	v19 =	vand.u32 $0xFFFFFFE0, v19  }
0x1e5: {  	v18 =	vor.u32 v18, v19  }
0x1e6: {  	v19 =	vperm.xlane v18, v1;
	_ =	sdelay $0x1  }
0x1e7: {  	v19 =	vadd.s32 v2, v19;
	_ =	sdelay $0x1  }
0x1e8: {  	v18 =	vperm.xlane v18, v3;
	_ =	sdelay $0x1  }
0x1e9: {  	v18 =	vadd.s32 v2, v18  }
0x1ea: {  	[tilespmem:s8], [sflag:$0x1] =	stream.indirect_vreg.gather [hbm4b:s2+s3], $0x80, v19, vm0, $0xb8;
	[tilespmem:$0x10080] =	vst v63  }
0x1eb: {  	_ = 	snop  }
0x1ec: {  	[tilespmem:s9], [sflag:$0x1] =	stream.indirect_vreg.gather [hbm4b:s4+s3], $0x80, v19, vm0, $0xb8;
	[tilespmem:$0x10080] =	vst v63  }
0x1ed: {  	_ = 	snop  }
0x1ee: {  	[tilespmem:s10], [sflag:$0x1] =	stream.indirect_vreg.gather [hbm4b:s2+s3], $0x80, v18, vm0, $0xb8;
	[tilespmem:$0x10080] =	vst v63  }
0x1ef: {  	_ = 	snop  }
0x1f0: {  	[tilespmem:s11], [sflag:$0x1] =	stream.indirect_vreg.gather [hbm4b:s4+s3], $0x80, v18, vm0, $0xb8;
	[tilespmem:$0x10080] =	vst v63  }
0x1f1: {  	v18 =	vld [tilespmem:$0x30];
	_ =	sdelay $0x4  }
0x1f2: {  	v19 =	vshll.u32 v18, $0x2  }
0x1f3: {  	v18 =	vand.u32 $0x7, v18;
	v19 =	vand.u32 $0xFFFFFFE0, v19  }
0x1f4: {  	v18 =	vor.u32 v18, v19  }
0x1f5: {  	v19 =	vperm.xlane v18, v1;
	_ =	sdelay $0x1  }
0x1f6: {  	v19 =	vadd.s32 v2, v19;
	_ =	sdelay $0x1  }
0x1f7: {  	v18 =	vperm.xlane v18, v3;
	_ =	sdelay $0x1  }
0x1f8: {  	v18 =	vadd.s32 v2, v18  }
0x1f9: {  	[tilespmem:s12], [sflag:$0x1] =	stream.indirect_vreg.gather [hbm4b:s2+s3], $0x80, v19, vm0, $0xb8;
	[tilespmem:$0x10080] =	vst v63  }
0x1fa: {  	_ = 	snop  }
0x1fb: {  	[tilespmem:s13], [sflag:$0x1] =	stream.indirect_vreg.gather [hbm4b:s4+s3], $0x80, v19, vm0, $0xb8;
	[tilespmem:$0x10080] =	vst v63  }
0x1fc: {  	_ = 	snop  }
0x1fd: {  	[tilespmem:s14], [sflag:$0x1] =	stream.indirect_vreg.gather [hbm4b:s2+s3], $0x80, v18, vm0, $0xb8;
	[tilespmem:$0x10080] =	vst v63  }
0x1fe: {  	_ = 	snop  }
0x1ff: {  	[tilespmem:s15], [sflag:$0x1] =	stream.indirect_vreg.gather [hbm4b:s4+s3], $0x80, v18, vm0, $0xb8;
	[tilespmem:$0x10080] =	vst v63  }
0x200: {  	_ =	swait.ge [sflag:s22], $0x8000  }
0x201: {  	s0 =	sld [smem:$0x7DE]  }
0x202: {  	[sflag:s22] =	ssyncset.done $0x0  }
0x203: {  	s1 =	sld [smem:$0x7DF];
	[sflag:s22] =	ssyncadd.s32 $0xFFFF8000  }
0x204: {  	[hbm4b:s0+s3] =	stream.linear.scatter [tilespmem:s23], [sflag:$0x2], $0x8000, $0x38;
	[tilespmem:$0x10080] =	vst v63  }
0x205: {  	s0 =	sld [smem:$0x7E0]  }
0x206: {  	[hbm4b:s1+s3] =	stream.linear.scatter [tilespmem:s23], [sflag:$0x2], $0x8000, $0x38;
	[tilespmem:$0x10080] =	vst v63  }
0x207: {  	s1 =	sld [smem:$0x7E1]  }
0x208: {  	[hbm4b:s0+s3] =	stream.linear.scatter [tilespmem:s23], [sflag:$0x2], $0x8000, $0x38;
	[tilespmem:$0x10080] =	vst v63  }
0x209: {  	s0 =	sld [smem:$0x7E2]  }
0x20a: {  	[hbm4b:s1+s3] =	stream.linear.scatter [tilespmem:s23], [sflag:$0x2], $0x8000, $0x38;
	[tilespmem:$0x10080] =	vst v63  }
0x20b: {  	s1 =	sld [smem:$0x7E3]  }
0x20c: {  	[hbm4b:s0+s3] =	stream.linear.scatter [tilespmem:s23], [sflag:$0x2], $0x8000, $0x38;
	[tilespmem:$0x10080] =	vst v63  }
0x20d: {  	s0 =	sld [smem:$0x7E4]  }
0x20e: {  	[hbm4b:s1+s3] =	stream.linear.scatter [tilespmem:s23], [sflag:$0x2], $0x8000, $0x38;
	[tilespmem:$0x10080] =	vst v63  }
0x20f: {  	s1 =	sld [smem:$0x7E5]  }
0x210: {  	[hbm4b:s0+s3] =	stream.linear.scatter [tilespmem:s23], [sflag:$0x2], $0x8000, $0x38;
	[tilespmem:$0x10080] =	vst v63  }
0x211: {  	s0 =	sld [smem:$0x7E6]  }
0x212: {  	[hbm4b:s1+s3] =	stream.linear.scatter [tilespmem:s23], [sflag:$0x2], $0x8000, $0x38;
	[tilespmem:$0x10080] =	vst v63  }
0x213: {  	s1 =	sld [smem:$0x7E7]  }
0x214: {  	[hbm4b:s0+s3] =	stream.linear.scatter [tilespmem:s23], [sflag:$0x2], $0x8000, $0x38;
	[tilespmem:$0x10080] =	vst v63  }
0x215: {  	s0 =	sld [smem:$0x7E8]  }
0x216: {  	[hbm4b:s1+s3] =	stream.linear.scatter [tilespmem:s23], [sflag:$0x2], $0x8000, $0x38;
	[tilespmem:$0x10080] =	vst v63  }
0x217: {  	s1 =	sld [smem:$0x7E9]  }
0x218: {  	[hbm4b:s0+s3] =	stream.linear.scatter [tilespmem:s23], [sflag:$0x2], $0x8000, $0x38;
	[tilespmem:$0x10080] =	vst v63  }
0x219: {  	s0 =	sld [smem:$0x7EA]  }
0x21a: {  	[hbm4b:s1+s3] =	stream.linear.scatter [tilespmem:s23], [sflag:$0x2], $0x8000, $0x38;
	[tilespmem:$0x10080] =	vst v63  }
0x21b: {  	s1 =	sld [smem:$0x7EB]  }
0x21c: {  	[hbm4b:s0+s3] =	stream.linear.scatter [tilespmem:s23], [sflag:$0x2], $0x8000, $0x38;
	[tilespmem:$0x10080] =	vst v63  }
0x21d: {  	s0 =	sld [smem:$0x7EC]  }
0x21e: {  	[hbm4b:s1+s3] =	stream.linear.scatter [tilespmem:s23], [sflag:$0x2], $0x8000, $0x38;
	[tilespmem:$0x10080] =	vst v63  }
0x21f: {  	s1 =	sld [smem:$0x7ED]  }
0x220: {  	[hbm4b:s0+s3] =	stream.linear.scatter [tilespmem:s23], [sflag:$0x2], $0x8000, $0x38;
	[tilespmem:$0x10080] =	vst v63  }
0x221: {  	_ = 	snop  }
0x222: {  	[hbm4b:s1+s3] =	stream.linear.scatter [tilespmem:s23], [sflag:$0x2], $0x8000, $0x38;
	[tilespmem:$0x10080] =	vst v63  }
0x223: {  	_ =	swait.ge [sflag:s31], $0x8000  }
0x224: {  	[sflag:s31] =	ssyncset.done $0x0  }
0x225: {  	[sflag:s31] =	ssyncadd.s32 $0xFFFF8000  }
0x226: {  	_ =	swait.ge [sflag:s31], $0x8000  }
0x227: {  	[sflag:s31] =	ssyncset.done $0x0  }
0x228: {  	[sflag:s31] =	ssyncadd.s32 $0xFFFF8000  }
0x229: {  	_ =	swait.ge [sflag:s31], $0x8000  }
0x22a: {  	[sflag:s31] =	ssyncset.done $0x0  }
0x22b: {  	[sflag:s31] =	ssyncadd.s32 $0xFFFF8000  }
0x22c: {  	_ =	swait.ge [sflag:s31], $0x8000  }
0x22d: {  	[sflag:s31] =	ssyncset.done $0x0  }
0x22e: {  	[sflag:s31] =	ssyncadd.s32 $0xFFFF8000  }
0x22f: {  	_ =	swait.ge [sflag:s31], $0x8000  }
0x230: {  	[sflag:s31] =	ssyncset.done $0x0  }
0x231: {  	[sflag:s31] =	ssyncadd.s32 $0xFFFF8000  }
0x232: {  	_ =	swait.ge [sflag:s31], $0x8000  }
0x233: {  	[sflag:s31] =	ssyncset.done $0x0  }
0x234: {  	[sflag:s31] =	ssyncadd.s32 $0xFFFF8000  }
0x235: {  	_ =	swait.ge [sflag:s31], $0x8000  }
0x236: {  	[sflag:s31] =	ssyncset.done $0x0  }
0x237: {  	[sflag:s31] =	ssyncadd.s32 $0xFFFF8000  }
0x238: {  	_ =	swait.ge [sflag:s31], $0x8000  }
0x239: {  	[sflag:s31] =	ssyncset.done $0x0  }
0x23a: {  	[sflag:s31] =	ssyncadd.s32 $0xFFFF8000  }
0x23b: {  	_ =	swait.ge [sflag:s31], $0x8000  }
0x23c: {  	[sflag:s31] =	ssyncset.done $0x0  }
0x23d: {  	[sflag:s31] =	ssyncadd.s32 $0xFFFF8000  }
0x23e: {  	_ =	swait.ge [sflag:s31], $0x8000  }
0x23f: {  	[sflag:s31] =	ssyncset.done $0x0  }
0x240: {  	[sflag:s31] =	ssyncadd.s32 $0xFFFF8000  }
0x241: {  	_ =	swait.ge [sflag:s31], $0x8000  }
0x242: {  	[sflag:s31] =	ssyncset.done $0x0  }
0x243: {  	[sflag:s31] =	ssyncadd.s32 $0xFFFF8000  }
0x244: {  	_ =	swait.ge [sflag:s31], $0x8000  }
0x245: {  	[sflag:s31] =	ssyncset.done $0x0  }
0x246: {  	[sflag:s31] =	ssyncadd.s32 $0xFFFF8000  }
0x247: {  	_ =	swait.ge [sflag:s31], $0x8000  }
0x248: {  	[sflag:s31] =	ssyncset.done $0x0  }
0x249: {  	[sflag:s31] =	ssyncadd.s32 $0xFFFF8000  }
0x24a: {  	_ =	swait.ge [sflag:s31], $0x8000  }
0x24b: {  	[sflag:s31] =	ssyncset.done $0x0  }
0x24c: {  	[sflag:s31] =	ssyncadd.s32 $0xFFFF8000  }
0x24d: {  	_ =	swait.ge [sflag:s31], $0x8000  }
0x24e: {  	[sflag:s31] =	ssyncset.done $0x0  }
0x24f: {  	[sflag:s31] =	ssyncadd.s32 $0xFFFF8000  }
0x250: {  	_ =	swait.ge [sflag:s31], $0x8000  }
0x251: {  	[sflag:s31] =	ssyncset.done $0x0  }
0x252: {  	[sflag:s31] =	ssyncadd.s32 $0xFFFF8000  }
0x253: {  	[tilespmem:$0x0] =	vst v9  }
0x254: {  	[tilespmem:$0x10] =	vst v9  }
0x255: {  	[tilespmem:$0x20] =	vst v9  }
0x256: {  	[tilespmem:$0x30] =	vst v9  }
0x257: {  	[tilespmem:s6], [sflag:$0x1] =	stream.indirect_vreg.gather [hbm4b:s2+s3], $0x80, v16, vm0, $0xb8;
	[tilespmem:$0x10080] =	vst v63  }
0x258: {  	s1 =	simm.s32 $0x880  }
0x259: {  	[tilespmem:s1], [sflag:$0x1] =	stream.indirect_vreg.gather [hbm4b:s4+s3], $0x80, v16, vm0, $0xb8;
	[tilespmem:$0x10080] =	vst v63  }
0x25a: {  	s1 =	simm.s32 $0x1080  }
0x25b: {  	[tilespmem:s1], [sflag:$0x1] =	stream.indirect_vreg.gather [hbm4b:s2+s3], $0x80, v17, vm0, $0xb8;
	[tilespmem:$0x10080] =	vst v63  }
0x25c: {  	s1 =	simm.s32 $0x1880  }
0x25d: {  	[tilespmem:s1], [sflag:$0x1] =	stream.indirect_vreg.gather [hbm4b:s4+s3], $0x80, v17, vm0, $0xb8;
	[tilespmem:$0x10080] =	vst v63  }
0x25e: {  	v18 =	vld [tilespmem:$0x10];
	_ =	sdelay $0x4  }
0x25f: {  	v19 =	vshll.u32 v18, $0x2  }
0x260: {  	v18 =	vand.u32 $0x7, v18;
	v19 =	vand.u32 $0xFFFFFFE0, v19  }
0x261: {  	v18 =	vor.u32 v18, v19  }
0x262: {  	v19 =	vperm.xlane v18, v1;
	_ =	sdelay $0x1  }
0x263: {  	v19 =	vadd.s32 v2, v19;
	_ =	sdelay $0x1  }
0x264: {  	v18 =	vperm.xlane v18, v3;
	_ =	sdelay $0x1  }
0x265: {  	s1 =	simm.s32 $0x2080;
	v18 =	vadd.s32 v2, v18  }
0x266: {  	[tilespmem:s1], [sflag:$0x1] =	stream.indirect_vreg.gather [hbm4b:s2+s3], $0x80, v19, vm0, $0xb8;
	[tilespmem:$0x10080] =	vst v63  }
0x267: {  	s1 =	simm.s32 $0x2880  }
0x268: {  	[tilespmem:s1], [sflag:$0x1] =	stream.indirect_vreg.gather [hbm4b:s4+s3], $0x80, v19, vm0, $0xb8;
	[tilespmem:$0x10080] =	vst v63  }
0x269: {  	s1 =	simm.s32 $0x3080  }
0x26a: {  	[tilespmem:s1], [sflag:$0x1] =	stream.indirect_vreg.gather [hbm4b:s2+s3], $0x80, v18, vm0, $0xb8;
	[tilespmem:$0x10080] =	vst v63  }
0x26b: {  	s16 =	simm.s32 $0x3880  }
0x26c: {  	[tilespmem:s16], [sflag:$0x1] =	stream.indirect_vreg.gather [hbm4b:s4+s3], $0x80, v18, vm0, $0xb8;
	[tilespmem:$0x10080] =	vst v63  }
0x26d: {  	v18 =	vld [tilespmem:$0x20];
	_ =	sdelay $0x4  }
0x26e: {  	v19 =	vshll.u32 v18, $0x2  }
0x26f: {  	v18 =	vand.u32 $0x7, v18;
	v19 =	vand.u32 $0xFFFFFFE0, v19  }
0x270: {  	v18 =	vor.u32 v18, v19  }
0x271: {  	v19 =	vperm.xlane v18, v1;
	_ =	sdelay $0x1  }
0x272: {  	v19 =	vadd.s32 v2, v19;
	_ =	sdelay $0x1  }
0x273: {  	v18 =	vperm.xlane v18, v3;
	_ =	sdelay $0x1  }
0x274: {  	s20 =	simm.s32 $0x4080;
	v18 =	vadd.s32 v2, v18  }
0x275: {  	[tilespmem:s20], [sflag:$0x1] =	stream.indirect_vreg.gather [hbm4b:s2+s3], $0x80, v19, vm0, $0xb8;
	[tilespmem:$0x10080] =	vst v63  }
0x276: {  	s21 =	simm.s32 $0x4880  }
0x277: {  	[tilespmem:s21], [sflag:$0x1] =	stream.indirect_vreg.gather [hbm4b:s4+s3], $0x80, v19, vm0, $0xb8;
	[tilespmem:$0x10080] =	vst v63  }
0x278: {  	s1 =	simm.s32 $0x5080  }
0x279: {  	[tilespmem:s1], [sflag:$0x1] =	stream.indirect_vreg.gather [hbm4b:s2+s3], $0x80, v18, vm0, $0xb8;
	[tilespmem:$0x10080] =	vst v63  }
0x27a: {  	s16 =	simm.s32 $0x5880  }
0x27b: {  	[tilespmem:s16], [sflag:$0x1] =	stream.indirect_vreg.gather [hbm4b:s4+s3], $0x80, v18, vm0, $0xb8;
	[tilespmem:$0x10080] =	vst v63  }
0x27c: {  	v18 =	vld [tilespmem:$0x30];
	_ =	sdelay $0x4  }
0x27d: {  	v19 =	vshll.u32 v18, $0x2  }
0x27e: {  	v18 =	vand.u32 $0x7, v18;
	v19 =	vand.u32 $0xFFFFFFE0, v19  }
0x27f: {  	v18 =	vor.u32 v18, v19  }
0x280: {  	v19 =	vperm.xlane v18, v1;
	_ =	sdelay $0x1  }
0x281: {  	v19 =	vadd.s32 v2, v19;
	_ =	sdelay $0x1  }
0x282: {  	v18 =	vperm.xlane v18, v3;
	_ =	sdelay $0x1  }
0x283: {  	s19 =	simm.s32 $0x6080;
	v18 =	vadd.s32 v2, v18  }
0x284: {  	[tilespmem:s19], [sflag:$0x1] =	stream.indirect_vreg.gather [hbm4b:s2+s3], $0x80, v19, vm0, $0xb8;
	[tilespmem:$0x10080] =	vst v63  }
0x285: {  	s20 =	simm.s32 $0x6880  }
0x286: {  	[tilespmem:s20], [sflag:$0x1] =	stream.indirect_vreg.gather [hbm4b:s4+s3], $0x80, v19, vm0, $0xb8;
	[tilespmem:$0x10080] =	vst v63  }
0x287: {  	s21 =	simm.s32 $0x7080  }
0x288: {  	[tilespmem:s21], [sflag:$0x1] =	stream.indirect_vreg.gather [hbm4b:s2+s3], $0x80, v18, vm0, $0xb8;
	[tilespmem:$0x10080] =	vst v63  }
0x289: {  	s17 =	simm.s32 $0x7880  }
0x28a: {  	[tilespmem:s17], [sflag:$0x1] =	stream.indirect_vreg.gather [hbm4b:s4+s3], $0x80, v18, vm0, $0xb8;
	[tilespmem:$0x10080] =	vst v63  }
0x28b: {  	_ =	swait.ge [sflag:s22], $0x8000  }
0x28c: {  	s1 =	sld [smem:$0x7EE]  }
0x28d: {  	[sflag:s22] =	ssyncset.done $0x0  }
0x28e: {  	s16 =	sld [smem:$0x7EF];
	[sflag:s22] =	ssyncadd.s32 $0xFFFF8000  }
0x28f: {  	[hbm4b:s1+s3] =	stream.linear.scatter [tilespmem:s6], [sflag:$0x2], $0x8000, $0x38;
	[tilespmem:$0x10080] =	vst v63  }
0x290: {  	s17 =	sld [smem:$0x7F0]  }
0x291: {  	[hbm4b:s16+s3] =	stream.linear.scatter [tilespmem:s6], [sflag:$0x2], $0x8000, $0x38;
	[tilespmem:$0x10080] =	vst v63  }
0x292: {  	s19 =	sld [smem:$0x7F1]  }
0x293: {  	[hbm4b:s17+s3] =	stream.linear.scatter [tilespmem:s6], [sflag:$0x2], $0x8000, $0x38;
	[tilespmem:$0x10080] =	vst v63  }
0x294: {  	s20 =	sld [smem:$0x7F2]  }
0x295: {  	[hbm4b:s19+s3] =	stream.linear.scatter [tilespmem:s6], [sflag:$0x2], $0x8000, $0x38;
	[tilespmem:$0x10080] =	vst v63  }
0x296: {  	s21 =	sld [smem:$0x7F3]  }
0x297: {  	[hbm4b:s20+s3] =	stream.linear.scatter [tilespmem:s6], [sflag:$0x2], $0x8000, $0x38;
	[tilespmem:$0x10080] =	vst v63  }
0x298: {  	s16 =	sld [smem:$0x7F4]  }
0x299: {  	[hbm4b:s21+s3] =	stream.linear.scatter [tilespmem:s6], [sflag:$0x2], $0x8000, $0x38;
	[tilespmem:$0x10080] =	vst v63  }
0x29a: {  	s17 =	sld [smem:$0x7F5]  }
0x29b: {  	[hbm4b:s16+s3] =	stream.linear.scatter [tilespmem:s6], [sflag:$0x2], $0x8000, $0x38;
	[tilespmem:$0x10080] =	vst v63  }
0x29c: {  	s19 =	sld [smem:$0x7F6]  }
0x29d: {  	[hbm4b:s17+s3] =	stream.linear.scatter [tilespmem:s6], [sflag:$0x2], $0x8000, $0x38;
	[tilespmem:$0x10080] =	vst v63  }
0x29e: {  	s20 =	sld [smem:$0x7F7]  }
0x29f: {  	[hbm4b:s19+s3] =	stream.linear.scatter [tilespmem:s6], [sflag:$0x2], $0x8000, $0x38;
	[tilespmem:$0x10080] =	vst v63  }
0x2a0: {  	s21 =	sld [smem:$0x7F8]  }
0x2a1: {  	[hbm4b:s20+s3] =	stream.linear.scatter [tilespmem:s6], [sflag:$0x2], $0x8000, $0x38;
	[tilespmem:$0x10080] =	vst v63  }
0x2a2: {  	s16 =	sld [smem:$0x7F9]  }
0x2a3: {  	[hbm4b:s21+s3] =	stream.linear.scatter [tilespmem:s6], [sflag:$0x2], $0x8000, $0x38;
	[tilespmem:$0x10080] =	vst v63  }
0x2a4: {  	s17 =	sld [smem:$0x7FA]  }
0x2a5: {  	[hbm4b:s16+s3] =	stream.linear.scatter [tilespmem:s6], [sflag:$0x2], $0x8000, $0x38;
	[tilespmem:$0x10080] =	vst v63  }
0x2a6: {  	s19 =	sld [smem:$0x7FB]  }
0x2a7: {  	[hbm4b:s17+s3] =	stream.linear.scatter [tilespmem:s6], [sflag:$0x2], $0x8000, $0x38;
	[tilespmem:$0x10080] =	vst v63  }
0x2a8: {  	s20 =	sld [smem:$0x7FC]  }
0x2a9: {  	[hbm4b:s19+s3] =	stream.linear.scatter [tilespmem:s6], [sflag:$0x2], $0x8000, $0x38;
	[tilespmem:$0x10080] =	vst v63  }
0x2aa: {  	s21 =	sld [smem:$0x7FD]  }
0x2ab: {  	[hbm4b:s20+s3] =	stream.linear.scatter [tilespmem:s6], [sflag:$0x2], $0x8000, $0x38;
	[tilespmem:$0x10080] =	vst v63  }
0x2ac: {  	_ = 	snop  }
0x2ad: {  	[hbm4b:s21+s3] =	stream.linear.scatter [tilespmem:s6], [sflag:$0x2], $0x8000, $0x38;
	[tilespmem:$0x10080] =	vst v63  }
0x2ae: {  	_ =	swait.ge [sflag:s31], $0x8000  }
0x2af: {  	[sflag:s31] =	ssyncset.done $0x0  }
0x2b0: {  	[sflag:s31] =	ssyncadd.s32 $0xFFFF8000  }
0x2b1: {  	_ =	swait.ge [sflag:s31], $0x8000  }
0x2b2: {  	[sflag:s31] =	ssyncset.done $0x0  }
0x2b3: {  	[sflag:s31] =	ssyncadd.s32 $0xFFFF8000  }
0x2b4: {  	_ =	swait.ge [sflag:s31], $0x8000  }
0x2b5: {  	[sflag:s31] =	ssyncset.done $0x0  }
0x2b6: {  	[sflag:s31] =	ssyncadd.s32 $0xFFFF8000  }
0x2b7: {  	_ =	swait.ge [sflag:s31], $0x8000  }
0x2b8: {  	[sflag:s31] =	ssyncset.done $0x0  }
0x2b9: {  	[sflag:s31] =	ssyncadd.s32 $0xFFFF8000  }
0x2ba: {  	_ =	swait.ge [sflag:s31], $0x8000  }
0x2bb: {  	[sflag:s31] =	ssyncset.done $0x0  }
0x2bc: {  	[sflag:s31] =	ssyncadd.s32 $0xFFFF8000  }
0x2bd: {  	_ =	swait.ge [sflag:s31], $0x8000  }
0x2be: {  	[sflag:s31] =	ssyncset.done $0x0  }
0x2bf: {  	[sflag:s31] =	ssyncadd.s32 $0xFFFF8000  }
0x2c0: {  	_ =	swait.ge [sflag:s31], $0x8000  }
0x2c1: {  	[sflag:s31] =	ssyncset.done $0x0  }
0x2c2: {  	[sflag:s31] =	ssyncadd.s32 $0xFFFF8000  }
0x2c3: {  	_ =	swait.ge [sflag:s31], $0x8000  }
0x2c4: {  	[sflag:s31] =	ssyncset.done $0x0  }
0x2c5: {  	[sflag:s31] =	ssyncadd.s32 $0xFFFF8000  }
0x2c6: {  	_ =	swait.ge [sflag:s31], $0x8000  }
0x2c7: {  	[sflag:s31] =	ssyncset.done $0x0  }
0x2c8: {  	[sflag:s31] =	ssyncadd.s32 $0xFFFF8000  }
0x2c9: {  	_ =	swait.ge [sflag:s31], $0x8000  }
0x2ca: {  	[sflag:s31] =	ssyncset.done $0x0  }
0x2cb: {  	[sflag:s31] =	ssyncadd.s32 $0xFFFF8000  }
0x2cc: {  	_ =	swait.ge [sflag:s31], $0x8000  }
0x2cd: {  	[sflag:s31] =	ssyncset.done $0x0  }
0x2ce: {  	[sflag:s31] =	ssyncadd.s32 $0xFFFF8000  }
0x2cf: {  	_ =	swait.ge [sflag:s31], $0x8000  }
0x2d0: {  	[sflag:s31] =	ssyncset.done $0x0  }
0x2d1: {  	[sflag:s31] =	ssyncadd.s32 $0xFFFF8000  }
0x2d2: {  	_ =	swait.ge [sflag:s31], $0x8000  }
0x2d3: {  	[sflag:s31] =	ssyncset.done $0x0  }
0x2d4: {  	[sflag:s31] =	ssyncadd.s32 $0xFFFF8000  }
0x2d5: {  	_ =	swait.ge [sflag:s31], $0x8000  }
0x2d6: {  	[sflag:s31] =	ssyncset.done $0x0  }
0x2d7: {  	[sflag:s31] =	ssyncadd.s32 $0xFFFF8000  }
0x2d8: {  	_ =	swait.ge [sflag:s31], $0x8000  }
0x2d9: {  	[sflag:s31] =	ssyncset.done $0x0  }
0x2da: {  	[sflag:s31] =	ssyncadd.s32 $0xFFFF8000  }
0x2db: {  	_ =	swait.ge [sflag:s31], $0x8000  }
0x2dc: {  	[sflag:s31] =	ssyncset.done $0x0  }
0x2dd: {  	[sflag:s31] =	ssyncadd.s32 $0xFFFF8000  }
0x2de: {  	_ =	swait.ge [sflag:s31], $0x8000  }
0x2df: {  	[sflag:s31] =	ssyncset.done $0x0  }
0x2e0: {  	[sflag:s31] =	ssyncadd.s32 $0xFFFF8000  }
0x2e1: {  	_ =	swait.ge [sflag:s31], $0x8000  }
0x2e2: {  	[sflag:s31] =	ssyncset.done $0x0  }
0x2e3: {  	[sflag:s31] =	ssyncadd.s32 $0xFFFF8000  }
0x2e4: {  	_ =	swait.ge [sflag:s31], $0x8000  }
0x2e5: {  	[sflag:s31] =	ssyncset.done $0x0  }
0x2e6: {  	[sflag:s31] =	ssyncadd.s32 $0xFFFF8000  }
0x2e7: {  	_ =	swait.ge [sflag:s31], $0x8000  }
0x2e8: {  	[sflag:s31] =	ssyncset.done $0x0  }
0x2e9: {  	[sflag:s31] =	ssyncadd.s32 $0xFFFF8000  }
0x2ea: {  	_ =	swait.ge [sflag:s31], $0x8000  }
0x2eb: {  	[sflag:s31] =	ssyncset.done $0x0  }
0x2ec: {  	[sflag:s31] =	ssyncadd.s32 $0xFFFF8000  }
0x2ed: {  	_ =	swait.ge [sflag:s31], $0x8000  }
0x2ee: {  	[sflag:s31] =	ssyncset.done $0x0  }
0x2ef: {  	[sflag:s31] =	ssyncadd.s32 $0xFFFF8000  }
0x2f0: {  	_ =	swait.ge [sflag:s31], $0x8000  }
0x2f1: {  	[sflag:s31] =	ssyncset.done $0x0  }
0x2f2: {  	[sflag:s31] =	ssyncadd.s32 $0xFFFF8000  }
0x2f3: {  	_ =	swait.ge [sflag:s31], $0x8000  }
0x2f4: {  	[sflag:s31] =	ssyncset.done $0x0  }
0x2f5: {  	[sflag:s31] =	ssyncadd.s32 $0xFFFF8000  }
0x2f6: {  	_ =	swait.ge [sflag:s31], $0x8000  }
0x2f7: {  	[sflag:s31] =	ssyncset.done $0x0  }
0x2f8: {  	[sflag:s31] =	ssyncadd.s32 $0xFFFF8000  }
0x2f9: {  	_ =	swait.ge [sflag:s31], $0x8000  }
0x2fa: {  	[sflag:s31] =	ssyncset.done $0x0  }
0x2fb: {  	[sflag:s31] =	ssyncadd.s32 $0xFFFF8000  }
0x2fc: {  	_ =	swait.ge [sflag:s31], $0x8000  }
0x2fd: {  	[sflag:s31] =	ssyncset.done $0x0  }
0x2fe: {  	[sflag:s31] =	ssyncadd.s32 $0xFFFF8000  }
0x2ff: {  	_ =	swait.ge [sflag:s31], $0x8000  }
0x300: {  	[sflag:s31] =	ssyncset.done $0x0  }
0x301: {  	[sflag:s31] =	ssyncadd.s32 $0xFFFF8000  }
0x302: {  	_ =	swait.ge [sflag:s31], $0x8000  }
0x303: {  	[sflag:s31] =	ssyncset.done $0x0  }
0x304: {  	[sflag:s31] =	ssyncadd.s32 $0xFFFF8000  }
0x305: {  	_ =	swait.ge [sflag:s31], $0x8000  }
0x306: {  	[sflag:s31] =	ssyncset.done $0x0  }
0x307: {  	[sflag:s31] =	ssyncadd.s32 $0xFFFF8000  }
0x308: {  	p0 =	sne.s32 s5, $0x1;
	_ =	swait.ge [sflag:s31], $0x8000  }
.Ltmp0:
0x309: {  	[sflag:s31] =	ssyncset.done $0x0;
	(pc) =	sbr.rel @p0 .LBB2_1-.Ltmp0, $4  }
0x30a: {  	[sflag:s31] =	ssyncadd.s32 $0xFFFF8000  }
0x30b: {  	_ =	swait.ge [sflag:s31], $0x8000  }
0x30c: {  	[sflag:s31] =	ssyncset.done $0x0  }
0x30d: {  	s5 =	sadd.s32 $0xFFFFFFFF, s5;
	[sflag:s31] =	ssyncadd.s32 $0xFFFF8000  }
0x30e: {  	_ =	sfence.sel $0x180000  }
0x30f: {  	[bflag:$0x0] =	sbarrier.arrive $0xFFFF  }
0x310: {  	_ =	strace $0x90000047  }
0x311: {  	s0 =	stileid.u32;
	[bflag:$0x2] =	sbarrier.arrive $0xFFFF  }
0x312: {  	p0 =	sne.s32 s0, $0x0;
	s0 =	rddreg [dreg:$0x2]  }
0x313: {  	s0 =	sadd.s32 @!p0 $0x100000, s0  }
0x314: {  	[sflag:s0] =	ssyncadd.tile.s32 @!p0 $0x1;
	_ =	shalt  }
.Lfunc_end2:
_tile_overlayer_lowered:
.L_overlay_start_2:
0x315: {  	(tag) =	ssettag $0x2  }
0x316: {  	s0 =	rddreg [dreg:$0x0];
	s2 =	stileid.u32  }
0x317: {  	s1 =	rddreg [dreg:$0x1];
	p0 =	sne.s32 s2, $0x0  }
0x318: {  	s3 =	rddreg [dreg:$0x2];
	[bflag:$0x3] =	sbarrier.arrive $0xFFFF;
	s2 =	simm.s32 @!p0 $0x1C03  }
0x319: {  	[timem:s3], [sflag:s2] =	dma.local @!p0 [hbm:s0], s1  }
0x31a: {  	s0 =	simm.s32 @!p0 $0x3  }
0x31b: {  	_ =	swait.ge @!p0 [sflag:s0], s1  }
0x31c: {  	s1 =	ssub.s32 @!p0 $0x0, s1;
	[sflag:s0] =	ssyncset.done @!p0 $0x0  }
0x31d: {  	[sflag:s0] =	ssyncadd.s32 @!p0 s1  }
0x31e: {  	[bflag:$0x3] =	sbarrier.arrive $0xFFFF  }
0x31f: {  	_ =	shalt  }

</sc_bundles>
